<compile_context>
chip_gen: v7x
topology: tpu7x:2x2x1
jax: 0.10.2.dev20260603
libtpu: 0.0.44.dev20260713+nightly
codegen_flags: <defaults>
</compile_context>

<pallas_src>
import functools

import jax
import jax.numpy as jnp
from jax import lax
from jax.experimental import pallas as pl
from jax.experimental.pallas import tpu as pltpu
from jax.experimental.pallas import tpu_sc as plsc

_B, _C, _N, _K = 4, 128, 512, 16
_NC, _NS = 2, 16
_NW = _NC * _NS
_RPW = (_B * _N) // _NW
_LG = _C // 16


def _stage1_body(x_ref, w_ref, bias_ref, cs_ref, y1_ref, y2_ref):
    b = pl.program_id(0)
    x = x_ref[0]
    g = lax.dot_general(x, x, (((0,), (0,)), ((), ())),
                        preferred_element_type=jnp.float32,
                        precision=lax.Precision.HIGHEST)
    n2 = jnp.sum(x * x, axis=0)
    n2r = n2[None, :]
    n2c = n2[:, None]
    dist = n2c + n2r - 2.0 * g

    iota_row = lax.broadcasted_iota(jnp.int32, (1, _N), 1)
    pn2 = lax.bitcast_convert_type(
        (lax.bitcast_convert_type(n2r, jnp.int32) & ~511) | iota_row,
        jnp.float32)

    pk_cols, m_cols = [], []
    for _ in range(_K):
        m = jnp.min(dist, axis=1, keepdims=True)
        sel = dist == m
        pk = jnp.max(jnp.where(sel, pn2, -jnp.inf), axis=1, keepdims=True)
        dist = jnp.where(sel, jnp.inf, dist)
        pk_cols.append(pk)
        m_cols.append(m)

    pki = lax.bitcast_convert_type(jnp.concatenate(pk_cols, axis=1),
                                   jnp.int32)
    idx_mat = pki & 511
    n2j_mat = lax.bitcast_convert_type(pki & ~511, jnp.float32)
    m_mat = jnp.concatenate(m_cols, axis=1)
    cos_mat = ((n2c + n2j_mat - m_mat) * 0.5) * lax.rsqrt(n2c * n2j_mat)

    e256 = ((lax.broadcasted_iota(jnp.int32, (_K, 256), 1) // 16) ==
            lax.broadcasted_iota(jnp.int32, (_K, 256), 0)).astype(jnp.float32)
    jrep = lax.dot_general(
        idx_mat.astype(jnp.float32), e256, (((1,), (0,)), ((), ())),
        preferred_element_type=jnp.float32,
        precision=lax.Precision.HIGHEST).astype(jnp.int32)
    cos_full = lax.dot_general(
        cos_mat, e256, (((1,), (0,)), ((), ())),
        preferred_element_type=jnp.float32,
        precision=lax.Precision.HIGHEST)
    cs_ref[0] = (lax.bitcast_convert_type(cos_full, jnp.int32) & ~511) | jrep

    w = w_ref[...]
    w1 = w[:, :_C]
    w2 = w[:, _C:]
    y1_ref[0] = lax.dot_general(x, w1, (((0,), (1,)), ((), ())),
                                preferred_element_type=jnp.float32,
                                precision=lax.Precision.HIGHEST)
    y2_ref[0] = lax.dot_general(x, w2, (((0,), (1,)), ((), ())),
                                preferred_element_type=jnp.float32,
                                precision=lax.Precision.HIGHEST) + bias_ref[...]


def _stage1(x, w, bias):
    return pl.pallas_call(
        _stage1_body,
        grid=(_B,),
        in_specs=[
            pl.BlockSpec((1, _C, _N), lambda i: (i, 0, 0)),
            pl.BlockSpec((_C, 2 * _C), lambda i: (0, 0)),
            pl.BlockSpec((1, _C), lambda i: (0, 0)),
        ],
        out_specs=[
            pl.BlockSpec((1, _N, 256), lambda i: (i, 0, 0)),
            pl.BlockSpec((1, _N, _C), lambda i: (i, 0, 0)),
            pl.BlockSpec((1, _N, _C), lambda i: (i, 0, 0)),
        ],
        out_shape=[
            jax.ShapeDtypeStruct((_B, _N, 256), jnp.int32),
            jax.ShapeDtypeStruct((_B, _N, _C), jnp.float32),
            jax.ShapeDtypeStruct((_B, _N, _C), jnp.float32),
        ],
    )(x, w, bias)


_WPB = _NW // _B


def _stage2_body(y1_hbm, y2_hbm, cs_hbm, out_hbm,
                 table_v, cs_v, y2_v, out_v, semt):
    wid = lax.axis_index("s") * _NC + lax.axis_index("c")
    base = wid * _RPW
    batch = wid // _WPB
    tcopy = pltpu.async_copy(y1_hbm.at[pl.ds(batch * _N * _C, _N * _C)],
                             table_v, semt)
    pltpu.sync_copy(cs_hbm.at[pl.ds(base, _RPW)], cs_v)
    pltpu.sync_copy(y2_hbm.at[pl.ds(base, _RPW)], y2_v)
    tcopy.wait()

    u16 = lax.iota(jnp.int32, 16)

    @plsc.parallel_loop(0, _RPW, unroll=2)
    def row_body(r):
        bits = [cs_v[r, pl.ds(k * 16, 16)] for k in range(_K)]
        cks = [lax.bitcast_convert_type(bk & ~511, jnp.float32)
               for bk in bits]
        bvs = [((bk & 511) << 7) + u16 for bk in bits]
        for g in range(_LG):
            sl = pl.ds(g * 16, 16)
            y2g = y2_v[r, sl]
            acc = None
            for k in range(_K):
                val = plsc.load_gather(table_v, [bvs[k] + (g * 16)])
                v = (val + y2g) * cks[k]
                acc = v if acc is None else jnp.maximum(acc, v)
            out_v[r, sl] = acc

    pltpu.sync_copy(out_v, out_hbm.at[pl.ds(base, _RPW)])


@functools.lru_cache(maxsize=1)
def _make_stage2():
    mesh = plsc.VectorSubcoreMesh(
        core_axis_name="c", subcore_axis_name="s",
        num_cores=_NC, num_subcores=_NS)
    return pl.kernel(
        _stage2_body,
        mesh=mesh,
        compiler_params=pltpu.CompilerParams(needs_layout_passes=False),
        out_type=jax.ShapeDtypeStruct((_B * _N, _C), jnp.float32),
        scratch_types=[
            pltpu.VMEM((_N * _C,), jnp.float32),
            pltpu.VMEM((_RPW, 256), jnp.int32),
            pltpu.VMEM((_RPW, _C), jnp.float32),
            pltpu.VMEM((_RPW, _C), jnp.float32),
            pltpu.SemaphoreType.DMA,
        ],
    )


def kernel(x, W, b):
    cs, y1, y2 = _stage1(x, W, b[None, :])
    _stage2 = _make_stage2()
    out_flat = _stage2(
        y1.reshape(_B * _N * _C),
        y2.reshape(_B * _N, _C),
        cs.reshape(_B * _N, 256),
    )
    return jnp.transpose(out_flat.reshape(_B, _N, _C), (0, 2, 1))

# --- scband reference (transcript-rebuilt; emitter-appended) ---
"""Pipeline reference for scband-neigh-conv-37649683316960 (READ-ONLY COPY).

The authoritative reference and input builder live on the scoring server;
editing this copy changes nothing except your own understanding.
"""

import jax, jax.numpy as jnp
import numpy as np

B, C, N = 4, 128, 512
K = 16

def setup_inputs(seed: int = 0) -> dict:
    key = jax.random.key(seed)
    k1, k2, k3 = jax.random.split(key, 3)
    x = jax.random.normal(k1, (B, C, N), dtype=jnp.float32)
    # nn.Linear(feat_channels*2, feat_channels): weight [C, 2C], bias [C]
    W = jax.random.normal(k2, (C, 2 * C), dtype=jnp.float32) * (1.0 / np.sqrt(2 * C))
    b = jax.random.normal(k3, (C,), dtype=jnp.float32) * (1.0 / np.sqrt(2 * C))
    return {"x": x, "W": W, "b": b}

def _knn_flat_idx(x, k):
    # x: [B, C, N]; pairwise squared distances [B, N, N] via broadcast (faithful to torch)
    dif = jnp.sum((x[:, :, None, :] - x[:, :, :, None]) ** 2, axis=1)
    _, idx = jax.lax.top_k(-dif, k)  # smallest-k == topk(largest=False)
    bs = x.shape[0]
    n = x.shape[2]
    shift = (jnp.arange(bs, dtype=idx.dtype) * n)[:, None, None]
    return (idx + shift).reshape(-1)

def reference(x, W, b):
    bs, c, n = x.shape
    k = K
    neigh_idx = _knn_flat_idx(x, k)  # [bs*n*k]
    feat_prop = jnp.transpose(x, (0, 2, 1)).reshape(-1, c)  # [bs*n, c]
    feat_neigh = jnp.take(feat_prop, neigh_idx, axis=0)  # gather
    f_neigh_temp = feat_neigh.reshape(-1, k, c)
    # nfeat_mode == 'feat_ctr'
    ctr = jnp.broadcast_to(feat_prop[:, None, :], (feat_prop.shape[0], k, c))
    feat_cat = jnp.concatenate([f_neigh_temp, ctr], axis=-1)  # [M, k, 2c]
    feat_out = feat_cat @ W.T + b  # mlp
    # edge_weight == 'true': cosine similarity weighting
    weight = jnp.matmul(f_neigh_temp, feat_prop[:, :, None])  # [M, k, 1]
    d1 = jnp.sqrt(jnp.sum(f_neigh_temp * f_neigh_temp, axis=2, keepdims=True))  # [M, k, 1]
    d2 = jnp.sqrt(jnp.sum(feat_prop[:, :, None] * feat_prop[:, :, None], axis=1, keepdims=True))  # [M, 1, 1]
    weight = (weight / jnp.matmul(d1, d2))[..., 0]  # [M, k]
    feat_out = feat_out * weight[:, :, None]
    # agg_type == 'max'
    feat_out = jnp.max(feat_out, axis=1)  # [M, c]
    return jnp.transpose(feat_out.reshape(bs, n, c), (0, 2, 1))

if __name__ == "__main__":
    import jax
    _d = setup_inputs()
    print(jax.jit(kernel)(*tuple(_d.values())))

</pallas_src>

<mosaic_0001>
#map = affine_map<(d0, d1) -> (0)>
#map1 = affine_map<(d0, d1) -> (0, 0)>
module attributes {stable_mosaic.version = 14 : i64} {
  func.func @_stage2_body(%arg0: i32, %arg1: i32, %arg2: memref<262144xf32, #tpu.memory_space<hbm>>, %arg3: memref<2048x128xf32, #tpu.memory_space<hbm>>, %arg4: memref<2048x256xi32, #tpu.memory_space<hbm>>, %arg5: memref<2048x128xf32, #tpu.memory_space<hbm>>, %arg6: memref<65536xf32, #tpu.memory_space<vmem>>, %arg7: memref<64x256xi32, #tpu.memory_space<vmem>>, %arg8: memref<64x128xf32, #tpu.memory_space<vmem>>, %arg9: memref<64x128xf32, #tpu.memory_space<vmem>>, %arg10: memref<!tpu.dma_semaphore, #tpu.memory_space<semaphore_mem>>) attributes {dimension_semantics = [#tpu.dimension_semantics<core_parallel>, #tpu.dimension_semantics<subcore_parallel>], iteration_bounds = array<i64: 2, 16>, scalar_prefetch = 0 : i64, scratch_operands = 5 : i64, tpu.core_type = #tpu.core_type<sc_vector_subcore>, window_params = [{transform_indices = #map}, {transform_indices = #map1}, {transform_indices = #map1}, {transform_indices = #map1}]} {
    %mul3A = arith.constant 2 : i32
    %mul3A_0 = arith.muli %arg1, %mul3A : i32
    %add3A = arith.addi %mul3A_0, %arg0 : i32
    %mul3A_1 = arith.constant 64 : i32
    %mul3A_2 = arith.muli %add3A, %mul3A_1 : i32
    %jit3A = arith.constant 8 : i32
    %div3A = arith.divsi %add3A, %jit3A : i32
    %sign3A = arith.constant 0 : i32
    %sign3A_3 = arith.cmpi sgt, %add3A, %sign3A : i32
    %sign3A_4 = arith.extui %sign3A_3 : i1 to i32
    %sign3A_5 = arith.constant 0 : i32
    %sign3A_6 = arith.cmpi slt, %add3A, %sign3A_5 : i32
    %sign3A_7 = arith.extui %sign3A_6 : i1 to i32
    %sign3A_8 = arith.subi %sign3A_4, %sign3A_7 : i32
    %sign3A_9 = arith.constant 0 : i32
    %sign3A_10 = arith.cmpi sgt, %jit3A, %sign3A_9 : i32
    %sign3A_11 = arith.extui %sign3A_10 : i1 to i32
    %sign3A_12 = arith.constant 0 : i32
    %sign3A_13 = arith.cmpi slt, %jit3A, %sign3A_12 : i32
    %sign3A_14 = arith.extui %sign3A_13 : i1 to i32
    %sign3A_15 = arith.subi %sign3A_11, %sign3A_14 : i32
    %ne3A = arith.cmpi ne, %sign3A_8, %sign3A_15 : i32
    %rem3A = arith.remsi %add3A, %jit3A : i32
    %ne3A_16 = arith.constant 0 : i32
    %ne3A_17 = arith.cmpi ne, %rem3A, %ne3A_16 : i32
    %and3A = arith.andi %ne3A, %ne3A_17 : i1
    %sub3A = arith.constant 1 : i32
    %sub3A_18 = arith.subi %div3A, %sub3A : i32
    %select_n3A = arith.select %and3A, %sub3A_18, %div3A : i32
    %mul3A_19 = arith.constant 512 : i32
    %mul3A_20 = arith.muli %select_n3A, %mul3A_19 : i32
    %mul3A_21 = arith.constant 128 : i32
    %mul3A_22 = arith.muli %mul3A_20, %mul3A_21 : i32
    %dma_start3A = tpu.memref_slice %arg2[%mul3A_22] : memref<262144xf32, #tpu.memory_space<hbm>> -> memref<65536xf32, #tpu.memory_space<hbm>>
    %dma_start3A_23 = tpu.memref_slice %arg2[%mul3A_22] : memref<262144xf32, #tpu.memory_space<hbm>> -> memref<65536xf32, #tpu.memory_space<hbm>>
    tpu.enqueue_dma source(%dma_start3A_23 : memref<65536xf32, #tpu.memory_space<hbm>>) target(%arg6 : memref<65536xf32, #tpu.memory_space<vmem>>) target_semaphore(%arg10 : memref<!tpu.dma_semaphore, #tpu.memory_space<semaphore_mem>>)
    "tpu.region"() ({
      %run_scoped3A = tpu.sem_alloc : memref<!tpu.dma_semaphore, #tpu.memory_space<semaphore_mem>>
      %dma_start3A_27 = arith.constant 0 : i32
      %dma_start3A_28 = tpu.memref_slice %arg4[%mul3A_2, %dma_start3A_27] : memref<2048x256xi32, #tpu.memory_space<hbm>> -> memref<64x256xi32, #tpu.memory_space<hbm>>
      %dma_start3A_29 = arith.constant 0 : i32
      %dma_start3A_30 = tpu.memref_slice %arg4[%mul3A_2, %dma_start3A_29] : memref<2048x256xi32, #tpu.memory_space<hbm>> -> memref<64x256xi32, #tpu.memory_space<hbm>>
      tpu.enqueue_dma source(%dma_start3A_30 : memref<64x256xi32, #tpu.memory_space<hbm>>) target(%arg7 : memref<64x256xi32, #tpu.memory_space<vmem>>) target_semaphore(%run_scoped3A : memref<!tpu.dma_semaphore, #tpu.memory_space<semaphore_mem>>)
      %dma_wait3A_31 = arith.constant 0 : i32
      %dma_wait3A_32 = tpu.memref_slice %arg4[%mul3A_2, %dma_wait3A_31] : memref<2048x256xi32, #tpu.memory_space<hbm>> -> memref<64x256xi32, #tpu.memory_space<hbm>>
      %dma_wait3A_33 = arith.constant 0 : i32
      %dma_wait3A_34 = tpu.memref_slice %arg4[%mul3A_2, %dma_wait3A_33] : memref<2048x256xi32, #tpu.memory_space<hbm>> -> memref<64x256xi32, #tpu.memory_space<hbm>>
      tpu.wait_dma2 semaphore(%run_scoped3A : memref<!tpu.dma_semaphore, #tpu.memory_space<semaphore_mem>>) src(%dma_wait3A_34 : memref<64x256xi32, #tpu.memory_space<hbm>>) dst(%arg7 : memref<64x256xi32, #tpu.memory_space<vmem>>)
      tpu.yield
    }) : () -> ()
    "tpu.region"() ({
      %run_scoped3A = tpu.sem_alloc : memref<!tpu.dma_semaphore, #tpu.memory_space<semaphore_mem>>
      %dma_start3A_27 = arith.constant 0 : i32
      %dma_start3A_28 = tpu.memref_slice %arg3[%mul3A_2, %dma_start3A_27] : memref<2048x128xf32, #tpu.memory_space<hbm>> -> memref<64x128xf32, #tpu.memory_space<hbm>>
      %dma_start3A_29 = arith.constant 0 : i32
      %dma_start3A_30 = tpu.memref_slice %arg3[%mul3A_2, %dma_start3A_29] : memref<2048x128xf32, #tpu.memory_space<hbm>> -> memref<64x128xf32, #tpu.memory_space<hbm>>
      tpu.enqueue_dma source(%dma_start3A_30 : memref<64x128xf32, #tpu.memory_space<hbm>>) target(%arg8 : memref<64x128xf32, #tpu.memory_space<vmem>>) target_semaphore(%run_scoped3A : memref<!tpu.dma_semaphore, #tpu.memory_space<semaphore_mem>>)
      %dma_wait3A_31 = arith.constant 0 : i32
      %dma_wait3A_32 = tpu.memref_slice %arg3[%mul3A_2, %dma_wait3A_31] : memref<2048x128xf32, #tpu.memory_space<hbm>> -> memref<64x128xf32, #tpu.memory_space<hbm>>
      %dma_wait3A_33 = arith.constant 0 : i32
      %dma_wait3A_34 = tpu.memref_slice %arg3[%mul3A_2, %dma_wait3A_33] : memref<2048x128xf32, #tpu.memory_space<hbm>> -> memref<64x128xf32, #tpu.memory_space<hbm>>
      tpu.wait_dma2 semaphore(%run_scoped3A : memref<!tpu.dma_semaphore, #tpu.memory_space<semaphore_mem>>) src(%dma_wait3A_34 : memref<64x128xf32, #tpu.memory_space<hbm>>) dst(%arg8 : memref<64x128xf32, #tpu.memory_space<vmem>>)
      tpu.yield
    }) : () -> ()
    %dma_wait3A = tpu.memref_slice %arg2[%mul3A_22] : memref<262144xf32, #tpu.memory_space<hbm>> -> memref<65536xf32, #tpu.memory_space<hbm>>
    %dma_wait3A_24 = tpu.memref_slice %arg2[%mul3A_22] : memref<262144xf32, #tpu.memory_space<hbm>> -> memref<65536xf32, #tpu.memory_space<hbm>>
    tpu.wait_dma2 semaphore(%arg10 : memref<!tpu.dma_semaphore, #tpu.memory_space<semaphore_mem>>) src(%dma_wait3A_24 : memref<65536xf32, #tpu.memory_space<hbm>>) dst(%arg6 : memref<65536xf32, #tpu.memory_space<vmem>>)
    %iota3A = tpu.iota {dimensions = array<i32: 0>} : vector<16xi32>
    %parallel_loop3A = arith.constant 0 : i32
    %parallel_loop3A_25 = arith.constant 64 : i32
    %parallel_loop3A_26 = arith.constant 1 : i32
    scf.for %parallel_loop3A_27 = %parallel_loop3A to %parallel_loop3A_25 step %parallel_loop3A_26  : i32 {
      %parallel_loop3A_28 = arith.index_cast %parallel_loop3A_27 : i32 to index
      %parallel_loop3A_29 = arith.constant 0 : index
      %parallel_loop3A_30 = tpu.vector_load %arg7[%parallel_loop3A_28, %parallel_loop3A_29] {strides = array<i32>} : memref<64x256xi32, #tpu.memory_space<vmem>>, vector<16xi32>,
      %parallel_loop3A_31 = arith.index_cast %parallel_loop3A_27 : i32 to index
      %parallel_loop3A_32 = arith.constant 16 : index
      %parallel_loop3A_33 = tpu.vector_load %arg7[%parallel_loop3A_31, %parallel_loop3A_32] {strides = array<i32>} : memref<64x256xi32, #tpu.memory_space<vmem>>, vector<16xi32>,
      %parallel_loop3A_34 = arith.index_cast %parallel_loop3A_27 : i32 to index
      %parallel_loop3A_35 = arith.constant 32 : index
      %parallel_loop3A_36 = tpu.vector_load %arg7[%parallel_loop3A_34, %parallel_loop3A_35] {strides = array<i32>} : memref<64x256xi32, #tpu.memory_space<vmem>>, vector<16xi32>,
      %parallel_loop3A_37 = arith.index_cast %parallel_loop3A_27 : i32 to index
      %parallel_loop3A_38 = arith.constant 48 : index
      %parallel_loop3A_39 = tpu.vector_load %arg7[%parallel_loop3A_37, %parallel_loop3A_38] {strides = array<i32>} : memref<64x256xi32, #tpu.memory_space<vmem>>, vector<16xi32>,
      %parallel_loop3A_40 = arith.index_cast %parallel_loop3A_27 : i32 to index
      %parallel_loop3A_41 = arith.constant 64 : index
      %parallel_loop3A_42 = tpu.vector_load %arg7[%parallel_loop3A_40, %parallel_loop3A_41] {strides = array<i32>} : memref<64x256xi32, #tpu.memory_space<vmem>>, vector<16xi32>,
      %parallel_loop3A_43 = arith.index_cast %parallel_loop3A_27 : i32 to index
      %parallel_loop3A_44 = arith.constant 80 : index
      %parallel_loop3A_45 = tpu.vector_load %arg7[%parallel_loop3A_43, %parallel_loop3A_44] {strides = array<i32>} : memref<64x256xi32, #tpu.memory_space<vmem>>, vector<16xi32>,
      %parallel_loop3A_46 = arith.index_cast %parallel_loop3A_27 : i32 to index
      %parallel_loop3A_47 = arith.constant 96 : index
      %parallel_loop3A_48 = tpu.vector_load %arg7[%parallel_loop3A_46, %parallel_loop3A_47] {strides = array<i32>} : memref<64x256xi32, #tpu.memory_space<vmem>>, vector<16xi32>,
      %parallel_loop3A_49 = arith.index_cast %parallel_loop3A_27 : i32 to index
      %parallel_loop3A_50 = arith.constant 112 : index
      %parallel_loop3A_51 = tpu.vector_load %arg7[%parallel_loop3A_49, %parallel_loop3A_50] {strides = array<i32>} : memref<64x256xi32, #tpu.memory_space<vmem>>, vector<16xi32>,
      %parallel_loop3A_52 = arith.index_cast %parallel_loop3A_27 : i32 to index
      %parallel_loop3A_53 = arith.constant 128 : index
      %parallel_loop3A_54 = tpu.vector_load %arg7[%parallel_loop3A_52, %parallel_loop3A_53] {strides = array<i32>} : memref<64x256xi32, #tpu.memory_space<vmem>>, vector<16xi32>,
      %parallel_loop3A_55 = arith.index_cast %parallel_loop3A_27 : i32 to index
      %parallel_loop3A_56 = arith.constant 144 : index
      %parallel_loop3A_57 = tpu.vector_load %arg7[%parallel_loop3A_55, %parallel_loop3A_56] {strides = array<i32>} : memref<64x256xi32, #tpu.memory_space<vmem>>, vector<16xi32>,
      %parallel_loop3A_58 = arith.index_cast %parallel_loop3A_27 : i32 to index
      %parallel_loop3A_59 = arith.constant 160 : index
      %parallel_loop3A_60 = tpu.vector_load %arg7[%parallel_loop3A_58, %parallel_loop3A_59] {strides = array<i32>} : memref<64x256xi32, #tpu.memory_space<vmem>>, vector<16xi32>,
      %parallel_loop3A_61 = arith.index_cast %parallel_loop3A_27 : i32 to index
      %parallel_loop3A_62 = arith.constant 176 : index
      %parallel_loop3A_63 = tpu.vector_load %arg7[%parallel_loop3A_61, %parallel_loop3A_62] {strides = array<i32>} : memref<64x256xi32, #tpu.memory_space<vmem>>, vector<16xi32>,
      %parallel_loop3A_64 = arith.index_cast %parallel_loop3A_27 : i32 to index
      %parallel_loop3A_65 = arith.constant 192 : index
      %parallel_loop3A_66 = tpu.vector_load %arg7[%parallel_loop3A_64, %parallel_loop3A_65] {strides = array<i32>} : memref<64x256xi32, #tpu.memory_space<vmem>>, vector<16xi32>,
      %parallel_loop3A_67 = arith.index_cast %parallel_loop3A_27 : i32 to index
      %parallel_loop3A_68 = arith.constant 208 : index
      %parallel_loop3A_69 = tpu.vector_load %arg7[%parallel_loop3A_67, %parallel_loop3A_68] {strides = array<i32>} : memref<64x256xi32, #tpu.memory_space<vmem>>, vector<16xi32>,
      %parallel_loop3A_70 = arith.index_cast %parallel_loop3A_27 : i32 to index
      %parallel_loop3A_71 = arith.constant 224 : index
      %parallel_loop3A_72 = tpu.vector_load %arg7[%parallel_loop3A_70, %parallel_loop3A_71] {strides = array<i32>} : memref<64x256xi32, #tpu.memory_space<vmem>>, vector<16xi32>,
      %parallel_loop3A_73 = arith.index_cast %parallel_loop3A_27 : i32 to index
      %parallel_loop3A_74 = arith.constant 240 : index
      %parallel_loop3A_75 = tpu.vector_load %arg7[%parallel_loop3A_73, %parallel_loop3A_74] {strides = array<i32>} : memref<64x256xi32, #tpu.memory_space<vmem>>, vector<16xi32>,
      %parallel_loop3A_76 = arith.constant -512 : i32
      %parallel_loop3A_77 = vector.broadcast %parallel_loop3A_76 : i32 to vector<16xi32>
      %parallel_loop3A_78 = arith.andi %parallel_loop3A_30, %parallel_loop3A_77 : vector<16xi32>
      %parallel_loop3A_79 = tpu.bitcast %parallel_loop3A_78 : vector<16xi32> -> vector<16xf32>
      %parallel_loop3A_80 = arith.constant -512 : i32
      %parallel_loop3A_81 = vector.broadcast %parallel_loop3A_80 : i32 to vector<16xi32>
      %parallel_loop3A_82 = arith.andi %parallel_loop3A_33, %parallel_loop3A_81 : vector<16xi32>
      %parallel_loop3A_83 = tpu.bitcast %parallel_loop3A_82 : vector<16xi32> -> vector<16xf32>
      %parallel_loop3A_84 = arith.constant -512 : i32
      %parallel_loop3A_85 = vector.broadcast %parallel_loop3A_84 : i32 to vector<16xi32>
      %parallel_loop3A_86 = arith.andi %parallel_loop3A_36, %parallel_loop3A_85 : vector<16xi32>
      %parallel_loop3A_87 = tpu.bitcast %parallel_loop3A_86 : vector<16xi32> -> vector<16xf32>
      %parallel_loop3A_88 = arith.constant -512 : i32
      %parallel_loop3A_89 = vector.broadcast %parallel_loop3A_88 : i32 to vector<16xi32>
      %parallel_loop3A_90 = arith.andi %parallel_loop3A_39, %parallel_loop3A_89 : vector<16xi32>
      %parallel_loop3A_91 = tpu.bitcast %parallel_loop3A_90 : vector<16xi32> -> vector<16xf32>
      %parallel_loop3A_92 = arith.constant -512 : i32
      %parallel_loop3A_93 = vector.broadcast %parallel_loop3A_92 : i32 to vector<16xi32>
      %parallel_loop3A_94 = arith.andi %parallel_loop3A_42, %parallel_loop3A_93 : vector<16xi32>
      %parallel_loop3A_95 = tpu.bitcast %parallel_loop3A_94 : vector<16xi32> -> vector<16xf32>
      %parallel_loop3A_96 = arith.constant -512 : i32
      %parallel_loop3A_97 = vector.broadcast %parallel_loop3A_96 : i32 to vector<16xi32>
      %parallel_loop3A_98 = arith.andi %parallel_loop3A_45, %parallel_loop3A_97 : vector<16xi32>
      %parallel_loop3A_99 = tpu.bitcast %parallel_loop3A_98 : vector<16xi32> -> vector<16xf32>
      %parallel_loop3A_100 = arith.constant -512 : i32
      %parallel_loop3A_101 = vector.broadcast %parallel_loop3A_100 : i32 to vector<16xi32>
      %parallel_loop3A_102 = arith.andi %parallel_loop3A_48, %parallel_loop3A_101 : vector<16xi32>
      %parallel_loop3A_103 = tpu.bitcast %parallel_loop3A_102 : vector<16xi32> -> vector<16xf32>
      %parallel_loop3A_104 = arith.constant -512 : i32
      %parallel_loop3A_105 = vector.broadcast %parallel_loop3A_104 : i32 to vector<16xi32>
      %parallel_loop3A_106 = arith.andi %parallel_loop3A_51, %parallel_loop3A_105 : vector<16xi32>
      %parallel_loop3A_107 = tpu.bitcast %parallel_loop3A_106 : vector<16xi32> -> vector<16xf32>
      %parallel_loop3A_108 = arith.constant -512 : i32
      %parallel_loop3A_109 = vector.broadcast %parallel_loop3A_108 : i32 to vector<16xi32>
      %parallel_loop3A_110 = arith.andi %parallel_loop3A_54, %parallel_loop3A_109 : vector<16xi32>
      %parallel_loop3A_111 = tpu.bitcast %parallel_loop3A_110 : vector<16xi32> -> vector<16xf32>
      %parallel_loop3A_112 = arith.constant -512 : i32
      %parallel_loop3A_113 = vector.broadcast %parallel_loop3A_112 : i32 to vector<16xi32>
      %parallel_loop3A_114 = arith.andi %parallel_loop3A_57, %parallel_loop3A_113 : vector<16xi32>
      %parallel_loop3A_115 = tpu.bitcast %parallel_loop3A_114 : vector<16xi32> -> vector<16xf32>
      %parallel_loop3A_116 = arith.constant -512 : i32
      %parallel_loop3A_117 = vector.broadcast %parallel_loop3A_116 : i32 to vector<16xi32>
      %parallel_loop3A_118 = arith.andi %parallel_loop3A_60, %parallel_loop3A_117 : vector<16xi32>
      %parallel_loop3A_119 = tpu.bitcast %parallel_loop3A_118 : vector<16xi32> -> vector<16xf32>
      %parallel_loop3A_120 = arith.constant -512 : i32
      %parallel_loop3A_121 = vector.broadcast %parallel_loop3A_120 : i32 to vector<16xi32>
      %parallel_loop3A_122 = arith.andi %parallel_loop3A_63, %parallel_loop3A_121 : vector<16xi32>
      %parallel_loop3A_123 = tpu.bitcast %parallel_loop3A_122 : vector<16xi32> -> vector<16xf32>
      %parallel_loop3A_124 = arith.constant -512 : i32
      %parallel_loop3A_125 = vector.broadcast %parallel_loop3A_124 : i32 to vector<16xi32>
      %parallel_loop3A_126 = arith.andi %parallel_loop3A_66, %parallel_loop3A_125 : vector<16xi32>
      %parallel_loop3A_127 = tpu.bitcast %parallel_loop3A_126 : vector<16xi32> -> vector<16xf32>
      %parallel_loop3A_128 = arith.constant -512 : i32
      %parallel_loop3A_129 = vector.broadcast %parallel_loop3A_128 : i32 to vector<16xi32>
      %parallel_loop3A_130 = arith.andi %parallel_loop3A_69, %parallel_loop3A_129 : vector<16xi32>
      %parallel_loop3A_131 = tpu.bitcast %parallel_loop3A_130 : vector<16xi32> -> vector<16xf32>
      %parallel_loop3A_132 = arith.constant -512 : i32
      %parallel_loop3A_133 = vector.broadcast %parallel_loop3A_132 : i32 to vector<16xi32>
      %parallel_loop3A_134 = arith.andi %parallel_loop3A_72, %parallel_loop3A_133 : vector<16xi32>
      %parallel_loop3A_135 = tpu.bitcast %parallel_loop3A_134 : vector<16xi32> -> vector<16xf32>
      %parallel_loop3A_136 = arith.constant -512 : i32
      %parallel_loop3A_137 = vector.broadcast %parallel_loop3A_136 : i32 to vector<16xi32>
      %parallel_loop3A_138 = arith.andi %parallel_loop3A_75, %parallel_loop3A_137 : vector<16xi32>
      %parallel_loop3A_139 = tpu.bitcast %parallel_loop3A_138 : vector<16xi32> -> vector<16xf32>
      %parallel_loop3A_140 = arith.constant 511 : i32
      %parallel_loop3A_141 = vector.broadcast %parallel_loop3A_140 : i32 to vector<16xi32>
      %parallel_loop3A_142 = arith.andi %parallel_loop3A_30, %parallel_loop3A_141 : vector<16xi32>
      %parallel_loop3A_143 = arith.constant 7 : i32
      %parallel_loop3A_144 = vector.broadcast %parallel_loop3A_143 : i32 to vector<16xi32>
      %parallel_loop3A_145 = arith.shli %parallel_loop3A_142, %parallel_loop3A_144 : vector<16xi32>
      %parallel_loop3A_146 = arith.addi %parallel_loop3A_145, %iota3A : vector<16xi32>
      %parallel_loop3A_147 = arith.constant 511 : i32
      %parallel_loop3A_148 = vector.broadcast %parallel_loop3A_147 : i32 to vector<16xi32>
      %parallel_loop3A_149 = arith.andi %parallel_loop3A_33, %parallel_loop3A_148 : vector<16xi32>
      %parallel_loop3A_150 = arith.constant 7 : i32
      %parallel_loop3A_151 = vector.broadcast %parallel_loop3A_150 : i32 to vector<16xi32>
      %parallel_loop3A_152 = arith.shli %parallel_loop3A_149, %parallel_loop3A_151 : vector<16xi32>
      %parallel_loop3A_153 = arith.addi %parallel_loop3A_152, %iota3A : vector<16xi32>
      %parallel_loop3A_154 = arith.constant 511 : i32
      %parallel_loop3A_155 = vector.broadcast %parallel_loop3A_154 : i32 to vector<16xi32>
      %parallel_loop3A_156 = arith.andi %parallel_loop3A_36, %parallel_loop3A_155 : vector<16xi32>
      %parallel_loop3A_157 = arith.constant 7 : i32
      %parallel_loop3A_158 = vector.broadcast %parallel_loop3A_157 : i32 to vector<16xi32>
      %parallel_loop3A_159 = arith.shli %parallel_loop3A_156, %parallel_loop3A_158 : vector<16xi32>
      %parallel_loop3A_160 = arith.addi %parallel_loop3A_159, %iota3A : vector<16xi32>
      %parallel_loop3A_161 = arith.constant 511 : i32
      %parallel_loop3A_162 = vector.broadcast %parallel_loop3A_161 : i32 to vector<16xi32>
      %parallel_loop3A_163 = arith.andi %parallel_loop3A_39, %parallel_loop3A_162 : vector<16xi32>
      %parallel_loop3A_164 = arith.constant 7 : i32
      %parallel_loop3A_165 = vector.broadcast %parallel_loop3A_164 : i32 to vector<16xi32>
      %parallel_loop3A_166 = arith.shli %parallel_loop3A_163, %parallel_loop3A_165 : vector<16xi32>
      %parallel_loop3A_167 = arith.addi %parallel_loop3A_166, %iota3A : vector<16xi32>
      %parallel_loop3A_168 = arith.constant 511 : i32
      %parallel_loop3A_169 = vector.broadcast %parallel_loop3A_168 : i32 to vector<16xi32>
      %parallel_loop3A_170 = arith.andi %parallel_loop3A_42, %parallel_loop3A_169 : vector<16xi32>
      %parallel_loop3A_171 = arith.constant 7 : i32
      %parallel_loop3A_172 = vector.broadcast %parallel_loop3A_171 : i32 to vector<16xi32>
      %parallel_loop3A_173 = arith.shli %parallel_loop3A_170, %parallel_loop3A_172 : vector<16xi32>
      %parallel_loop3A_174 = arith.addi %parallel_loop3A_173, %iota3A : vector<16xi32>
      %parallel_loop3A_175 = arith.constant 511 : i32
      %parallel_loop3A_176 = vector.broadcast %parallel_loop3A_175 : i32 to vector<16xi32>
      %parallel_loop3A_177 = arith.andi %parallel_loop3A_45, %parallel_loop3A_176 : vector<16xi32>
      %parallel_loop3A_178 = arith.constant 7 : i32
      %parallel_loop3A_179 = vector.broadcast %parallel_loop3A_178 : i32 to vector<16xi32>
      %parallel_loop3A_180 = arith.shli %parallel_loop3A_177, %parallel_loop3A_179 : vector<16xi32>
      %parallel_loop3A_181 = arith.addi %parallel_loop3A_180, %iota3A : vector<16xi32>
      %parallel_loop3A_182 = arith.constant 511 : i32
      %parallel_loop3A_183 = vector.broadcast %parallel_loop3A_182 : i32 to vector<16xi32>
      %parallel_loop3A_184 = arith.andi %parallel_loop3A_48, %parallel_loop3A_183 : vector<16xi32>
      %parallel_loop3A_185 = arith.constant 7 : i32
      %parallel_loop3A_186 = vector.broadcast %parallel_loop3A_185 : i32 to vector<16xi32>
      %parallel_loop3A_187 = arith.shli %parallel_loop3A_184, %parallel_loop3A_186 : vector<16xi32>
      %parallel_loop3A_188 = arith.addi %parallel_loop3A_187, %iota3A : vector<16xi32>
      %parallel_loop3A_189 = arith.constant 511 : i32
      %parallel_loop3A_190 = vector.broadcast %parallel_loop3A_189 : i32 to vector<16xi32>
      %parallel_loop3A_191 = arith.andi %parallel_loop3A_51, %parallel_loop3A_190 : vector<16xi32>
      %parallel_loop3A_192 = arith.constant 7 : i32
      %parallel_loop3A_193 = vector.broadcast %parallel_loop3A_192 : i32 to vector<16xi32>
      %parallel_loop3A_194 = arith.shli %parallel_loop3A_191, %parallel_loop3A_193 : vector<16xi32>
      %parallel_loop3A_195 = arith.addi %parallel_loop3A_194, %iota3A : vector<16xi32>
      %parallel_loop3A_196 = arith.constant 511 : i32
      %parallel_loop3A_197 = vector.broadcast %parallel_loop3A_196 : i32 to vector<16xi32>
      %parallel_loop3A_198 = arith.andi %parallel_loop3A_54, %parallel_loop3A_197 : vector<16xi32>
      %parallel_loop3A_199 = arith.constant 7 : i32
      %parallel_loop3A_200 = vector.broadcast %parallel_loop3A_199 : i32 to vector<16xi32>
      %parallel_loop3A_201 = arith.shli %parallel_loop3A_198, %parallel_loop3A_200 : vector<16xi32>
      %parallel_loop3A_202 = arith.addi %parallel_loop3A_201, %iota3A : vector<16xi32>
      %parallel_loop3A_203 = arith.constant 511 : i32
      %parallel_loop3A_204 = vector.broadcast %parallel_loop3A_203 : i32 to vector<16xi32>
      %parallel_loop3A_205 = arith.andi %parallel_loop3A_57, %parallel_loop3A_204 : vector<16xi32>
      %parallel_loop3A_206 = arith.constant 7 : i32
      %parallel_loop3A_207 = vector.broadcast %parallel_loop3A_206 : i32 to vector<16xi32>
      %parallel_loop3A_208 = arith.shli %parallel_loop3A_205, %parallel_loop3A_207 : vector<16xi32>
      %parallel_loop3A_209 = arith.addi %parallel_loop3A_208, %iota3A : vector<16xi32>
      %parallel_loop3A_210 = arith.constant 511 : i32
      %parallel_loop3A_211 = vector.broadcast %parallel_loop3A_210 : i32 to vector<16xi32>
      %parallel_loop3A_212 = arith.andi %parallel_loop3A_60, %parallel_loop3A_211 : vector<16xi32>
      %parallel_loop3A_213 = arith.constant 7 : i32
      %parallel_loop3A_214 = vector.broadcast %parallel_loop3A_213 : i32 to vector<16xi32>
      %parallel_loop3A_215 = arith.shli %parallel_loop3A_212, %parallel_loop3A_214 : vector<16xi32>
      %parallel_loop3A_216 = arith.addi %parallel_loop3A_215, %iota3A : vector<16xi32>
      %parallel_loop3A_217 = arith.constant 511 : i32
      %parallel_loop3A_218 = vector.broadcast %parallel_loop3A_217 : i32 to vector<16xi32>
      %parallel_loop3A_219 = arith.andi %parallel_loop3A_63, %parallel_loop3A_218 : vector<16xi32>
      %parallel_loop3A_220 = arith.constant 7 : i32
      %parallel_loop3A_221 = vector.broadcast %parallel_loop3A_220 : i32 to vector<16xi32>
      %parallel_loop3A_222 = arith.shli %parallel_loop3A_219, %parallel_loop3A_221 : vector<16xi32>
      %parallel_loop3A_223 = arith.addi %parallel_loop3A_222, %iota3A : vector<16xi32>
      %parallel_loop3A_224 = arith.constant 511 : i32
      %parallel_loop3A_225 = vector.broadcast %parallel_loop3A_224 : i32 to vector<16xi32>
      %parallel_loop3A_226 = arith.andi %parallel_loop3A_66, %parallel_loop3A_225 : vector<16xi32>
      %parallel_loop3A_227 = arith.constant 7 : i32
      %parallel_loop3A_228 = vector.broadcast %parallel_loop3A_227 : i32 to vector<16xi32>
      %parallel_loop3A_229 = arith.shli %parallel_loop3A_226, %parallel_loop3A_228 : vector<16xi32>
      %parallel_loop3A_230 = arith.addi %parallel_loop3A_229, %iota3A : vector<16xi32>
      %parallel_loop3A_231 = arith.constant 511 : i32
      %parallel_loop3A_232 = vector.broadcast %parallel_loop3A_231 : i32 to vector<16xi32>
      %parallel_loop3A_233 = arith.andi %parallel_loop3A_69, %parallel_loop3A_232 : vector<16xi32>
      %parallel_loop3A_234 = arith.constant 7 : i32
      %parallel_loop3A_235 = vector.broadcast %parallel_loop3A_234 : i32 to vector<16xi32>
      %parallel_loop3A_236 = arith.shli %parallel_loop3A_233, %parallel_loop3A_235 : vector<16xi32>
      %parallel_loop3A_237 = arith.addi %parallel_loop3A_236, %iota3A : vector<16xi32>
      %parallel_loop3A_238 = arith.constant 511 : i32
      %parallel_loop3A_239 = vector.broadcast %parallel_loop3A_238 : i32 to vector<16xi32>
      %parallel_loop3A_240 = arith.andi %parallel_loop3A_72, %parallel_loop3A_239 : vector<16xi32>
      %parallel_loop3A_241 = arith.constant 7 : i32
      %parallel_loop3A_242 = vector.broadcast %parallel_loop3A_241 : i32 to vector<16xi32>
      %parallel_loop3A_243 = arith.shli %parallel_loop3A_240, %parallel_loop3A_242 : vector<16xi32>
      %parallel_loop3A_244 = arith.addi %parallel_loop3A_243, %iota3A : vector<16xi32>
      %parallel_loop3A_245 = arith.constant 511 : i32
      %parallel_loop3A_246 = vector.broadcast %parallel_loop3A_245 : i32 to vector<16xi32>
      %parallel_loop3A_247 = arith.andi %parallel_loop3A_75, %parallel_loop3A_246 : vector<16xi32>
      %parallel_loop3A_248 = arith.constant 7 : i32
      %parallel_loop3A_249 = vector.broadcast %parallel_loop3A_248 : i32 to vector<16xi32>
      %parallel_loop3A_250 = arith.shli %parallel_loop3A_247, %parallel_loop3A_249 : vector<16xi32>
      %parallel_loop3A_251 = arith.addi %parallel_loop3A_250, %iota3A : vector<16xi32>
      %parallel_loop3A_252 = arith.index_cast %parallel_loop3A_27 : i32 to index
      %parallel_loop3A_253 = arith.constant 0 : index
      %parallel_loop3A_254 = tpu.vector_load %arg8[%parallel_loop3A_252, %parallel_loop3A_253] {strides = array<i32>} : memref<64x128xf32, #tpu.memory_space<vmem>>, vector<16xf32>,
      %parallel_loop3A_255 = arith.constant 0 : i32
      %parallel_loop3A_256 = vector.broadcast %parallel_loop3A_255 : i32 to vector<16xi32>
      %parallel_loop3A_257 = arith.addi %parallel_loop3A_146, %parallel_loop3A_256 : vector<16xi32>
      %parallel_loop3A_258 = tpu.vector_load_idx %arg6[%parallel_loop3A_257] : memref<65536xf32, #tpu.memory_space<vmem>>[vector<16xi32>], vector<16xf32>,
      %parallel_loop3A_259 = arith.addf %parallel_loop3A_258, %parallel_loop3A_254 : vector<16xf32>
      %parallel_loop3A_260 = arith.mulf %parallel_loop3A_259, %parallel_loop3A_79 : vector<16xf32>
      %parallel_loop3A_261 = arith.constant 0 : i32
      %parallel_loop3A_262 = vector.broadcast %parallel_loop3A_261 : i32 to vector<16xi32>
      %parallel_loop3A_263 = arith.addi %parallel_loop3A_153, %parallel_loop3A_262 : vector<16xi32>
      %parallel_loop3A_264 = tpu.vector_load_idx %arg6[%parallel_loop3A_263] : memref<65536xf32, #tpu.memory_space<vmem>>[vector<16xi32>], vector<16xf32>,
      %parallel_loop3A_265 = arith.addf %parallel_loop3A_264, %parallel_loop3A_254 : vector<16xf32>
      %parallel_loop3A_266 = arith.mulf %parallel_loop3A_265, %parallel_loop3A_83 : vector<16xf32>
      %parallel_loop3A_267 = arith.maximumf %parallel_loop3A_260, %parallel_loop3A_266 : vector<16xf32>
      %parallel_loop3A_268 = arith.constant 0 : i32
      %parallel_loop3A_269 = vector.broadcast %parallel_loop3A_268 : i32 to vector<16xi32>
      %parallel_loop3A_270 = arith.addi %parallel_loop3A_160, %parallel_loop3A_269 : vector<16xi32>
      %parallel_loop3A_271 = tpu.vector_load_idx %arg6[%parallel_loop3A_270] : memref<65536xf32, #tpu.memory_space<vmem>>[vector<16xi32>], vector<16xf32>,
      %parallel_loop3A_272 = arith.addf %parallel_loop3A_271, %parallel_loop3A_254 : vector<16xf32>
      %parallel_loop3A_273 = arith.mulf %parallel_loop3A_272, %parallel_loop3A_87 : vector<16xf32>
      %parallel_loop3A_274 = arith.maximumf %parallel_loop3A_267, %parallel_loop3A_273 : vector<16xf32>
      %parallel_loop3A_275 = arith.constant 0 : i32
      %parallel_loop3A_276 = vector.broadcast %parallel_loop3A_275 : i32 to vector<16xi32>
      %parallel_loop3A_277 = arith.addi %parallel_loop3A_167, %parallel_loop3A_276 : vector<16xi32>
      %parallel_loop3A_278 = tpu.vector_load_idx %arg6[%parallel_loop3A_277] : memref<65536xf32, #tpu.memory_space<vmem>>[vector<16xi32>], vector<16xf32>,
      %parallel_loop3A_279 = arith.addf %parallel_loop3A_278, %parallel_loop3A_254 : vector<16xf32>
      %parallel_loop3A_280 = arith.mulf %parallel_loop3A_279, %parallel_loop3A_91 : vector<16xf32>
      %parallel_loop3A_281 = arith.maximumf %parallel_loop3A_274, %parallel_loop3A_280 : vector<16xf32>
      %parallel_loop3A_282 = arith.constant 0 : i32
      %parallel_loop3A_283 = vector.broadcast %parallel_loop3A_282 : i32 to vector<16xi32>
      %parallel_loop3A_284 = arith.addi %parallel_loop3A_174, %parallel_loop3A_283 : vector<16xi32>
      %parallel_loop3A_285 = tpu.vector_load_idx %arg6[%parallel_loop3A_284] : memref<65536xf32, #tpu.memory_space<vmem>>[vector<16xi32>], vector<16xf32>,
      %parallel_loop3A_286 = arith.addf %parallel_loop3A_285, %parallel_loop3A_254 : vector<16xf32>
      %parallel_loop3A_287 = arith.mulf %parallel_loop3A_286, %parallel_loop3A_95 : vector<16xf32>
      %parallel_loop3A_288 = arith.maximumf %parallel_loop3A_281, %parallel_loop3A_287 : vector<16xf32>
      %parallel_loop3A_289 = arith.constant 0 : i32
      %parallel_loop3A_290 = vector.broadcast %parallel_loop3A_289 : i32 to vector<16xi32>
      %parallel_loop3A_291 = arith.addi %parallel_loop3A_181, %parallel_loop3A_290 : vector<16xi32>
      %parallel_loop3A_292 = tpu.vector_load_idx %arg6[%parallel_loop3A_291] : memref<65536xf32, #tpu.memory_space<vmem>>[vector<16xi32>], vector<16xf32>,
      %parallel_loop3A_293 = arith.addf %parallel_loop3A_292, %parallel_loop3A_254 : vector<16xf32>
      %parallel_loop3A_294 = arith.mulf %parallel_loop3A_293, %parallel_loop3A_99 : vector<16xf32>
      %parallel_loop3A_295 = arith.maximumf %parallel_loop3A_288, %parallel_loop3A_294 : vector<16xf32>
      %parallel_loop3A_296 = arith.constant 0 : i32
      %parallel_loop3A_297 = vector.broadcast %parallel_loop3A_296 : i32 to vector<16xi32>
      %parallel_loop3A_298 = arith.addi %parallel_loop3A_188, %parallel_loop3A_297 : vector<16xi32>
      %parallel_loop3A_299 = tpu.vector_load_idx %arg6[%parallel_loop3A_298] : memref<65536xf32, #tpu.memory_space<vmem>>[vector<16xi32>], vector<16xf32>,
      %parallel_loop3A_300 = arith.addf %parallel_loop3A_299, %parallel_loop3A_254 : vector<16xf32>
      %parallel_loop3A_301 = arith.mulf %parallel_loop3A_300, %parallel_loop3A_103 : vector<16xf32>
      %parallel_loop3A_302 = arith.maximumf %parallel_loop3A_295, %parallel_loop3A_301 : vector<16xf32>
      %parallel_loop3A_303 = arith.constant 0 : i32
      %parallel_loop3A_304 = vector.broadcast %parallel_loop3A_303 : i32 to vector<16xi32>
      %parallel_loop3A_305 = arith.addi %parallel_loop3A_195, %parallel_loop3A_304 : vector<16xi32>
      %parallel_loop3A_306 = tpu.vector_load_idx %arg6[%parallel_loop3A_305] : memref<65536xf32, #tpu.memory_space<vmem>>[vector<16xi32>], vector<16xf32>,
      %parallel_loop3A_307 = arith.addf %parallel_loop3A_306, %parallel_loop3A_254 : vector<16xf32>
      %parallel_loop3A_308 = arith.mulf %parallel_loop3A_307, %parallel_loop3A_107 : vector<16xf32>
      %parallel_loop3A_309 = arith.maximumf %parallel_loop3A_302, %parallel_loop3A_308 : vector<16xf32>
      %parallel_loop3A_310 = arith.constant 0 : i32
      %parallel_loop3A_311 = vector.broadcast %parallel_loop3A_310 : i32 to vector<16xi32>
      %parallel_loop3A_312 = arith.addi %parallel_loop3A_202, %parallel_loop3A_311 : vector<16xi32>
      %parallel_loop3A_313 = tpu.vector_load_idx %arg6[%parallel_loop3A_312] : memref<65536xf32, #tpu.memory_space<vmem>>[vector<16xi32>], vector<16xf32>,
      %parallel_loop3A_314 = arith.addf %parallel_loop3A_313, %parallel_loop3A_254 : vector<16xf32>
      %parallel_loop3A_315 = arith.mulf %parallel_loop3A_314, %parallel_loop3A_111 : vector<16xf32>
      %parallel_loop3A_316 = arith.maximumf %parallel_loop3A_309, %parallel_loop3A_315 : vector<16xf32>
      %parallel_loop3A_317 = arith.constant 0 : i32
      %parallel_loop3A_318 = vector.broadcast %parallel_loop3A_317 : i32 to vector<16xi32>
      %parallel_loop3A_319 = arith.addi %parallel_loop3A_209, %parallel_loop3A_318 : vector<16xi32>
      %parallel_loop3A_320 = tpu.vector_load_idx %arg6[%parallel_loop3A_319] : memref<65536xf32, #tpu.memory_space<vmem>>[vector<16xi32>], vector<16xf32>,
      %parallel_loop3A_321 = arith.addf %parallel_loop3A_320, %parallel_loop3A_254 : vector<16xf32>
      %parallel_loop3A_322 = arith.mulf %parallel_loop3A_321, %parallel_loop3A_115 : vector<16xf32>
      %parallel_loop3A_323 = arith.maximumf %parallel_loop3A_316, %parallel_loop3A_322 : vector<16xf32>
      %parallel_loop3A_324 = arith.constant 0 : i32
      %parallel_loop3A_325 = vector.broadcast %parallel_loop3A_324 : i32 to vector<16xi32>
      %parallel_loop3A_326 = arith.addi %parallel_loop3A_216, %parallel_loop3A_325 : vector<16xi32>
      %parallel_loop3A_327 = tpu.vector_load_idx %arg6[%parallel_loop3A_326] : memref<65536xf32, #tpu.memory_space<vmem>>[vector<16xi32>], vector<16xf32>,
      %parallel_loop3A_328 = arith.addf %parallel_loop3A_327, %parallel_loop3A_254 : vector<16xf32>
      %parallel_loop3A_329 = arith.mulf %parallel_loop3A_328, %parallel_loop3A_119 : vector<16xf32>
      %parallel_loop3A_330 = arith.maximumf %parallel_loop3A_323, %parallel_loop3A_329 : vector<16xf32>
      %parallel_loop3A_331 = arith.constant 0 : i32
      %parallel_loop3A_332 = vector.broadcast %parallel_loop3A_331 : i32 to vector<16xi32>
      %parallel_loop3A_333 = arith.addi %parallel_loop3A_223, %parallel_loop3A_332 : vector<16xi32>
      %parallel_loop3A_334 = tpu.vector_load_idx %arg6[%parallel_loop3A_333] : memref<65536xf32, #tpu.memory_space<vmem>>[vector<16xi32>], vector<16xf32>,
      %parallel_loop3A_335 = arith.addf %parallel_loop3A_334, %parallel_loop3A_254 : vector<16xf32>
      %parallel_loop3A_336 = arith.mulf %parallel_loop3A_335, %parallel_loop3A_123 : vector<16xf32>
      %parallel_loop3A_337 = arith.maximumf %parallel_loop3A_330, %parallel_loop3A_336 : vector<16xf32>
      %parallel_loop3A_338 = arith.constant 0 : i32
      %parallel_loop3A_339 = vector.broadcast %parallel_loop3A_338 : i32 to vector<16xi32>
      %parallel_loop3A_340 = arith.addi %parallel_loop3A_230, %parallel_loop3A_339 : vector<16xi32>
      %parallel_loop3A_341 = tpu.vector_load_idx %arg6[%parallel_loop3A_340] : memref<65536xf32, #tpu.memory_space<vmem>>[vector<16xi32>], vector<16xf32>,
      %parallel_loop3A_342 = arith.addf %parallel_loop3A_341, %parallel_loop3A_254 : vector<16xf32>
      %parallel_loop3A_343 = arith.mulf %parallel_loop3A_342, %parallel_loop3A_127 : vector<16xf32>
      %parallel_loop3A_344 = arith.maximumf %parallel_loop3A_337, %parallel_loop3A_343 : vector<16xf32>
      %parallel_loop3A_345 = arith.constant 0 : i32
      %parallel_loop3A_346 = vector.broadcast %parallel_loop3A_345 : i32 to vector<16xi32>
      %parallel_loop3A_347 = arith.addi %parallel_loop3A_237, %parallel_loop3A_346 : vector<16xi32>
      %parallel_loop3A_348 = tpu.vector_load_idx %arg6[%parallel_loop3A_347] : memref<65536xf32, #tpu.memory_space<vmem>>[vector<16xi32>], vector<16xf32>,
      %parallel_loop3A_349 = arith.addf %parallel_loop3A_348, %parallel_loop3A_254 : vector<16xf32>
      %parallel_loop3A_350 = arith.mulf %parallel_loop3A_349, %parallel_loop3A_131 : vector<16xf32>
      %parallel_loop3A_351 = arith.maximumf %parallel_loop3A_344, %parallel_loop3A_350 : vector<16xf32>
      %parallel_loop3A_352 = arith.constant 0 : i32
      %parallel_loop3A_353 = vector.broadcast %parallel_loop3A_352 : i32 to vector<16xi32>
      %parallel_loop3A_354 = arith.addi %parallel_loop3A_244, %parallel_loop3A_353 : vector<16xi32>
      %parallel_loop3A_355 = tpu.vector_load_idx %arg6[%parallel_loop3A_354] : memref<65536xf32, #tpu.memory_space<vmem>>[vector<16xi32>], vector<16xf32>,
      %parallel_loop3A_356 = arith.addf %parallel_loop3A_355, %parallel_loop3A_254 : vector<16xf32>
      %parallel_loop3A_357 = arith.mulf %parallel_loop3A_356, %parallel_loop3A_135 : vector<16xf32>
      %parallel_loop3A_358 = arith.maximumf %parallel_loop3A_351, %parallel_loop3A_357 : vector<16xf32>
      %parallel_loop3A_359 = arith.constant 0 : i32
      %parallel_loop3A_360 = vector.broadcast %parallel_loop3A_359 : i32 to vector<16xi32>
      %parallel_loop3A_361 = arith.addi %parallel_loop3A_251, %parallel_loop3A_360 : vector<16xi32>
      %parallel_loop3A_362 = tpu.vector_load_idx %arg6[%parallel_loop3A_361] : memref<65536xf32, #tpu.memory_space<vmem>>[vector<16xi32>], vector<16xf32>,
      %parallel_loop3A_363 = arith.addf %parallel_loop3A_362, %parallel_loop3A_254 : vector<16xf32>
      %parallel_loop3A_364 = arith.mulf %parallel_loop3A_363, %parallel_loop3A_139 : vector<16xf32>
      %parallel_loop3A_365 = arith.maximumf %parallel_loop3A_358, %parallel_loop3A_364 : vector<16xf32>
      %parallel_loop3A_366 = arith.index_cast %parallel_loop3A_27 : i32 to index
      %parallel_loop3A_367 = arith.constant 0 : index
      %parallel_loop3A_368 = tpu.vector_load %arg9[%parallel_loop3A_366, %parallel_loop3A_367] {strides = array<i32>} : memref<64x128xf32, #tpu.memory_space<vmem>>, vector<16xf32>,
      tpu.vector_store %arg9[%parallel_loop3A_366, %parallel_loop3A_367], %parallel_loop3A_365 {strides = array<i32>} : memref<64x128xf32, #tpu.memory_space<vmem>>, vector<16xf32>,
      %parallel_loop3A_369 = arith.index_cast %parallel_loop3A_27 : i32 to index
      %parallel_loop3A_370 = arith.constant 16 : index
      %parallel_loop3A_371 = tpu.vector_load %arg8[%parallel_loop3A_369, %parallel_loop3A_370] {strides = array<i32>} : memref<64x128xf32, #tpu.memory_space<vmem>>, vector<16xf32>,
      %parallel_loop3A_372 = arith.constant 16 : i32
      %parallel_loop3A_373 = vector.broadcast %parallel_loop3A_372 : i32 to vector<16xi32>
      %parallel_loop3A_374 = arith.addi %parallel_loop3A_146, %parallel_loop3A_373 : vector<16xi32>
      %parallel_loop3A_375 = tpu.vector_load_idx %arg6[%parallel_loop3A_374] : memref<65536xf32, #tpu.memory_space<vmem>>[vector<16xi32>], vector<16xf32>,
      %parallel_loop3A_376 = arith.addf %parallel_loop3A_375, %parallel_loop3A_371 : vector<16xf32>
      %parallel_loop3A_377 = arith.mulf %parallel_loop3A_376, %parallel_loop3A_79 : vector<16xf32>
      %parallel_loop3A_378 = arith.constant 16 : i32
      %parallel_loop3A_379 = vector.broadcast %parallel_loop3A_378 : i32 to vector<16xi32>
      %parallel_loop3A_380 = arith.addi %parallel_loop3A_153, %parallel_loop3A_379 : vector<16xi32>
      %parallel_loop3A_381 = tpu.vector_load_idx %arg6[%parallel_loop3A_380] : memref<65536xf32, #tpu.memory_space<vmem>>[vector<16xi32>], vector<16xf32>,
      %parallel_loop3A_382 = arith.addf %parallel_loop3A_381, %parallel_loop3A_371 : vector<16xf32>
      %parallel_loop3A_383 = arith.mulf %parallel_loop3A_382, %parallel_loop3A_83 : vector<16xf32>
      %parallel_loop3A_384 = arith.maximumf %parallel_loop3A_377, %parallel_loop3A_383 : vector<16xf32>
      %parallel_loop3A_385 = arith.constant 16 : i32
      %parallel_loop3A_386 = vector.broadcast %parallel_loop3A_385 : i32 to vector<16xi32>
      %parallel_loop3A_387 = arith.addi %parallel_loop3A_160, %parallel_loop3A_386 : vector<16xi32>
      %parallel_loop3A_388 = tpu.vector_load_idx %arg6[%parallel_loop3A_387] : memref<65536xf32, #tpu.memory_space<vmem>>[vector<16xi32>], vector<16xf32>,
      %parallel_loop3A_389 = arith.addf %parallel_loop3A_388, %parallel_loop3A_371 : vector<16xf32>
      %parallel_loop3A_390 = arith.mulf %parallel_loop3A_389, %parallel_loop3A_87 : vector<16xf32>
      %parallel_loop3A_391 = arith.maximumf %parallel_loop3A_384, %parallel_loop3A_390 : vector<16xf32>
      %parallel_loop3A_392 = arith.constant 16 : i32
      %parallel_loop3A_393 = vector.broadcast %parallel_loop3A_392 : i32 to vector<16xi32>
      %parallel_loop3A_394 = arith.addi %parallel_loop3A_167, %parallel_loop3A_393 : vector<16xi32>
      %parallel_loop3A_395 = tpu.vector_load_idx %arg6[%parallel_loop3A_394] : memref<65536xf32, #tpu.memory_space<vmem>>[vector<16xi32>], vector<16xf32>,
      %parallel_loop3A_396 = arith.addf %parallel_loop3A_395, %parallel_loop3A_371 : vector<16xf32>
      %parallel_loop3A_397 = arith.mulf %parallel_loop3A_396, %parallel_loop3A_91 : vector<16xf32>
      %parallel_loop3A_398 = arith.maximumf %parallel_loop3A_391, %parallel_loop3A_397 : vector<16xf32>
      %parallel_loop3A_399 = arith.constant 16 : i32
      %parallel_loop3A_400 = vector.broadcast %parallel_loop3A_399 : i32 to vector<16xi32>
      %parallel_loop3A_401 = arith.addi %parallel_loop3A_174, %parallel_loop3A_400 : vector<16xi32>
      %parallel_loop3A_402 = tpu.vector_load_idx %arg6[%parallel_loop3A_401] : memref<65536xf32, #tpu.memory_space<vmem>>[vector<16xi32>], vector<16xf32>,
      %parallel_loop3A_403 = arith.addf %parallel_loop3A_402, %parallel_loop3A_371 : vector<16xf32>
      %parallel_loop3A_404 = arith.mulf %parallel_loop3A_403, %parallel_loop3A_95 : vector<16xf32>
      %parallel_loop3A_405 = arith.maximumf %parallel_loop3A_398, %parallel_loop3A_404 : vector<16xf32>
      %parallel_loop3A_406 = arith.constant 16 : i32
      %parallel_loop3A_407 = vector.broadcast %parallel_loop3A_406 : i32 to vector<16xi32>
      %parallel_loop3A_408 = arith.addi %parallel_loop3A_181, %parallel_loop3A_407 : vector<16xi32>
      %parallel_loop3A_409 = tpu.vector_load_idx %arg6[%parallel_loop3A_408] : memref<65536xf32, #tpu.memory_space<vmem>>[vector<16xi32>], vector<16xf32>,
      %parallel_loop3A_410 = arith.addf %parallel_loop3A_409, %parallel_loop3A_371 : vector<16xf32>
      %parallel_loop3A_411 = arith.mulf %parallel_loop3A_410, %parallel_loop3A_99 : vector<16xf32>
      %parallel_loop3A_412 = arith.maximumf %parallel_loop3A_405, %parallel_loop3A_411 : vector<16xf32>
      %parallel_loop3A_413 = arith.constant 16 : i32
      %parallel_loop3A_414 = vector.broadcast %parallel_loop3A_413 : i32 to vector<16xi32>
      %parallel_loop3A_415 = arith.addi %parallel_loop3A_188, %parallel_loop3A_414 : vector<16xi32>
      %parallel_loop3A_416 = tpu.vector_load_idx %arg6[%parallel_loop3A_415] : memref<65536xf32, #tpu.memory_space<vmem>>[vector<16xi32>], vector<16xf32>,
      %parallel_loop3A_417 = arith.addf %parallel_loop3A_416, %parallel_loop3A_371 : vector<16xf32>
      %parallel_loop3A_418 = arith.mulf %parallel_loop3A_417, %parallel_loop3A_103 : vector<16xf32>
      %parallel_loop3A_419 = arith.maximumf %parallel_loop3A_412, %parallel_loop3A_418 : vector<16xf32>
      %parallel_loop3A_420 = arith.constant 16 : i32
      %parallel_loop3A_421 = vector.broadcast %parallel_loop3A_420 : i32 to vector<16xi32>
      %parallel_loop3A_422 = arith.addi %parallel_loop3A_195, %parallel_loop3A_421 : vector<16xi32>
      %parallel_loop3A_423 = tpu.vector_load_idx %arg6[%parallel_loop3A_422] : memref<65536xf32, #tpu.memory_space<vmem>>[vector<16xi32>], vector<16xf32>,
      %parallel_loop3A_424 = arith.addf %parallel_loop3A_423, %parallel_loop3A_371 : vector<16xf32>
      %parallel_loop3A_425 = arith.mulf %parallel_loop3A_424, %parallel_loop3A_107 : vector<16xf32>
      %parallel_loop3A_426 = arith.maximumf %parallel_loop3A_419, %parallel_loop3A_425 : vector<16xf32>
      %parallel_loop3A_427 = arith.constant 16 : i32
      %parallel_loop3A_428 = vector.broadcast %parallel_loop3A_427 : i32 to vector<16xi32>
      %parallel_loop3A_429 = arith.addi %parallel_loop3A_202, %parallel_loop3A_428 : vector<16xi32>
      %parallel_loop3A_430 = tpu.vector_load_idx %arg6[%parallel_loop3A_429] : memref<65536xf32, #tpu.memory_space<vmem>>[vector<16xi32>], vector<16xf32>,
      %parallel_loop3A_431 = arith.addf %parallel_loop3A_430, %parallel_loop3A_371 : vector<16xf32>
      %parallel_loop3A_432 = arith.mulf %parallel_loop3A_431, %parallel_loop3A_111 : vector<16xf32>
      %parallel_loop3A_433 = arith.maximumf %parallel_loop3A_426, %parallel_loop3A_432 : vector<16xf32>
      %parallel_loop3A_434 = arith.constant 16 : i32
      %parallel_loop3A_435 = vector.broadcast %parallel_loop3A_434 : i32 to vector<16xi32>
      %parallel_loop3A_436 = arith.addi %parallel_loop3A_209, %parallel_loop3A_435 : vector<16xi32>
      %parallel_loop3A_437 = tpu.vector_load_idx %arg6[%parallel_loop3A_436] : memref<65536xf32, #tpu.memory_space<vmem>>[vector<16xi32>], vector<16xf32>,
      %parallel_loop3A_438 = arith.addf %parallel_loop3A_437, %parallel_loop3A_371 : vector<16xf32>
      %parallel_loop3A_439 = arith.mulf %parallel_loop3A_438, %parallel_loop3A_115 : vector<16xf32>
      %parallel_loop3A_440 = arith.maximumf %parallel_loop3A_433, %parallel_loop3A_439 : vector<16xf32>
      %parallel_loop3A_441 = arith.constant 16 : i32
      %parallel_loop3A_442 = vector.broadcast %parallel_loop3A_441 : i32 to vector<16xi32>
      %parallel_loop3A_443 = arith.addi %parallel_loop3A_216, %parallel_loop3A_442 : vector<16xi32>
      %parallel_loop3A_444 = tpu.vector_load_idx %arg6[%parallel_loop3A_443] : memref<65536xf32, #tpu.memory_space<vmem>>[vector<16xi32>], vector<16xf32>,
      %parallel_loop3A_445 = arith.addf %parallel_loop3A_444, %parallel_loop3A_371 : vector<16xf32>
      %parallel_loop3A_446 = arith.mulf %parallel_loop3A_445, %parallel_loop3A_119 : vector<16xf32>
      %parallel_loop3A_447 = arith.maximumf %parallel_loop3A_440, %parallel_loop3A_446 : vector<16xf32>
      %parallel_loop3A_448 = arith.constant 16 : i32
      %parallel_loop3A_449 = vector.broadcast %parallel_loop3A_448 : i32 to vector<16xi32>
      %parallel_loop3A_450 = arith.addi %parallel_loop3A_223, %parallel_loop3A_449 : vector<16xi32>
      %parallel_loop3A_451 = tpu.vector_load_idx %arg6[%parallel_loop3A_450] : memref<65536xf32, #tpu.memory_space<vmem>>[vector<16xi32>], vector<16xf32>,
      %parallel_loop3A_452 = arith.addf %parallel_loop3A_451, %parallel_loop3A_371 : vector<16xf32>
      %parallel_loop3A_453 = arith.mulf %parallel_loop3A_452, %parallel_loop3A_123 : vector<16xf32>
      %parallel_loop3A_454 = arith.maximumf %parallel_loop3A_447, %parallel_loop3A_453 : vector<16xf32>
      %parallel_loop3A_455 = arith.constant 16 : i32
      %parallel_loop3A_456 = vector.broadcast %parallel_loop3A_455 : i32 to vector<16xi32>
      %parallel_loop3A_457 = arith.addi %parallel_loop3A_230, %parallel_loop3A_456 : vector<16xi32>
      %parallel_loop3A_458 = tpu.vector_load_idx %arg6[%parallel_loop3A_457] : memref<65536xf32, #tpu.memory_space<vmem>>[vector<16xi32>], vector<16xf32>,
      %parallel_loop3A_459 = arith.addf %parallel_loop3A_458, %parallel_loop3A_371 : vector<16xf32>
      %parallel_loop3A_460 = arith.mulf %parallel_loop3A_459, %parallel_loop3A_127 : vector<16xf32>
      %parallel_loop3A_461 = arith.maximumf %parallel_loop3A_454, %parallel_loop3A_460 : vector<16xf32>
      %parallel_loop3A_462 = arith.constant 16 : i32
      %parallel_loop3A_463 = vector.broadcast %parallel_loop3A_462 : i32 to vector<16xi32>
      %parallel_loop3A_464 = arith.addi %parallel_loop3A_237, %parallel_loop3A_463 : vector<16xi32>
      %parallel_loop3A_465 = tpu.vector_load_idx %arg6[%parallel_loop3A_464] : memref<65536xf32, #tpu.memory_space<vmem>>[vector<16xi32>], vector<16xf32>,
      %parallel_loop3A_466 = arith.addf %parallel_loop3A_465, %parallel_loop3A_371 : vector<16xf32>
      %parallel_loop3A_467 = arith.mulf %parallel_loop3A_466, %parallel_loop3A_131 : vector<16xf32>
      %parallel_loop3A_468 = arith.maximumf %parallel_loop3A_461, %parallel_loop3A_467 : vector<16xf32>
      %parallel_loop3A_469 = arith.constant 16 : i32
      %parallel_loop3A_470 = vector.broadcast %parallel_loop3A_469 : i32 to vector<16xi32>
      %parallel_loop3A_471 = arith.addi %parallel_loop3A_244, %parallel_loop3A_470 : vector<16xi32>
      %parallel_loop3A_472 = tpu.vector_load_idx %arg6[%parallel_loop3A_471] : memref<65536xf32, #tpu.memory_space<vmem>>[vector<16xi32>], vector<16xf32>,
      %parallel_loop3A_473 = arith.addf %parallel_loop3A_472, %parallel_loop3A_371 : vector<16xf32>
      %parallel_loop3A_474 = arith.mulf %parallel_loop3A_473, %parallel_loop3A_135 : vector<16xf32>
      %parallel_loop3A_475 = arith.maximumf %parallel_loop3A_468, %parallel_loop3A_474 : vector<16xf32>
      %parallel_loop3A_476 = arith.constant 16 : i32
      %parallel_loop3A_477 = vector.broadcast %parallel_loop3A_476 : i32 to vector<16xi32>
      %parallel_loop3A_478 = arith.addi %parallel_loop3A_251, %parallel_loop3A_477 : vector<16xi32>
      %parallel_loop3A_479 = tpu.vector_load_idx %arg6[%parallel_loop3A_478] : memref<65536xf32, #tpu.memory_space<vmem>>[vector<16xi32>], vector<16xf32>,
      %parallel_loop3A_480 = arith.addf %parallel_loop3A_479, %parallel_loop3A_371 : vector<16xf32>
      %parallel_loop3A_481 = arith.mulf %parallel_loop3A_480, %parallel_loop3A_139 : vector<16xf32>
      %parallel_loop3A_482 = arith.maximumf %parallel_loop3A_475, %parallel_loop3A_481 : vector<16xf32>
      %parallel_loop3A_483 = arith.index_cast %parallel_loop3A_27 : i32 to index
      %parallel_loop3A_484 = arith.constant 16 : index
      %parallel_loop3A_485 = tpu.vector_load %arg9[%parallel_loop3A_483, %parallel_loop3A_484] {strides = array<i32>} : memref<64x128xf32, #tpu.memory_space<vmem>>, vector<16xf32>,
      tpu.vector_store %arg9[%parallel_loop3A_483, %parallel_loop3A_484], %parallel_loop3A_482 {strides = array<i32>} : memref<64x128xf32, #tpu.memory_space<vmem>>, vector<16xf32>,
      %parallel_loop3A_486 = arith.index_cast %parallel_loop3A_27 : i32 to index
      %parallel_loop3A_487 = arith.constant 32 : index
      %parallel_loop3A_488 = tpu.vector_load %arg8[%parallel_loop3A_486, %parallel_loop3A_487] {strides = array<i32>} : memref<64x128xf32, #tpu.memory_space<vmem>>, vector<16xf32>,
      %parallel_loop3A_489 = arith.constant 32 : i32
      %parallel_loop3A_490 = vector.broadcast %parallel_loop3A_489 : i32 to vector<16xi32>
      %parallel_loop3A_491 = arith.addi %parallel_loop3A_146, %parallel_loop3A_490 : vector<16xi32>
      %parallel_loop3A_492 = tpu.vector_load_idx %arg6[%parallel_loop3A_491] : memref<65536xf32, #tpu.memory_space<vmem>>[vector<16xi32>], vector<16xf32>,
      %parallel_loop3A_493 = arith.addf %parallel_loop3A_492, %parallel_loop3A_488 : vector<16xf32>
      %parallel_loop3A_494 = arith.mulf %parallel_loop3A_493, %parallel_loop3A_79 : vector<16xf32>
      %parallel_loop3A_495 = arith.constant 32 : i32
      %parallel_loop3A_496 = vector.broadcast %parallel_loop3A_495 : i32 to vector<16xi32>
      %parallel_loop3A_497 = arith.addi %parallel_loop3A_153, %parallel_loop3A_496 : vector<16xi32>
      %parallel_loop3A_498 = tpu.vector_load_idx %arg6[%parallel_loop3A_497] : memref<65536xf32, #tpu.memory_space<vmem>>[vector<16xi32>], vector<16xf32>,
      %parallel_loop3A_499 = arith.addf %parallel_loop3A_498, %parallel_loop3A_488 : vector<16xf32>
      %parallel_loop3A_500 = arith.mulf %parallel_loop3A_499, %parallel_loop3A_83 : vector<16xf32>
      %parallel_loop3A_501 = arith.maximumf %parallel_loop3A_494, %parallel_loop3A_500 : vector<16xf32>
      %parallel_loop3A_502 = arith.constant 32 : i32
      %parallel_loop3A_503 = vector.broadcast %parallel_loop3A_502 : i32 to vector<16xi32>
      %parallel_loop3A_504 = arith.addi %parallel_loop3A_160, %parallel_loop3A_503 : vector<16xi32>
      %parallel_loop3A_505 = tpu.vector_load_idx %arg6[%parallel_loop3A_504] : memref<65536xf32, #tpu.memory_space<vmem>>[vector<16xi32>], vector<16xf32>,
      %parallel_loop3A_506 = arith.addf %parallel_loop3A_505, %parallel_loop3A_488 : vector<16xf32>
      %parallel_loop3A_507 = arith.mulf %parallel_loop3A_506, %parallel_loop3A_87 : vector<16xf32>
      %parallel_loop3A_508 = arith.maximumf %parallel_loop3A_501, %parallel_loop3A_507 : vector<16xf32>
      %parallel_loop3A_509 = arith.constant 32 : i32
      %parallel_loop3A_510 = vector.broadcast %parallel_loop3A_509 : i32 to vector<16xi32>
      %parallel_loop3A_511 = arith.addi %parallel_loop3A_167, %parallel_loop3A_510 : vector<16xi32>
      %parallel_loop3A_512 = tpu.vector_load_idx %arg6[%parallel_loop3A_511] : memref<65536xf32, #tpu.memory_space<vmem>>[vector<16xi32>], vector<16xf32>,
      %parallel_loop3A_513 = arith.addf %parallel_loop3A_512, %parallel_loop3A_488 : vector<16xf32>
      %parallel_loop3A_514 = arith.mulf %parallel_loop3A_513, %parallel_loop3A_91 : vector<16xf32>
      %parallel_loop3A_515 = arith.maximumf %parallel_loop3A_508, %parallel_loop3A_514 : vector<16xf32>
      %parallel_loop3A_516 = arith.constant 32 : i32
      %parallel_loop3A_517 = vector.broadcast %parallel_loop3A_516 : i32 to vector<16xi32>
      %parallel_loop3A_518 = arith.addi %parallel_loop3A_174, %parallel_loop3A_517 : vector<16xi32>
      %parallel_loop3A_519 = tpu.vector_load_idx %arg6[%parallel_loop3A_518] : memref<65536xf32, #tpu.memory_space<vmem>>[vector<16xi32>], vector<16xf32>,
      %parallel_loop3A_520 = arith.addf %parallel_loop3A_519, %parallel_loop3A_488 : vector<16xf32>
      %parallel_loop3A_521 = arith.mulf %parallel_loop3A_520, %parallel_loop3A_95 : vector<16xf32>
      %parallel_loop3A_522 = arith.maximumf %parallel_loop3A_515, %parallel_loop3A_521 : vector<16xf32>
      %parallel_loop3A_523 = arith.constant 32 : i32
      %parallel_loop3A_524 = vector.broadcast %parallel_loop3A_523 : i32 to vector<16xi32>
      %parallel_loop3A_525 = arith.addi %parallel_loop3A_181, %parallel_loop3A_524 : vector<16xi32>
      %parallel_loop3A_526 = tpu.vector_load_idx %arg6[%parallel_loop3A_525] : memref<65536xf32, #tpu.memory_space<vmem>>[vector<16xi32>], vector<16xf32>,
      %parallel_loop3A_527 = arith.addf %parallel_loop3A_526, %parallel_loop3A_488 : vector<16xf32>
      %parallel_loop3A_528 = arith.mulf %parallel_loop3A_527, %parallel_loop3A_99 : vector<16xf32>
      %parallel_loop3A_529 = arith.maximumf %parallel_loop3A_522, %parallel_loop3A_528 : vector<16xf32>
      %parallel_loop3A_530 = arith.constant 32 : i32
      %parallel_loop3A_531 = vector.broadcast %parallel_loop3A_530 : i32 to vector<16xi32>
      %parallel_loop3A_532 = arith.addi %parallel_loop3A_188, %parallel_loop3A_531 : vector<16xi32>
      %parallel_loop3A_533 = tpu.vector_load_idx %arg6[%parallel_loop3A_532] : memref<65536xf32, #tpu.memory_space<vmem>>[vector<16xi32>], vector<16xf32>,
      %parallel_loop3A_534 = arith.addf %parallel_loop3A_533, %parallel_loop3A_488 : vector<16xf32>
      %parallel_loop3A_535 = arith.mulf %parallel_loop3A_534, %parallel_loop3A_103 : vector<16xf32>
      %parallel_loop3A_536 = arith.maximumf %parallel_loop3A_529, %parallel_loop3A_535 : vector<16xf32>
      %parallel_loop3A_537 = arith.constant 32 : i32
      %parallel_loop3A_538 = vector.broadcast %parallel_loop3A_537 : i32 to vector<16xi32>
      %parallel_loop3A_539 = arith.addi %parallel_loop3A_195, %parallel_loop3A_538 : vector<16xi32>
      %parallel_loop3A_540 = tpu.vector_load_idx %arg6[%parallel_loop3A_539] : memref<65536xf32, #tpu.memory_space<vmem>>[vector<16xi32>], vector<16xf32>,
      %parallel_loop3A_541 = arith.addf %parallel_loop3A_540, %parallel_loop3A_488 : vector<16xf32>
      %parallel_loop3A_542 = arith.mulf %parallel_loop3A_541, %parallel_loop3A_107 : vector<16xf32>
      %parallel_loop3A_543 = arith.maximumf %parallel_loop3A_536, %parallel_loop3A_542 : vector<16xf32>
      %parallel_loop3A_544 = arith.constant 32 : i32
      %parallel_loop3A_545 = vector.broadcast %parallel_loop3A_544 : i32 to vector<16xi32>
      %parallel_loop3A_546 = arith.addi %parallel_loop3A_202, %parallel_loop3A_545 : vector<16xi32>
      %parallel_loop3A_547 = tpu.vector_load_idx %arg6[%parallel_loop3A_546] : memref<65536xf32, #tpu.memory_space<vmem>>[vector<16xi32>], vector<16xf32>,
      %parallel_loop3A_548 = arith.addf %parallel_loop3A_547, %parallel_loop3A_488 : vector<16xf32>
      %parallel_loop3A_549 = arith.mulf %parallel_loop3A_548, %parallel_loop3A_111 : vector<16xf32>
      %parallel_loop3A_550 = arith.maximumf %parallel_loop3A_543, %parallel_loop3A_549 : vector<16xf32>
      %parallel_loop3A_551 = arith.constant 32 : i32
      %parallel_loop3A_552 = vector.broadcast %parallel_loop3A_551 : i32 to vector<16xi32>
      %parallel_loop3A_553 = arith.addi %parallel_loop3A_209, %parallel_loop3A_552 : vector<16xi32>
      %parallel_loop3A_554 = tpu.vector_load_idx %arg6[%parallel_loop3A_553] : memref<65536xf32, #tpu.memory_space<vmem>>[vector<16xi32>], vector<16xf32>,
      %parallel_loop3A_555 = arith.addf %parallel_loop3A_554, %parallel_loop3A_488 : vector<16xf32>
      %parallel_loop3A_556 = arith.mulf %parallel_loop3A_555, %parallel_loop3A_115 : vector<16xf32>
      %parallel_loop3A_557 = arith.maximumf %parallel_loop3A_550, %parallel_loop3A_556 : vector<16xf32>
      %parallel_loop3A_558 = arith.constant 32 : i32
      %parallel_loop3A_559 = vector.broadcast %parallel_loop3A_558 : i32 to vector<16xi32>
      %parallel_loop3A_560 = arith.addi %parallel_loop3A_216, %parallel_loop3A_559 : vector<16xi32>
      %parallel_loop3A_561 = tpu.vector_load_idx %arg6[%parallel_loop3A_560] : memref<65536xf32, #tpu.memory_space<vmem>>[vector<16xi32>], vector<16xf32>,
      %parallel_loop3A_562 = arith.addf %parallel_loop3A_561, %parallel_loop3A_488 : vector<16xf32>
      %parallel_loop3A_563 = arith.mulf %parallel_loop3A_562, %parallel_loop3A_119 : vector<16xf32>
      %parallel_loop3A_564 = arith.maximumf %parallel_loop3A_557, %parallel_loop3A_563 : vector<16xf32>
      %parallel_loop3A_565 = arith.constant 32 : i32
      %parallel_loop3A_566 = vector.broadcast %parallel_loop3A_565 : i32 to vector<16xi32>
      %parallel_loop3A_567 = arith.addi %parallel_loop3A_223, %parallel_loop3A_566 : vector<16xi32>
      %parallel_loop3A_568 = tpu.vector_load_idx %arg6[%parallel_loop3A_567] : memref<65536xf32, #tpu.memory_space<vmem>>[vector<16xi32>], vector<16xf32>,
      %parallel_loop3A_569 = arith.addf %parallel_loop3A_568, %parallel_loop3A_488 : vector<16xf32>
      %parallel_loop3A_570 = arith.mulf %parallel_loop3A_569, %parallel_loop3A_123 : vector<16xf32>
      %parallel_loop3A_571 = arith.maximumf %parallel_loop3A_564, %parallel_loop3A_570 : vector<16xf32>
      %parallel_loop3A_572 = arith.constant 32 : i32
      %parallel_loop3A_573 = vector.broadcast %parallel_loop3A_572 : i32 to vector<16xi32>
      %parallel_loop3A_574 = arith.addi %parallel_loop3A_230, %parallel_loop3A_573 : vector<16xi32>
      %parallel_loop3A_575 = tpu.vector_load_idx %arg6[%parallel_loop3A_574] : memref<65536xf32, #tpu.memory_space<vmem>>[vector<16xi32>], vector<16xf32>,
      %parallel_loop3A_576 = arith.addf %parallel_loop3A_575, %parallel_loop3A_488 : vector<16xf32>
      %parallel_loop3A_577 = arith.mulf %parallel_loop3A_576, %parallel_loop3A_127 : vector<16xf32>
      %parallel_loop3A_578 = arith.maximumf %parallel_loop3A_571, %parallel_loop3A_577 : vector<16xf32>
      %parallel_loop3A_579 = arith.constant 32 : i32
      %parallel_loop3A_580 = vector.broadcast %parallel_loop3A_579 : i32 to vector<16xi32>
      %parallel_loop3A_581 = arith.addi %parallel_loop3A_237, %parallel_loop3A_580 : vector<16xi32>
      %parallel_loop3A_582 = tpu.vector_load_idx %arg6[%parallel_loop3A_581] : memref<65536xf32, #tpu.memory_space<vmem>>[vector<16xi32>], vector<16xf32>,
      %parallel_loop3A_583 = arith.addf %parallel_loop3A_582, %parallel_loop3A_488 : vector<16xf32>
      %parallel_loop3A_584 = arith.mulf %parallel_loop3A_583, %parallel_loop3A_131 : vector<16xf32>
      %parallel_loop3A_585 = arith.maximumf %parallel_loop3A_578, %parallel_loop3A_584 : vector<16xf32>
      %parallel_loop3A_586 = arith.constant 32 : i32
      %parallel_loop3A_587 = vector.broadcast %parallel_loop3A_586 : i32 to vector<16xi32>
      %parallel_loop3A_588 = arith.addi %parallel_loop3A_244, %parallel_loop3A_587 : vector<16xi32>
      %parallel_loop3A_589 = tpu.vector_load_idx %arg6[%parallel_loop3A_588] : memref<65536xf32, #tpu.memory_space<vmem>>[vector<16xi32>], vector<16xf32>,
      %parallel_loop3A_590 = arith.addf %parallel_loop3A_589, %parallel_loop3A_488 : vector<16xf32>
      %parallel_loop3A_591 = arith.mulf %parallel_loop3A_590, %parallel_loop3A_135 : vector<16xf32>
      %parallel_loop3A_592 = arith.maximumf %parallel_loop3A_585, %parallel_loop3A_591 : vector<16xf32>
      %parallel_loop3A_593 = arith.constant 32 : i32
      %parallel_loop3A_594 = vector.broadcast %parallel_loop3A_593 : i32 to vector<16xi32>
      %parallel_loop3A_595 = arith.addi %parallel_loop3A_251, %parallel_loop3A_594 : vector<16xi32>
      %parallel_loop3A_596 = tpu.vector_load_idx %arg6[%parallel_loop3A_595] : memref<65536xf32, #tpu.memory_space<vmem>>[vector<16xi32>], vector<16xf32>,
      %parallel_loop3A_597 = arith.addf %parallel_loop3A_596, %parallel_loop3A_488 : vector<16xf32>
      %parallel_loop3A_598 = arith.mulf %parallel_loop3A_597, %parallel_loop3A_139 : vector<16xf32>
      %parallel_loop3A_599 = arith.maximumf %parallel_loop3A_592, %parallel_loop3A_598 : vector<16xf32>
      %parallel_loop3A_600 = arith.index_cast %parallel_loop3A_27 : i32 to index
      %parallel_loop3A_601 = arith.constant 32 : index
      %parallel_loop3A_602 = tpu.vector_load %arg9[%parallel_loop3A_600, %parallel_loop3A_601] {strides = array<i32>} : memref<64x128xf32, #tpu.memory_space<vmem>>, vector<16xf32>,
      tpu.vector_store %arg9[%parallel_loop3A_600, %parallel_loop3A_601], %parallel_loop3A_599 {strides = array<i32>} : memref<64x128xf32, #tpu.memory_space<vmem>>, vector<16xf32>,
      %parallel_loop3A_603 = arith.index_cast %parallel_loop3A_27 : i32 to index
      %parallel_loop3A_604 = arith.constant 48 : index
      %parallel_loop3A_605 = tpu.vector_load %arg8[%parallel_loop3A_603, %parallel_loop3A_604] {strides = array<i32>} : memref<64x128xf32, #tpu.memory_space<vmem>>, vector<16xf32>,
      %parallel_loop3A_606 = arith.constant 48 : i32
      %parallel_loop3A_607 = vector.broadcast %parallel_loop3A_606 : i32 to vector<16xi32>
      %parallel_loop3A_608 = arith.addi %parallel_loop3A_146, %parallel_loop3A_607 : vector<16xi32>
      %parallel_loop3A_609 = tpu.vector_load_idx %arg6[%parallel_loop3A_608] : memref<65536xf32, #tpu.memory_space<vmem>>[vector<16xi32>], vector<16xf32>,
      %parallel_loop3A_610 = arith.addf %parallel_loop3A_609, %parallel_loop3A_605 : vector<16xf32>
      %parallel_loop3A_611 = arith.mulf %parallel_loop3A_610, %parallel_loop3A_79 : vector<16xf32>
      %parallel_loop3A_612 = arith.constant 48 : i32
      %parallel_loop3A_613 = vector.broadcast %parallel_loop3A_612 : i32 to vector<16xi32>
      %parallel_loop3A_614 = arith.addi %parallel_loop3A_153, %parallel_loop3A_613 : vector<16xi32>
      %parallel_loop3A_615 = tpu.vector_load_idx %arg6[%parallel_loop3A_614] : memref<65536xf32, #tpu.memory_space<vmem>>[vector<16xi32>], vector<16xf32>,
      %parallel_loop3A_616 = arith.addf %parallel_loop3A_615, %parallel_loop3A_605 : vector<16xf32>
      %parallel_loop3A_617 = arith.mulf %parallel_loop3A_616, %parallel_loop3A_83 : vector<16xf32>
      %parallel_loop3A_618 = arith.maximumf %parallel_loop3A_611, %parallel_loop3A_617 : vector<16xf32>
      %parallel_loop3A_619 = arith.constant 48 : i32
      %parallel_loop3A_620 = vector.broadcast %parallel_loop3A_619 : i32 to vector<16xi32>
      %parallel_loop3A_621 = arith.addi %parallel_loop3A_160, %parallel_loop3A_620 : vector<16xi32>
      %parallel_loop3A_622 = tpu.vector_load_idx %arg6[%parallel_loop3A_621] : memref<65536xf32, #tpu.memory_space<vmem>>[vector<16xi32>], vector<16xf32>,
      %parallel_loop3A_623 = arith.addf %parallel_loop3A_622, %parallel_loop3A_605 : vector<16xf32>
      %parallel_loop3A_624 = arith.mulf %parallel_loop3A_623, %parallel_loop3A_87 : vector<16xf32>
      %parallel_loop3A_625 = arith.maximumf %parallel_loop3A_618, %parallel_loop3A_624 : vector<16xf32>
      %parallel_loop3A_626 = arith.constant 48 : i32
      %parallel_loop3A_627 = vector.broadcast %parallel_loop3A_626 : i32 to vector<16xi32>
      %parallel_loop3A_628 = arith.addi %parallel_loop3A_167, %parallel_loop3A_627 : vector<16xi32>
      %parallel_loop3A_629 = tpu.vector_load_idx %arg6[%parallel_loop3A_628] : memref<65536xf32, #tpu.memory_space<vmem>>[vector<16xi32>], vector<16xf32>,
      %parallel_loop3A_630 = arith.addf %parallel_loop3A_629, %parallel_loop3A_605 : vector<16xf32>
      %parallel_loop3A_631 = arith.mulf %parallel_loop3A_630, %parallel_loop3A_91 : vector<16xf32>
      %parallel_loop3A_632 = arith.maximumf %parallel_loop3A_625, %parallel_loop3A_631 : vector<16xf32>
      %parallel_loop3A_633 = arith.constant 48 : i32
      %parallel_loop3A_634 = vector.broadcast %parallel_loop3A_633 : i32 to vector<16xi32>
      %parallel_loop3A_635 = arith.addi %parallel_loop3A_174, %parallel_loop3A_634 : vector<16xi32>
      %parallel_loop3A_636 = tpu.vector_load_idx %arg6[%parallel_loop3A_635] : memref<65536xf32, #tpu.memory_space<vmem>>[vector<16xi32>], vector<16xf32>,
      %parallel_loop3A_637 = arith.addf %parallel_loop3A_636, %parallel_loop3A_605 : vector<16xf32>
      %parallel_loop3A_638 = arith.mulf %parallel_loop3A_637, %parallel_loop3A_95 : vector<16xf32>
      %parallel_loop3A_639 = arith.maximumf %parallel_loop3A_632, %parallel_loop3A_638 : vector<16xf32>
      %parallel_loop3A_640 = arith.constant 48 : i32
      %parallel_loop3A_641 = vector.broadcast %parallel_loop3A_640 : i32 to vector<16xi32>
      %parallel_loop3A_642 = arith.addi %parallel_loop3A_181, %parallel_loop3A_641 : vector<16xi32>
      %parallel_loop3A_643 = tpu.vector_load_idx %arg6[%parallel_loop3A_642] : memref<65536xf32, #tpu.memory_space<vmem>>[vector<16xi32>], vector<16xf32>,
      %parallel_loop3A_644 = arith.addf %parallel_loop3A_643, %parallel_loop3A_605 : vector<16xf32>
      %parallel_loop3A_645 = arith.mulf %parallel_loop3A_644, %parallel_loop3A_99 : vector<16xf32>
      %parallel_loop3A_646 = arith.maximumf %parallel_loop3A_639, %parallel_loop3A_645 : vector<16xf32>
      %parallel_loop3A_647 = arith.constant 48 : i32
      %parallel_loop3A_648 = vector.broadcast %parallel_loop3A_647 : i32 to vector<16xi32>
      %parallel_loop3A_649 = arith.addi %parallel_loop3A_188, %parallel_loop3A_648 : vector<16xi32>
      %parallel_loop3A_650 = tpu.vector_load_idx %arg6[%parallel_loop3A_649] : memref<65536xf32, #tpu.memory_space<vmem>>[vector<16xi32>], vector<16xf32>,
      %parallel_loop3A_651 = arith.addf %parallel_loop3A_650, %parallel_loop3A_605 : vector<16xf32>
      %parallel_loop3A_652 = arith.mulf %parallel_loop3A_651, %parallel_loop3A_103 : vector<16xf32>
      %parallel_loop3A_653 = arith.maximumf %parallel_loop3A_646, %parallel_loop3A_652 : vector<16xf32>
      %parallel_loop3A_654 = arith.constant 48 : i32
      %parallel_loop3A_655 = vector.broadcast %parallel_loop3A_654 : i32 to vector<16xi32>
      %parallel_loop3A_656 = arith.addi %parallel_loop3A_195, %parallel_loop3A_655 : vector<16xi32>
      %parallel_loop3A_657 = tpu.vector_load_idx %arg6[%parallel_loop3A_656] : memref<65536xf32, #tpu.memory_space<vmem>>[vector<16xi32>], vector<16xf32>,
      %parallel_loop3A_658 = arith.addf %parallel_loop3A_657, %parallel_loop3A_605 : vector<16xf32>
      %parallel_loop3A_659 = arith.mulf %parallel_loop3A_658, %parallel_loop3A_107 : vector<16xf32>
      %parallel_loop3A_660 = arith.maximumf %parallel_loop3A_653, %parallel_loop3A_659 : vector<16xf32>
      %parallel_loop3A_661 = arith.constant 48 : i32
      %parallel_loop3A_662 = vector.broadcast %parallel_loop3A_661 : i32 to vector<16xi32>
      %parallel_loop3A_663 = arith.addi %parallel_loop3A_202, %parallel_loop3A_662 : vector<16xi32>
      %parallel_loop3A_664 = tpu.vector_load_idx %arg6[%parallel_loop3A_663] : memref<65536xf32, #tpu.memory_space<vmem>>[vector<16xi32>], vector<16xf32>,
      %parallel_loop3A_665 = arith.addf %parallel_loop3A_664, %parallel_loop3A_605 : vector<16xf32>
      %parallel_loop3A_666 = arith.mulf %parallel_loop3A_665, %parallel_loop3A_111 : vector<16xf32>
      %parallel_loop3A_667 = arith.maximumf %parallel_loop3A_660, %parallel_loop3A_666 : vector<16xf32>
      %parallel_loop3A_668 = arith.constant 48 : i32
      %parallel_loop3A_669 = vector.broadcast %parallel_loop3A_668 : i32 to vector<16xi32>
      %parallel_loop3A_670 = arith.addi %parallel_loop3A_209, %parallel_loop3A_669 : vector<16xi32>
      %parallel_loop3A_671 = tpu.vector_load_idx %arg6[%parallel_loop3A_670] : memref<65536xf32, #tpu.memory_space<vmem>>[vector<16xi32>], vector<16xf32>,
      %parallel_loop3A_672 = arith.addf %parallel_loop3A_671, %parallel_loop3A_605 : vector<16xf32>
      %parallel_loop3A_673 = arith.mulf %parallel_loop3A_672, %parallel_loop3A_115 : vector<16xf32>
      %parallel_loop3A_674 = arith.maximumf %parallel_loop3A_667, %parallel_loop3A_673 : vector<16xf32>
      %parallel_loop3A_675 = arith.constant 48 : i32
      %parallel_loop3A_676 = vector.broadcast %parallel_loop3A_675 : i32 to vector<16xi32>
      %parallel_loop3A_677 = arith.addi %parallel_loop3A_216, %parallel_loop3A_676 : vector<16xi32>
      %parallel_loop3A_678 = tpu.vector_load_idx %arg6[%parallel_loop3A_677] : memref<65536xf32, #tpu.memory_space<vmem>>[vector<16xi32>], vector<16xf32>,
      %parallel_loop3A_679 = arith.addf %parallel_loop3A_678, %parallel_loop3A_605 : vector<16xf32>
      %parallel_loop3A_680 = arith.mulf %parallel_loop3A_679, %parallel_loop3A_119 : vector<16xf32>
      %parallel_loop3A_681 = arith.maximumf %parallel_loop3A_674, %parallel_loop3A_680 : vector<16xf32>
      %parallel_loop3A_682 = arith.constant 48 : i32
      %parallel_loop3A_683 = vector.broadcast %parallel_loop3A_682 : i32 to vector<16xi32>
      %parallel_loop3A_684 = arith.addi %parallel_loop3A_223, %parallel_loop3A_683 : vector<16xi32>
      %parallel_loop3A_685 = tpu.vector_load_idx %arg6[%parallel_loop3A_684] : memref<65536xf32, #tpu.memory_space<vmem>>[vector<16xi32>], vector<16xf32>,
      %parallel_loop3A_686 = arith.addf %parallel_loop3A_685, %parallel_loop3A_605 : vector<16xf32>
      %parallel_loop3A_687 = arith.mulf %parallel_loop3A_686, %parallel_loop3A_123 : vector<16xf32>
      %parallel_loop3A_688 = arith.maximumf %parallel_loop3A_681, %parallel_loop3A_687 : vector<16xf32>
      %parallel_loop3A_689 = arith.constant 48 : i32
      %parallel_loop3A_690 = vector.broadcast %parallel_loop3A_689 : i32 to vector<16xi32>
      %parallel_loop3A_691 = arith.addi %parallel_loop3A_230, %parallel_loop3A_690 : vector<16xi32>
      %parallel_loop3A_692 = tpu.vector_load_idx %arg6[%parallel_loop3A_691] : memref<65536xf32, #tpu.memory_space<vmem>>[vector<16xi32>], vector<16xf32>,
      %parallel_loop3A_693 = arith.addf %parallel_loop3A_692, %parallel_loop3A_605 : vector<16xf32>
      %parallel_loop3A_694 = arith.mulf %parallel_loop3A_693, %parallel_loop3A_127 : vector<16xf32>
      %parallel_loop3A_695 = arith.maximumf %parallel_loop3A_688, %parallel_loop3A_694 : vector<16xf32>
      %parallel_loop3A_696 = arith.constant 48 : i32
      %parallel_loop3A_697 = vector.broadcast %parallel_loop3A_696 : i32 to vector<16xi32>
      %parallel_loop3A_698 = arith.addi %parallel_loop3A_237, %parallel_loop3A_697 : vector<16xi32>
      %parallel_loop3A_699 = tpu.vector_load_idx %arg6[%parallel_loop3A_698] : memref<65536xf32, #tpu.memory_space<vmem>>[vector<16xi32>], vector<16xf32>,
      %parallel_loop3A_700 = arith.addf %parallel_loop3A_699, %parallel_loop3A_605 : vector<16xf32>
      %parallel_loop3A_701 = arith.mulf %parallel_loop3A_700, %parallel_loop3A_131 : vector<16xf32>
      %parallel_loop3A_702 = arith.maximumf %parallel_loop3A_695, %parallel_loop3A_701 : vector<16xf32>
      %parallel_loop3A_703 = arith.constant 48 : i32
      %parallel_loop3A_704 = vector.broadcast %parallel_loop3A_703 : i32 to vector<16xi32>
      %parallel_loop3A_705 = arith.addi %parallel_loop3A_244, %parallel_loop3A_704 : vector<16xi32>
      %parallel_loop3A_706 = tpu.vector_load_idx %arg6[%parallel_loop3A_705] : memref<65536xf32, #tpu.memory_space<vmem>>[vector<16xi32>], vector<16xf32>,
      %parallel_loop3A_707 = arith.addf %parallel_loop3A_706, %parallel_loop3A_605 : vector<16xf32>
      %parallel_loop3A_708 = arith.mulf %parallel_loop3A_707, %parallel_loop3A_135 : vector<16xf32>
      %parallel_loop3A_709 = arith.maximumf %parallel_loop3A_702, %parallel_loop3A_708 : vector<16xf32>
      %parallel_loop3A_710 = arith.constant 48 : i32
      %parallel_loop3A_711 = vector.broadcast %parallel_loop3A_710 : i32 to vector<16xi32>
      %parallel_loop3A_712 = arith.addi %parallel_loop3A_251, %parallel_loop3A_711 : vector<16xi32>
      %parallel_loop3A_713 = tpu.vector_load_idx %arg6[%parallel_loop3A_712] : memref<65536xf32, #tpu.memory_space<vmem>>[vector<16xi32>], vector<16xf32>,
      %parallel_loop3A_714 = arith.addf %parallel_loop3A_713, %parallel_loop3A_605 : vector<16xf32>
      %parallel_loop3A_715 = arith.mulf %parallel_loop3A_714, %parallel_loop3A_139 : vector<16xf32>
      %parallel_loop3A_716 = arith.maximumf %parallel_loop3A_709, %parallel_loop3A_715 : vector<16xf32>
      %parallel_loop3A_717 = arith.index_cast %parallel_loop3A_27 : i32 to index
      %parallel_loop3A_718 = arith.constant 48 : index
      %parallel_loop3A_719 = tpu.vector_load %arg9[%parallel_loop3A_717, %parallel_loop3A_718] {strides = array<i32>} : memref<64x128xf32, #tpu.memory_space<vmem>>, vector<16xf32>,
      tpu.vector_store %arg9[%parallel_loop3A_717, %parallel_loop3A_718], %parallel_loop3A_716 {strides = array<i32>} : memref<64x128xf32, #tpu.memory_space<vmem>>, vector<16xf32>,
      %parallel_loop3A_720 = arith.index_cast %parallel_loop3A_27 : i32 to index
      %parallel_loop3A_721 = arith.constant 64 : index
      %parallel_loop3A_722 = tpu.vector_load %arg8[%parallel_loop3A_720, %parallel_loop3A_721] {strides = array<i32>} : memref<64x128xf32, #tpu.memory_space<vmem>>, vector<16xf32>,
      %parallel_loop3A_723 = arith.constant 64 : i32
      %parallel_loop3A_724 = vector.broadcast %parallel_loop3A_723 : i32 to vector<16xi32>
      %parallel_loop3A_725 = arith.addi %parallel_loop3A_146, %parallel_loop3A_724 : vector<16xi32>
      %parallel_loop3A_726 = tpu.vector_load_idx %arg6[%parallel_loop3A_725] : memref<65536xf32, #tpu.memory_space<vmem>>[vector<16xi32>], vector<16xf32>,
      %parallel_loop3A_727 = arith.addf %parallel_loop3A_726, %parallel_loop3A_722 : vector<16xf32>
      %parallel_loop3A_728 = arith.mulf %parallel_loop3A_727, %parallel_loop3A_79 : vector<16xf32>
      %parallel_loop3A_729 = arith.constant 64 : i32
      %parallel_loop3A_730 = vector.broadcast %parallel_loop3A_729 : i32 to vector<16xi32>
      %parallel_loop3A_731 = arith.addi %parallel_loop3A_153, %parallel_loop3A_730 : vector<16xi32>
      %parallel_loop3A_732 = tpu.vector_load_idx %arg6[%parallel_loop3A_731] : memref<65536xf32, #tpu.memory_space<vmem>>[vector<16xi32>], vector<16xf32>,
      %parallel_loop3A_733 = arith.addf %parallel_loop3A_732, %parallel_loop3A_722 : vector<16xf32>
      %parallel_loop3A_734 = arith.mulf %parallel_loop3A_733, %parallel_loop3A_83 : vector<16xf32>
      %parallel_loop3A_735 = arith.maximumf %parallel_loop3A_728, %parallel_loop3A_734 : vector<16xf32>
      %parallel_loop3A_736 = arith.constant 64 : i32
      %parallel_loop3A_737 = vector.broadcast %parallel_loop3A_736 : i32 to vector<16xi32>
      %parallel_loop3A_738 = arith.addi %parallel_loop3A_160, %parallel_loop3A_737 : vector<16xi32>
      %parallel_loop3A_739 = tpu.vector_load_idx %arg6[%parallel_loop3A_738] : memref<65536xf32, #tpu.memory_space<vmem>>[vector<16xi32>], vector<16xf32>,
      %parallel_loop3A_740 = arith.addf %parallel_loop3A_739, %parallel_loop3A_722 : vector<16xf32>
      %parallel_loop3A_741 = arith.mulf %parallel_loop3A_740, %parallel_loop3A_87 : vector<16xf32>
      %parallel_loop3A_742 = arith.maximumf %parallel_loop3A_735, %parallel_loop3A_741 : vector<16xf32>
      %parallel_loop3A_743 = arith.constant 64 : i32
      %parallel_loop3A_744 = vector.broadcast %parallel_loop3A_743 : i32 to vector<16xi32>
      %parallel_loop3A_745 = arith.addi %parallel_loop3A_167, %parallel_loop3A_744 : vector<16xi32>
      %parallel_loop3A_746 = tpu.vector_load_idx %arg6[%parallel_loop3A_745] : memref<65536xf32, #tpu.memory_space<vmem>>[vector<16xi32>], vector<16xf32>,
      %parallel_loop3A_747 = arith.addf %parallel_loop3A_746, %parallel_loop3A_722 : vector<16xf32>
      %parallel_loop3A_748 = arith.mulf %parallel_loop3A_747, %parallel_loop3A_91 : vector<16xf32>
      %parallel_loop3A_749 = arith.maximumf %parallel_loop3A_742, %parallel_loop3A_748 : vector<16xf32>
      %parallel_loop3A_750 = arith.constant 64 : i32
      %parallel_loop3A_751 = vector.broadcast %parallel_loop3A_750 : i32 to vector<16xi32>
      %parallel_loop3A_752 = arith.addi %parallel_loop3A_174, %parallel_loop3A_751 : vector<16xi32>
      %parallel_loop3A_753 = tpu.vector_load_idx %arg6[%parallel_loop3A_752] : memref<65536xf32, #tpu.memory_space<vmem>>[vector<16xi32>], vector<16xf32>,
      %parallel_loop3A_754 = arith.addf %parallel_loop3A_753, %parallel_loop3A_722 : vector<16xf32>
      %parallel_loop3A_755 = arith.mulf %parallel_loop3A_754, %parallel_loop3A_95 : vector<16xf32>
      %parallel_loop3A_756 = arith.maximumf %parallel_loop3A_749, %parallel_loop3A_755 : vector<16xf32>
      %parallel_loop3A_757 = arith.constant 64 : i32
      %parallel_loop3A_758 = vector.broadcast %parallel_loop3A_757 : i32 to vector<16xi32>
      %parallel_loop3A_759 = arith.addi %parallel_loop3A_181, %parallel_loop3A_758 : vector<16xi32>
      %parallel_loop3A_760 = tpu.vector_load_idx %arg6[%parallel_loop3A_759] : memref<65536xf32, #tpu.memory_space<vmem>>[vector<16xi32>], vector<16xf32>,
      %parallel_loop3A_761 = arith.addf %parallel_loop3A_760, %parallel_loop3A_722 : vector<16xf32>
      %parallel_loop3A_762 = arith.mulf %parallel_loop3A_761, %parallel_loop3A_99 : vector<16xf32>
      %parallel_loop3A_763 = arith.maximumf %parallel_loop3A_756, %parallel_loop3A_762 : vector<16xf32>
      %parallel_loop3A_764 = arith.constant 64 : i32
      %parallel_loop3A_765 = vector.broadcast %parallel_loop3A_764 : i32 to vector<16xi32>
      %parallel_loop3A_766 = arith.addi %parallel_loop3A_188, %parallel_loop3A_765 : vector<16xi32>
      %parallel_loop3A_767 = tpu.vector_load_idx %arg6[%parallel_loop3A_766] : memref<65536xf32, #tpu.memory_space<vmem>>[vector<16xi32>], vector<16xf32>,
      %parallel_loop3A_768 = arith.addf %parallel_loop3A_767, %parallel_loop3A_722 : vector<16xf32>
      %parallel_loop3A_769 = arith.mulf %parallel_loop3A_768, %parallel_loop3A_103 : vector<16xf32>
      %parallel_loop3A_770 = arith.maximumf %parallel_loop3A_763, %parallel_loop3A_769 : vector<16xf32>
      %parallel_loop3A_771 = arith.constant 64 : i32
      %parallel_loop3A_772 = vector.broadcast %parallel_loop3A_771 : i32 to vector<16xi32>
      %parallel_loop3A_773 = arith.addi %parallel_loop3A_195, %parallel_loop3A_772 : vector<16xi32>
      %parallel_loop3A_774 = tpu.vector_load_idx %arg6[%parallel_loop3A_773] : memref<65536xf32, #tpu.memory_space<vmem>>[vector<16xi32>], vector<16xf32>,
      %parallel_loop3A_775 = arith.addf %parallel_loop3A_774, %parallel_loop3A_722 : vector<16xf32>
      %parallel_loop3A_776 = arith.mulf %parallel_loop3A_775, %parallel_loop3A_107 : vector<16xf32>
      %parallel_loop3A_777 = arith.maximumf %parallel_loop3A_770, %parallel_loop3A_776 : vector<16xf32>
      %parallel_loop3A_778 = arith.constant 64 : i32
      %parallel_loop3A_779 = vector.broadcast %parallel_loop3A_778 : i32 to vector<16xi32>
      %parallel_loop3A_780 = arith.addi %parallel_loop3A_202, %parallel_loop3A_779 : vector<16xi32>
      %parallel_loop3A_781 = tpu.vector_load_idx %arg6[%parallel_loop3A_780] : memref<65536xf32, #tpu.memory_space<vmem>>[vector<16xi32>], vector<16xf32>,
      %parallel_loop3A_782 = arith.addf %parallel_loop3A_781, %parallel_loop3A_722 : vector<16xf32>
      %parallel_loop3A_783 = arith.mulf %parallel_loop3A_782, %parallel_loop3A_111 : vector<16xf32>
      %parallel_loop3A_784 = arith.maximumf %parallel_loop3A_777, %parallel_loop3A_783 : vector<16xf32>
      %parallel_loop3A_785 = arith.constant 64 : i32
      %parallel_loop3A_786 = vector.broadcast %parallel_loop3A_785 : i32 to vector<16xi32>
      %parallel_loop3A_787 = arith.addi %parallel_loop3A_209, %parallel_loop3A_786 : vector<16xi32>
      %parallel_loop3A_788 = tpu.vector_load_idx %arg6[%parallel_loop3A_787] : memref<65536xf32, #tpu.memory_space<vmem>>[vector<16xi32>], vector<16xf32>,
      %parallel_loop3A_789 = arith.addf %parallel_loop3A_788, %parallel_loop3A_722 : vector<16xf32>
      %parallel_loop3A_790 = arith.mulf %parallel_loop3A_789, %parallel_loop3A_115 : vector<16xf32>
      %parallel_loop3A_791 = arith.maximumf %parallel_loop3A_784, %parallel_loop3A_790 : vector<16xf32>
      %parallel_loop3A_792 = arith.constant 64 : i32
      %parallel_loop3A_793 = vector.broadcast %parallel_loop3A_792 : i32 to vector<16xi32>
      %parallel_loop3A_794 = arith.addi %parallel_loop3A_216, %parallel_loop3A_793 : vector<16xi32>
      %parallel_loop3A_795 = tpu.vector_load_idx %arg6[%parallel_loop3A_794] : memref<65536xf32, #tpu.memory_space<vmem>>[vector<16xi32>], vector<16xf32>,
      %parallel_loop3A_796 = arith.addf %parallel_loop3A_795, %parallel_loop3A_722 : vector<16xf32>
      %parallel_loop3A_797 = arith.mulf %parallel_loop3A_796, %parallel_loop3A_119 : vector<16xf32>
      %parallel_loop3A_798 = arith.maximumf %parallel_loop3A_791, %parallel_loop3A_797 : vector<16xf32>
      %parallel_loop3A_799 = arith.constant 64 : i32
      %parallel_loop3A_800 = vector.broadcast %parallel_loop3A_799 : i32 to vector<16xi32>
      %parallel_loop3A_801 = arith.addi %parallel_loop3A_223, %parallel_loop3A_800 : vector<16xi32>
      %parallel_loop3A_802 = tpu.vector_load_idx %arg6[%parallel_loop3A_801] : memref<65536xf32, #tpu.memory_space<vmem>>[vector<16xi32>], vector<16xf32>,
      %parallel_loop3A_803 = arith.addf %parallel_loop3A_802, %parallel_loop3A_722 : vector<16xf32>
      %parallel_loop3A_804 = arith.mulf %parallel_loop3A_803, %parallel_loop3A_123 : vector<16xf32>
      %parallel_loop3A_805 = arith.maximumf %parallel_loop3A_798, %parallel_loop3A_804 : vector<16xf32>
      %parallel_loop3A_806 = arith.constant 64 : i32
      %parallel_loop3A_807 = vector.broadcast %parallel_loop3A_806 : i32 to vector<16xi32>
      %parallel_loop3A_808 = arith.addi %parallel_loop3A_230, %parallel_loop3A_807 : vector<16xi32>
      %parallel_loop3A_809 = tpu.vector_load_idx %arg6[%parallel_loop3A_808] : memref<65536xf32, #tpu.memory_space<vmem>>[vector<16xi32>], vector<16xf32>,
      %parallel_loop3A_810 = arith.addf %parallel_loop3A_809, %parallel_loop3A_722 : vector<16xf32>
      %parallel_loop3A_811 = arith.mulf %parallel_loop3A_810, %parallel_loop3A_127 : vector<16xf32>
      %parallel_loop3A_812 = arith.maximumf %parallel_loop3A_805, %parallel_loop3A_811 : vector<16xf32>
      %parallel_loop3A_813 = arith.constant 64 : i32
      %parallel_loop3A_814 = vector.broadcast %parallel_loop3A_813 : i32 to vector<16xi32>
      %parallel_loop3A_815 = arith.addi %parallel_loop3A_237, %parallel_loop3A_814 : vector<16xi32>
      %parallel_loop3A_816 = tpu.vector_load_idx %arg6[%parallel_loop3A_815] : memref<65536xf32, #tpu.memory_space<vmem>>[vector<16xi32>], vector<16xf32>,
      %parallel_loop3A_817 = arith.addf %parallel_loop3A_816, %parallel_loop3A_722 : vector<16xf32>
      %parallel_loop3A_818 = arith.mulf %parallel_loop3A_817, %parallel_loop3A_131 : vector<16xf32>
      %parallel_loop3A_819 = arith.maximumf %parallel_loop3A_812, %parallel_loop3A_818 : vector<16xf32>
      %parallel_loop3A_820 = arith.constant 64 : i32
      %parallel_loop3A_821 = vector.broadcast %parallel_loop3A_820 : i32 to vector<16xi32>
      %parallel_loop3A_822 = arith.addi %parallel_loop3A_244, %parallel_loop3A_821 : vector<16xi32>
      %parallel_loop3A_823 = tpu.vector_load_idx %arg6[%parallel_loop3A_822] : memref<65536xf32, #tpu.memory_space<vmem>>[vector<16xi32>], vector<16xf32>,
      %parallel_loop3A_824 = arith.addf %parallel_loop3A_823, %parallel_loop3A_722 : vector<16xf32>
      %parallel_loop3A_825 = arith.mulf %parallel_loop3A_824, %parallel_loop3A_135 : vector<16xf32>
      %parallel_loop3A_826 = arith.maximumf %parallel_loop3A_819, %parallel_loop3A_825 : vector<16xf32>
      %parallel_loop3A_827 = arith.constant 64 : i32
      %parallel_loop3A_828 = vector.broadcast %parallel_loop3A_827 : i32 to vector<16xi32>
      %parallel_loop3A_829 = arith.addi %parallel_loop3A_251, %parallel_loop3A_828 : vector<16xi32>
      %parallel_loop3A_830 = tpu.vector_load_idx %arg6[%parallel_loop3A_829] : memref<65536xf32, #tpu.memory_space<vmem>>[vector<16xi32>], vector<16xf32>,
      %parallel_loop3A_831 = arith.addf %parallel_loop3A_830, %parallel_loop3A_722 : vector<16xf32>
      %parallel_loop3A_832 = arith.mulf %parallel_loop3A_831, %parallel_loop3A_139 : vector<16xf32>
      %parallel_loop3A_833 = arith.maximumf %parallel_loop3A_826, %parallel_loop3A_832 : vector<16xf32>
      %parallel_loop3A_834 = arith.index_cast %parallel_loop3A_27 : i32 to index
      %parallel_loop3A_835 = arith.constant 64 : index
      %parallel_loop3A_836 = tpu.vector_load %arg9[%parallel_loop3A_834, %parallel_loop3A_835] {strides = array<i32>} : memref<64x128xf32, #tpu.memory_space<vmem>>, vector<16xf32>,
      tpu.vector_store %arg9[%parallel_loop3A_834, %parallel_loop3A_835], %parallel_loop3A_833 {strides = array<i32>} : memref<64x128xf32, #tpu.memory_space<vmem>>, vector<16xf32>,
      %parallel_loop3A_837 = arith.index_cast %parallel_loop3A_27 : i32 to index
      %parallel_loop3A_838 = arith.constant 80 : index
      %parallel_loop3A_839 = tpu.vector_load %arg8[%parallel_loop3A_837, %parallel_loop3A_838] {strides = array<i32>} : memref<64x128xf32, #tpu.memory_space<vmem>>, vector<16xf32>,
      %parallel_loop3A_840 = arith.constant 80 : i32
      %parallel_loop3A_841 = vector.broadcast %parallel_loop3A_840 : i32 to vector<16xi32>
      %parallel_loop3A_842 = arith.addi %parallel_loop3A_146, %parallel_loop3A_841 : vector<16xi32>
      %parallel_loop3A_843 = tpu.vector_load_idx %arg6[%parallel_loop3A_842] : memref<65536xf32, #tpu.memory_space<vmem>>[vector<16xi32>], vector<16xf32>,
      %parallel_loop3A_844 = arith.addf %parallel_loop3A_843, %parallel_loop3A_839 : vector<16xf32>
      %parallel_loop3A_845 = arith.mulf %parallel_loop3A_844, %parallel_loop3A_79 : vector<16xf32>
      %parallel_loop3A_846 = arith.constant 80 : i32
      %parallel_loop3A_847 = vector.broadcast %parallel_loop3A_846 : i32 to vector<16xi32>
      %parallel_loop3A_848 = arith.addi %parallel_loop3A_153, %parallel_loop3A_847 : vector<16xi32>
      %parallel_loop3A_849 = tpu.vector_load_idx %arg6[%parallel_loop3A_848] : memref<65536xf32, #tpu.memory_space<vmem>>[vector<16xi32>], vector<16xf32>,
      %parallel_loop3A_850 = arith.addf %parallel_loop3A_849, %parallel_loop3A_839 : vector<16xf32>
      %parallel_loop3A_851 = arith.mulf %parallel_loop3A_850, %parallel_loop3A_83 : vector<16xf32>
      %parallel_loop3A_852 = arith.maximumf %parallel_loop3A_845, %parallel_loop3A_851 : vector<16xf32>
      %parallel_loop3A_853 = arith.constant 80 : i32
      %parallel_loop3A_854 = vector.broadcast %parallel_loop3A_853 : i32 to vector<16xi32>
      %parallel_loop3A_855 = arith.addi %parallel_loop3A_160, %parallel_loop3A_854 : vector<16xi32>
      %parallel_loop3A_856 = tpu.vector_load_idx %arg6[%parallel_loop3A_855] : memref<65536xf32, #tpu.memory_space<vmem>>[vector<16xi32>], vector<16xf32>,
      %parallel_loop3A_857 = arith.addf %parallel_loop3A_856, %parallel_loop3A_839 : vector<16xf32>
      %parallel_loop3A_858 = arith.mulf %parallel_loop3A_857, %parallel_loop3A_87 : vector<16xf32>
      %parallel_loop3A_859 = arith.maximumf %parallel_loop3A_852, %parallel_loop3A_858 : vector<16xf32>
      %parallel_loop3A_860 = arith.constant 80 : i32
      %parallel_loop3A_861 = vector.broadcast %parallel_loop3A_860 : i32 to vector<16xi32>
      %parallel_loop3A_862 = arith.addi %parallel_loop3A_167, %parallel_loop3A_861 : vector<16xi32>
      %parallel_loop3A_863 = tpu.vector_load_idx %arg6[%parallel_loop3A_862] : memref<65536xf32, #tpu.memory_space<vmem>>[vector<16xi32>], vector<16xf32>,
      %parallel_loop3A_864 = arith.addf %parallel_loop3A_863, %parallel_loop3A_839 : vector<16xf32>
      %parallel_loop3A_865 = arith.mulf %parallel_loop3A_864, %parallel_loop3A_91 : vector<16xf32>
      %parallel_loop3A_866 = arith.maximumf %parallel_loop3A_859, %parallel_loop3A_865 : vector<16xf32>
      %parallel_loop3A_867 = arith.constant 80 : i32
      %parallel_loop3A_868 = vector.broadcast %parallel_loop3A_867 : i32 to vector<16xi32>
      %parallel_loop3A_869 = arith.addi %parallel_loop3A_174, %parallel_loop3A_868 : vector<16xi32>
      %parallel_loop3A_870 = tpu.vector_load_idx %arg6[%parallel_loop3A_869] : memref<65536xf32, #tpu.memory_space<vmem>>[vector<16xi32>], vector<16xf32>,
      %parallel_loop3A_871 = arith.addf %parallel_loop3A_870, %parallel_loop3A_839 : vector<16xf32>
      %parallel_loop3A_872 = arith.mulf %parallel_loop3A_871, %parallel_loop3A_95 : vector<16xf32>
      %parallel_loop3A_873 = arith.maximumf %parallel_loop3A_866, %parallel_loop3A_872 : vector<16xf32>
      %parallel_loop3A_874 = arith.constant 80 : i32
      %parallel_loop3A_875 = vector.broadcast %parallel_loop3A_874 : i32 to vector<16xi32>
      %parallel_loop3A_876 = arith.addi %parallel_loop3A_181, %parallel_loop3A_875 : vector<16xi32>
      %parallel_loop3A_877 = tpu.vector_load_idx %arg6[%parallel_loop3A_876] : memref<65536xf32, #tpu.memory_space<vmem>>[vector<16xi32>], vector<16xf32>,
      %parallel_loop3A_878 = arith.addf %parallel_loop3A_877, %parallel_loop3A_839 : vector<16xf32>
      %parallel_loop3A_879 = arith.mulf %parallel_loop3A_878, %parallel_loop3A_99 : vector<16xf32>
      %parallel_loop3A_880 = arith.maximumf %parallel_loop3A_873, %parallel_loop3A_879 : vector<16xf32>
      %parallel_loop3A_881 = arith.constant 80 : i32
      %parallel_loop3A_882 = vector.broadcast %parallel_loop3A_881 : i32 to vector<16xi32>
      %parallel_loop3A_883 = arith.addi %parallel_loop3A_188, %parallel_loop3A_882 : vector<16xi32>
      %parallel_loop3A_884 = tpu.vector_load_idx %arg6[%parallel_loop3A_883] : memref<65536xf32, #tpu.memory_space<vmem>>[vector<16xi32>], vector<16xf32>,
      %parallel_loop3A_885 = arith.addf %parallel_loop3A_884, %parallel_loop3A_839 : vector<16xf32>
      %parallel_loop3A_886 = arith.mulf %parallel_loop3A_885, %parallel_loop3A_103 : vector<16xf32>
      %parallel_loop3A_887 = arith.maximumf %parallel_loop3A_880, %parallel_loop3A_886 : vector<16xf32>
      %parallel_loop3A_888 = arith.constant 80 : i32
      %parallel_loop3A_889 = vector.broadcast %parallel_loop3A_888 : i32 to vector<16xi32>
      %parallel_loop3A_890 = arith.addi %parallel_loop3A_195, %parallel_loop3A_889 : vector<16xi32>
      %parallel_loop3A_891 = tpu.vector_load_idx %arg6[%parallel_loop3A_890] : memref<65536xf32, #tpu.memory_space<vmem>>[vector<16xi32>], vector<16xf32>,
      %parallel_loop3A_892 = arith.addf %parallel_loop3A_891, %parallel_loop3A_839 : vector<16xf32>
      %parallel_loop3A_893 = arith.mulf %parallel_loop3A_892, %parallel_loop3A_107 : vector<16xf32>
      %parallel_loop3A_894 = arith.maximumf %parallel_loop3A_887, %parallel_loop3A_893 : vector<16xf32>
      %parallel_loop3A_895 = arith.constant 80 : i32
      %parallel_loop3A_896 = vector.broadcast %parallel_loop3A_895 : i32 to vector<16xi32>
      %parallel_loop3A_897 = arith.addi %parallel_loop3A_202, %parallel_loop3A_896 : vector<16xi32>
      %parallel_loop3A_898 = tpu.vector_load_idx %arg6[%parallel_loop3A_897] : memref<65536xf32, #tpu.memory_space<vmem>>[vector<16xi32>], vector<16xf32>,
      %parallel_loop3A_899 = arith.addf %parallel_loop3A_898, %parallel_loop3A_839 : vector<16xf32>
      %parallel_loop3A_900 = arith.mulf %parallel_loop3A_899, %parallel_loop3A_111 : vector<16xf32>
      %parallel_loop3A_901 = arith.maximumf %parallel_loop3A_894, %parallel_loop3A_900 : vector<16xf32>
      %parallel_loop3A_902 = arith.constant 80 : i32
      %parallel_loop3A_903 = vector.broadcast %parallel_loop3A_902 : i32 to vector<16xi32>
      %parallel_loop3A_904 = arith.addi %parallel_loop3A_209, %parallel_loop3A_903 : vector<16xi32>
      %parallel_loop3A_905 = tpu.vector_load_idx %arg6[%parallel_loop3A_904] : memref<65536xf32, #tpu.memory_space<vmem>>[vector<16xi32>], vector<16xf32>,
      %parallel_loop3A_906 = arith.addf %parallel_loop3A_905, %parallel_loop3A_839 : vector<16xf32>
      %parallel_loop3A_907 = arith.mulf %parallel_loop3A_906, %parallel_loop3A_115 : vector<16xf32>
      %parallel_loop3A_908 = arith.maximumf %parallel_loop3A_901, %parallel_loop3A_907 : vector<16xf32>
      %parallel_loop3A_909 = arith.constant 80 : i32
      %parallel_loop3A_910 = vector.broadcast %parallel_loop3A_909 : i32 to vector<16xi32>
      %parallel_loop3A_911 = arith.addi %parallel_loop3A_216, %parallel_loop3A_910 : vector<16xi32>
      %parallel_loop3A_912 = tpu.vector_load_idx %arg6[%parallel_loop3A_911] : memref<65536xf32, #tpu.memory_space<vmem>>[vector<16xi32>], vector<16xf32>,
      %parallel_loop3A_913 = arith.addf %parallel_loop3A_912, %parallel_loop3A_839 : vector<16xf32>
      %parallel_loop3A_914 = arith.mulf %parallel_loop3A_913, %parallel_loop3A_119 : vector<16xf32>
      %parallel_loop3A_915 = arith.maximumf %parallel_loop3A_908, %parallel_loop3A_914 : vector<16xf32>
      %parallel_loop3A_916 = arith.constant 80 : i32
      %parallel_loop3A_917 = vector.broadcast %parallel_loop3A_916 : i32 to vector<16xi32>
      %parallel_loop3A_918 = arith.addi %parallel_loop3A_223, %parallel_loop3A_917 : vector<16xi32>
      %parallel_loop3A_919 = tpu.vector_load_idx %arg6[%parallel_loop3A_918] : memref<65536xf32, #tpu.memory_space<vmem>>[vector<16xi32>], vector<16xf32>,
      %parallel_loop3A_920 = arith.addf %parallel_loop3A_919, %parallel_loop3A_839 : vector<16xf32>
      %parallel_loop3A_921 = arith.mulf %parallel_loop3A_920, %parallel_loop3A_123 : vector<16xf32>
      %parallel_loop3A_922 = arith.maximumf %parallel_loop3A_915, %parallel_loop3A_921 : vector<16xf32>
      %parallel_loop3A_923 = arith.constant 80 : i32
      %parallel_loop3A_924 = vector.broadcast %parallel_loop3A_923 : i32 to vector<16xi32>
      %parallel_loop3A_925 = arith.addi %parallel_loop3A_230, %parallel_loop3A_924 : vector<16xi32>
      %parallel_loop3A_926 = tpu.vector_load_idx %arg6[%parallel_loop3A_925] : memref<65536xf32, #tpu.memory_space<vmem>>[vector<16xi32>], vector<16xf32>,
      %parallel_loop3A_927 = arith.addf %parallel_loop3A_926, %parallel_loop3A_839 : vector<16xf32>
      %parallel_loop3A_928 = arith.mulf %parallel_loop3A_927, %parallel_loop3A_127 : vector<16xf32>
      %parallel_loop3A_929 = arith.maximumf %parallel_loop3A_922, %parallel_loop3A_928 : vector<16xf32>
      %parallel_loop3A_930 = arith.constant 80 : i32
      %parallel_loop3A_931 = vector.broadcast %parallel_loop3A_930 : i32 to vector<16xi32>
      %parallel_loop3A_932 = arith.addi %parallel_loop3A_237, %parallel_loop3A_931 : vector<16xi32>
      %parallel_loop3A_933 = tpu.vector_load_idx %arg6[%parallel_loop3A_932] : memref<65536xf32, #tpu.memory_space<vmem>>[vector<16xi32>], vector<16xf32>,
      %parallel_loop3A_934 = arith.addf %parallel_loop3A_933, %parallel_loop3A_839 : vector<16xf32>
      %parallel_loop3A_935 = arith.mulf %parallel_loop3A_934, %parallel_loop3A_131 : vector<16xf32>
      %parallel_loop3A_936 = arith.maximumf %parallel_loop3A_929, %parallel_loop3A_935 : vector<16xf32>
      %parallel_loop3A_937 = arith.constant 80 : i32
      %parallel_loop3A_938 = vector.broadcast %parallel_loop3A_937 : i32 to vector<16xi32>
      %parallel_loop3A_939 = arith.addi %parallel_loop3A_244, %parallel_loop3A_938 : vector<16xi32>
      %parallel_loop3A_940 = tpu.vector_load_idx %arg6[%parallel_loop3A_939] : memref<65536xf32, #tpu.memory_space<vmem>>[vector<16xi32>], vector<16xf32>,
      %parallel_loop3A_941 = arith.addf %parallel_loop3A_940, %parallel_loop3A_839 : vector<16xf32>
      %parallel_loop3A_942 = arith.mulf %parallel_loop3A_941, %parallel_loop3A_135 : vector<16xf32>
      %parallel_loop3A_943 = arith.maximumf %parallel_loop3A_936, %parallel_loop3A_942 : vector<16xf32>
      %parallel_loop3A_944 = arith.constant 80 : i32
      %parallel_loop3A_945 = vector.broadcast %parallel_loop3A_944 : i32 to vector<16xi32>
      %parallel_loop3A_946 = arith.addi %parallel_loop3A_251, %parallel_loop3A_945 : vector<16xi32>
      %parallel_loop3A_947 = tpu.vector_load_idx %arg6[%parallel_loop3A_946] : memref<65536xf32, #tpu.memory_space<vmem>>[vector<16xi32>], vector<16xf32>,
      %parallel_loop3A_948 = arith.addf %parallel_loop3A_947, %parallel_loop3A_839 : vector<16xf32>
      %parallel_loop3A_949 = arith.mulf %parallel_loop3A_948, %parallel_loop3A_139 : vector<16xf32>
      %parallel_loop3A_950 = arith.maximumf %parallel_loop3A_943, %parallel_loop3A_949 : vector<16xf32>
      %parallel_loop3A_951 = arith.index_cast %parallel_loop3A_27 : i32 to index
      %parallel_loop3A_952 = arith.constant 80 : index
      %parallel_loop3A_953 = tpu.vector_load %arg9[%parallel_loop3A_951, %parallel_loop3A_952] {strides = array<i32>} : memref<64x128xf32, #tpu.memory_space<vmem>>, vector<16xf32>,
      tpu.vector_store %arg9[%parallel_loop3A_951, %parallel_loop3A_952], %parallel_loop3A_950 {strides = array<i32>} : memref<64x128xf32, #tpu.memory_space<vmem>>, vector<16xf32>,
      %parallel_loop3A_954 = arith.index_cast %parallel_loop3A_27 : i32 to index
      %parallel_loop3A_955 = arith.constant 96 : index
      %parallel_loop3A_956 = tpu.vector_load %arg8[%parallel_loop3A_954, %parallel_loop3A_955] {strides = array<i32>} : memref<64x128xf32, #tpu.memory_space<vmem>>, vector<16xf32>,
      %parallel_loop3A_957 = arith.constant 96 : i32
      %parallel_loop3A_958 = vector.broadcast %parallel_loop3A_957 : i32 to vector<16xi32>
      %parallel_loop3A_959 = arith.addi %parallel_loop3A_146, %parallel_loop3A_958 : vector<16xi32>
      %parallel_loop3A_960 = tpu.vector_load_idx %arg6[%parallel_loop3A_959] : memref<65536xf32, #tpu.memory_space<vmem>>[vector<16xi32>], vector<16xf32>,
      %parallel_loop3A_961 = arith.addf %parallel_loop3A_960, %parallel_loop3A_956 : vector<16xf32>
      %parallel_loop3A_962 = arith.mulf %parallel_loop3A_961, %parallel_loop3A_79 : vector<16xf32>
      %parallel_loop3A_963 = arith.constant 96 : i32
      %parallel_loop3A_964 = vector.broadcast %parallel_loop3A_963 : i32 to vector<16xi32>
      %parallel_loop3A_965 = arith.addi %parallel_loop3A_153, %parallel_loop3A_964 : vector<16xi32>
      %parallel_loop3A_966 = tpu.vector_load_idx %arg6[%parallel_loop3A_965] : memref<65536xf32, #tpu.memory_space<vmem>>[vector<16xi32>], vector<16xf32>,
      %parallel_loop3A_967 = arith.addf %parallel_loop3A_966, %parallel_loop3A_956 : vector<16xf32>
      %parallel_loop3A_968 = arith.mulf %parallel_loop3A_967, %parallel_loop3A_83 : vector<16xf32>
      %parallel_loop3A_969 = arith.maximumf %parallel_loop3A_962, %parallel_loop3A_968 : vector<16xf32>
      %parallel_loop3A_970 = arith.constant 96 : i32
      %parallel_loop3A_971 = vector.broadcast %parallel_loop3A_970 : i32 to vector<16xi32>
      %parallel_loop3A_972 = arith.addi %parallel_loop3A_160, %parallel_loop3A_971 : vector<16xi32>
      %parallel_loop3A_973 = tpu.vector_load_idx %arg6[%parallel_loop3A_972] : memref<65536xf32, #tpu.memory_space<vmem>>[vector<16xi32>], vector<16xf32>,
      %parallel_loop3A_974 = arith.addf %parallel_loop3A_973, %parallel_loop3A_956 : vector<16xf32>
      %parallel_loop3A_975 = arith.mulf %parallel_loop3A_974, %parallel_loop3A_87 : vector<16xf32>
      %parallel_loop3A_976 = arith.maximumf %parallel_loop3A_969, %parallel_loop3A_975 : vector<16xf32>
      %parallel_loop3A_977 = arith.constant 96 : i32
      %parallel_loop3A_978 = vector.broadcast %parallel_loop3A_977 : i32 to vector<16xi32>
      %parallel_loop3A_979 = arith.addi %parallel_loop3A_167, %parallel_loop3A_978 : vector<16xi32>
      %parallel_loop3A_980 = tpu.vector_load_idx %arg6[%parallel_loop3A_979] : memref<65536xf32, #tpu.memory_space<vmem>>[vector<16xi32>], vector<16xf32>,
      %parallel_loop3A_981 = arith.addf %parallel_loop3A_980, %parallel_loop3A_956 : vector<16xf32>
      %parallel_loop3A_982 = arith.mulf %parallel_loop3A_981, %parallel_loop3A_91 : vector<16xf32>
      %parallel_loop3A_983 = arith.maximumf %parallel_loop3A_976, %parallel_loop3A_982 : vector<16xf32>
      %parallel_loop3A_984 = arith.constant 96 : i32
      %parallel_loop3A_985 = vector.broadcast %parallel_loop3A_984 : i32 to vector<16xi32>
      %parallel_loop3A_986 = arith.addi %parallel_loop3A_174, %parallel_loop3A_985 : vector<16xi32>
      %parallel_loop3A_987 = tpu.vector_load_idx %arg6[%parallel_loop3A_986] : memref<65536xf32, #tpu.memory_space<vmem>>[vector<16xi32>], vector<16xf32>,
      %parallel_loop3A_988 = arith.addf %parallel_loop3A_987, %parallel_loop3A_956 : vector<16xf32>
      %parallel_loop3A_989 = arith.mulf %parallel_loop3A_988, %parallel_loop3A_95 : vector<16xf32>
      %parallel_loop3A_990 = arith.maximumf %parallel_loop3A_983, %parallel_loop3A_989 : vector<16xf32>
      %parallel_loop3A_991 = arith.constant 96 : i32
      %parallel_loop3A_992 = vector.broadcast %parallel_loop3A_991 : i32 to vector<16xi32>
      %parallel_loop3A_993 = arith.addi %parallel_loop3A_181, %parallel_loop3A_992 : vector<16xi32>
      %parallel_loop3A_994 = tpu.vector_load_idx %arg6[%parallel_loop3A_993] : memref<65536xf32, #tpu.memory_space<vmem>>[vector<16xi32>], vector<16xf32>,
      %parallel_loop3A_995 = arith.addf %parallel_loop3A_994, %parallel_loop3A_956 : vector<16xf32>
      %parallel_loop3A_996 = arith.mulf %parallel_loop3A_995, %parallel_loop3A_99 : vector<16xf32>
      %parallel_loop3A_997 = arith.maximumf %parallel_loop3A_990, %parallel_loop3A_996 : vector<16xf32>
      %parallel_loop3A_998 = arith.constant 96 : i32
      %parallel_loop3A_999 = vector.broadcast %parallel_loop3A_998 : i32 to vector<16xi32>
      %parallel_loop3A_1000 = arith.addi %parallel_loop3A_188, %parallel_loop3A_999 : vector<16xi32>
      %parallel_loop3A_1001 = tpu.vector_load_idx %arg6[%parallel_loop3A_1000] : memref<65536xf32, #tpu.memory_space<vmem>>[vector<16xi32>], vector<16xf32>,
      %parallel_loop3A_1002 = arith.addf %parallel_loop3A_1001, %parallel_loop3A_956 : vector<16xf32>
      %parallel_loop3A_1003 = arith.mulf %parallel_loop3A_1002, %parallel_loop3A_103 : vector<16xf32>
      %parallel_loop3A_1004 = arith.maximumf %parallel_loop3A_997, %parallel_loop3A_1003 : vector<16xf32>
      %parallel_loop3A_1005 = arith.constant 96 : i32
      %parallel_loop3A_1006 = vector.broadcast %parallel_loop3A_1005 : i32 to vector<16xi32>
      %parallel_loop3A_1007 = arith.addi %parallel_loop3A_195, %parallel_loop3A_1006 : vector<16xi32>
      %parallel_loop3A_1008 = tpu.vector_load_idx %arg6[%parallel_loop3A_1007] : memref<65536xf32, #tpu.memory_space<vmem>>[vector<16xi32>], vector<16xf32>,
      %parallel_loop3A_1009 = arith.addf %parallel_loop3A_1008, %parallel_loop3A_956 : vector<16xf32>
      %parallel_loop3A_1010 = arith.mulf %parallel_loop3A_1009, %parallel_loop3A_107 : vector<16xf32>
      %parallel_loop3A_1011 = arith.maximumf %parallel_loop3A_1004, %parallel_loop3A_1010 : vector<16xf32>
      %parallel_loop3A_1012 = arith.constant 96 : i32
      %parallel_loop3A_1013 = vector.broadcast %parallel_loop3A_1012 : i32 to vector<16xi32>
      %parallel_loop3A_1014 = arith.addi %parallel_loop3A_202, %parallel_loop3A_1013 : vector<16xi32>
      %parallel_loop3A_1015 = tpu.vector_load_idx %arg6[%parallel_loop3A_1014] : memref<65536xf32, #tpu.memory_space<vmem>>[vector<16xi32>], vector<16xf32>,
      %parallel_loop3A_1016 = arith.addf %parallel_loop3A_1015, %parallel_loop3A_956 : vector<16xf32>
      %parallel_loop3A_1017 = arith.mulf %parallel_loop3A_1016, %parallel_loop3A_111 : vector<16xf32>
      %parallel_loop3A_1018 = arith.maximumf %parallel_loop3A_1011, %parallel_loop3A_1017 : vector<16xf32>
      %parallel_loop3A_1019 = arith.constant 96 : i32
      %parallel_loop3A_1020 = vector.broadcast %parallel_loop3A_1019 : i32 to vector<16xi32>
      %parallel_loop3A_1021 = arith.addi %parallel_loop3A_209, %parallel_loop3A_1020 : vector<16xi32>
      %parallel_loop3A_1022 = tpu.vector_load_idx %arg6[%parallel_loop3A_1021] : memref<65536xf32, #tpu.memory_space<vmem>>[vector<16xi32>], vector<16xf32>,
      %parallel_loop3A_1023 = arith.addf %parallel_loop3A_1022, %parallel_loop3A_956 : vector<16xf32>
      %parallel_loop3A_1024 = arith.mulf %parallel_loop3A_1023, %parallel_loop3A_115 : vector<16xf32>
      %parallel_loop3A_1025 = arith.maximumf %parallel_loop3A_1018, %parallel_loop3A_1024 : vector<16xf32>
      %parallel_loop3A_1026 = arith.constant 96 : i32
      %parallel_loop3A_1027 = vector.broadcast %parallel_loop3A_1026 : i32 to vector<16xi32>
      %parallel_loop3A_1028 = arith.addi %parallel_loop3A_216, %parallel_loop3A_1027 : vector<16xi32>
      %parallel_loop3A_1029 = tpu.vector_load_idx %arg6[%parallel_loop3A_1028] : memref<65536xf32, #tpu.memory_space<vmem>>[vector<16xi32>], vector<16xf32>,
      %parallel_loop3A_1030 = arith.addf %parallel_loop3A_1029, %parallel_loop3A_956 : vector<16xf32>
      %parallel_loop3A_1031 = arith.mulf %parallel_loop3A_1030, %parallel_loop3A_119 : vector<16xf32>
      %parallel_loop3A_1032 = arith.maximumf %parallel_loop3A_1025, %parallel_loop3A_1031 : vector<16xf32>
      %parallel_loop3A_1033 = arith.constant 96 : i32
      %parallel_loop3A_1034 = vector.broadcast %parallel_loop3A_1033 : i32 to vector<16xi32>
      %parallel_loop3A_1035 = arith.addi %parallel_loop3A_223, %parallel_loop3A_1034 : vector<16xi32>
      %parallel_loop3A_1036 = tpu.vector_load_idx %arg6[%parallel_loop3A_1035] : memref<65536xf32, #tpu.memory_space<vmem>>[vector<16xi32>], vector<16xf32>,
      %parallel_loop3A_1037 = arith.addf %parallel_loop3A_1036, %parallel_loop3A_956 : vector<16xf32>
      %parallel_loop3A_1038 = arith.mulf %parallel_loop3A_1037, %parallel_loop3A_123 : vector<16xf32>
      %parallel_loop3A_1039 = arith.maximumf %parallel_loop3A_1032, %parallel_loop3A_1038 : vector<16xf32>
      %parallel_loop3A_1040 = arith.constant 96 : i32
      %parallel_loop3A_1041 = vector.broadcast %parallel_loop3A_1040 : i32 to vector<16xi32>
      %parallel_loop3A_1042 = arith.addi %parallel_loop3A_230, %parallel_loop3A_1041 : vector<16xi32>
      %parallel_loop3A_1043 = tpu.vector_load_idx %arg6[%parallel_loop3A_1042] : memref<65536xf32, #tpu.memory_space<vmem>>[vector<16xi32>], vector<16xf32>,
      %parallel_loop3A_1044 = arith.addf %parallel_loop3A_1043, %parallel_loop3A_956 : vector<16xf32>
      %parallel_loop3A_1045 = arith.mulf %parallel_loop3A_1044, %parallel_loop3A_127 : vector<16xf32>
      %parallel_loop3A_1046 = arith.maximumf %parallel_loop3A_1039, %parallel_loop3A_1045 : vector<16xf32>
      %parallel_loop3A_1047 = arith.constant 96 : i32
      %parallel_loop3A_1048 = vector.broadcast %parallel_loop3A_1047 : i32 to vector<16xi32>
      %parallel_loop3A_1049 = arith.addi %parallel_loop3A_237, %parallel_loop3A_1048 : vector<16xi32>
      %parallel_loop3A_1050 = tpu.vector_load_idx %arg6[%parallel_loop3A_1049] : memref<65536xf32, #tpu.memory_space<vmem>>[vector<16xi32>], vector<16xf32>,
      %parallel_loop3A_1051 = arith.addf %parallel_loop3A_1050, %parallel_loop3A_956 : vector<16xf32>
      %parallel_loop3A_1052 = arith.mulf %parallel_loop3A_1051, %parallel_loop3A_131 : vector<16xf32>
      %parallel_loop3A_1053 = arith.maximumf %parallel_loop3A_1046, %parallel_loop3A_1052 : vector<16xf32>
      %parallel_loop3A_1054 = arith.constant 96 : i32
      %parallel_loop3A_1055 = vector.broadcast %parallel_loop3A_1054 : i32 to vector<16xi32>
      %parallel_loop3A_1056 = arith.addi %parallel_loop3A_244, %parallel_loop3A_1055 : vector<16xi32>
      %parallel_loop3A_1057 = tpu.vector_load_idx %arg6[%parallel_loop3A_1056] : memref<65536xf32, #tpu.memory_space<vmem>>[vector<16xi32>], vector<16xf32>,
      %parallel_loop3A_1058 = arith.addf %parallel_loop3A_1057, %parallel_loop3A_956 : vector<16xf32>
      %parallel_loop3A_1059 = arith.mulf %parallel_loop3A_1058, %parallel_loop3A_135 : vector<16xf32>
      %parallel_loop3A_1060 = arith.maximumf %parallel_loop3A_1053, %parallel_loop3A_1059 : vector<16xf32>
      %parallel_loop3A_1061 = arith.constant 96 : i32
      %parallel_loop3A_1062 = vector.broadcast %parallel_loop3A_1061 : i32 to vector<16xi32>
      %parallel_loop3A_1063 = arith.addi %parallel_loop3A_251, %parallel_loop3A_1062 : vector<16xi32>
      %parallel_loop3A_1064 = tpu.vector_load_idx %arg6[%parallel_loop3A_1063] : memref<65536xf32, #tpu.memory_space<vmem>>[vector<16xi32>], vector<16xf32>,
      %parallel_loop3A_1065 = arith.addf %parallel_loop3A_1064, %parallel_loop3A_956 : vector<16xf32>
      %parallel_loop3A_1066 = arith.mulf %parallel_loop3A_1065, %parallel_loop3A_139 : vector<16xf32>
      %parallel_loop3A_1067 = arith.maximumf %parallel_loop3A_1060, %parallel_loop3A_1066 : vector<16xf32>
      %parallel_loop3A_1068 = arith.index_cast %parallel_loop3A_27 : i32 to index
      %parallel_loop3A_1069 = arith.constant 96 : index
      %parallel_loop3A_1070 = tpu.vector_load %arg9[%parallel_loop3A_1068, %parallel_loop3A_1069] {strides = array<i32>} : memref<64x128xf32, #tpu.memory_space<vmem>>, vector<16xf32>,
      tpu.vector_store %arg9[%parallel_loop3A_1068, %parallel_loop3A_1069], %parallel_loop3A_1067 {strides = array<i32>} : memref<64x128xf32, #tpu.memory_space<vmem>>, vector<16xf32>,
      %parallel_loop3A_1071 = arith.index_cast %parallel_loop3A_27 : i32 to index
      %parallel_loop3A_1072 = arith.constant 112 : index
      %parallel_loop3A_1073 = tpu.vector_load %arg8[%parallel_loop3A_1071, %parallel_loop3A_1072] {strides = array<i32>} : memref<64x128xf32, #tpu.memory_space<vmem>>, vector<16xf32>,
      %parallel_loop3A_1074 = arith.constant 112 : i32
      %parallel_loop3A_1075 = vector.broadcast %parallel_loop3A_1074 : i32 to vector<16xi32>
      %parallel_loop3A_1076 = arith.addi %parallel_loop3A_146, %parallel_loop3A_1075 : vector<16xi32>
      %parallel_loop3A_1077 = tpu.vector_load_idx %arg6[%parallel_loop3A_1076] : memref<65536xf32, #tpu.memory_space<vmem>>[vector<16xi32>], vector<16xf32>,
      %parallel_loop3A_1078 = arith.addf %parallel_loop3A_1077, %parallel_loop3A_1073 : vector<16xf32>
      %parallel_loop3A_1079 = arith.mulf %parallel_loop3A_1078, %parallel_loop3A_79 : vector<16xf32>
      %parallel_loop3A_1080 = arith.constant 112 : i32
      %parallel_loop3A_1081 = vector.broadcast %parallel_loop3A_1080 : i32 to vector<16xi32>
      %parallel_loop3A_1082 = arith.addi %parallel_loop3A_153, %parallel_loop3A_1081 : vector<16xi32>
      %parallel_loop3A_1083 = tpu.vector_load_idx %arg6[%parallel_loop3A_1082] : memref<65536xf32, #tpu.memory_space<vmem>>[vector<16xi32>], vector<16xf32>,
      %parallel_loop3A_1084 = arith.addf %parallel_loop3A_1083, %parallel_loop3A_1073 : vector<16xf32>
      %parallel_loop3A_1085 = arith.mulf %parallel_loop3A_1084, %parallel_loop3A_83 : vector<16xf32>
      %parallel_loop3A_1086 = arith.maximumf %parallel_loop3A_1079, %parallel_loop3A_1085 : vector<16xf32>
      %parallel_loop3A_1087 = arith.constant 112 : i32
      %parallel_loop3A_1088 = vector.broadcast %parallel_loop3A_1087 : i32 to vector<16xi32>
      %parallel_loop3A_1089 = arith.addi %parallel_loop3A_160, %parallel_loop3A_1088 : vector<16xi32>
      %parallel_loop3A_1090 = tpu.vector_load_idx %arg6[%parallel_loop3A_1089] : memref<65536xf32, #tpu.memory_space<vmem>>[vector<16xi32>], vector<16xf32>,
      %parallel_loop3A_1091 = arith.addf %parallel_loop3A_1090, %parallel_loop3A_1073 : vector<16xf32>
      %parallel_loop3A_1092 = arith.mulf %parallel_loop3A_1091, %parallel_loop3A_87 : vector<16xf32>
      %parallel_loop3A_1093 = arith.maximumf %parallel_loop3A_1086, %parallel_loop3A_1092 : vector<16xf32>
      %parallel_loop3A_1094 = arith.constant 112 : i32
      %parallel_loop3A_1095 = vector.broadcast %parallel_loop3A_1094 : i32 to vector<16xi32>
      %parallel_loop3A_1096 = arith.addi %parallel_loop3A_167, %parallel_loop3A_1095 : vector<16xi32>
      %parallel_loop3A_1097 = tpu.vector_load_idx %arg6[%parallel_loop3A_1096] : memref<65536xf32, #tpu.memory_space<vmem>>[vector<16xi32>], vector<16xf32>,
      %parallel_loop3A_1098 = arith.addf %parallel_loop3A_1097, %parallel_loop3A_1073 : vector<16xf32>
      %parallel_loop3A_1099 = arith.mulf %parallel_loop3A_1098, %parallel_loop3A_91 : vector<16xf32>
      %parallel_loop3A_1100 = arith.maximumf %parallel_loop3A_1093, %parallel_loop3A_1099 : vector<16xf32>
      %parallel_loop3A_1101 = arith.constant 112 : i32
      %parallel_loop3A_1102 = vector.broadcast %parallel_loop3A_1101 : i32 to vector<16xi32>
      %parallel_loop3A_1103 = arith.addi %parallel_loop3A_174, %parallel_loop3A_1102 : vector<16xi32>
      %parallel_loop3A_1104 = tpu.vector_load_idx %arg6[%parallel_loop3A_1103] : memref<65536xf32, #tpu.memory_space<vmem>>[vector<16xi32>], vector<16xf32>,
      %parallel_loop3A_1105 = arith.addf %parallel_loop3A_1104, %parallel_loop3A_1073 : vector<16xf32>
      %parallel_loop3A_1106 = arith.mulf %parallel_loop3A_1105, %parallel_loop3A_95 : vector<16xf32>
      %parallel_loop3A_1107 = arith.maximumf %parallel_loop3A_1100, %parallel_loop3A_1106 : vector<16xf32>
      %parallel_loop3A_1108 = arith.constant 112 : i32
      %parallel_loop3A_1109 = vector.broadcast %parallel_loop3A_1108 : i32 to vector<16xi32>
      %parallel_loop3A_1110 = arith.addi %parallel_loop3A_181, %parallel_loop3A_1109 : vector<16xi32>
      %parallel_loop3A_1111 = tpu.vector_load_idx %arg6[%parallel_loop3A_1110] : memref<65536xf32, #tpu.memory_space<vmem>>[vector<16xi32>], vector<16xf32>,
      %parallel_loop3A_1112 = arith.addf %parallel_loop3A_1111, %parallel_loop3A_1073 : vector<16xf32>
      %parallel_loop3A_1113 = arith.mulf %parallel_loop3A_1112, %parallel_loop3A_99 : vector<16xf32>
      %parallel_loop3A_1114 = arith.maximumf %parallel_loop3A_1107, %parallel_loop3A_1113 : vector<16xf32>
      %parallel_loop3A_1115 = arith.constant 112 : i32
      %parallel_loop3A_1116 = vector.broadcast %parallel_loop3A_1115 : i32 to vector<16xi32>
      %parallel_loop3A_1117 = arith.addi %parallel_loop3A_188, %parallel_loop3A_1116 : vector<16xi32>
      %parallel_loop3A_1118 = tpu.vector_load_idx %arg6[%parallel_loop3A_1117] : memref<65536xf32, #tpu.memory_space<vmem>>[vector<16xi32>], vector<16xf32>,
      %parallel_loop3A_1119 = arith.addf %parallel_loop3A_1118, %parallel_loop3A_1073 : vector<16xf32>
      %parallel_loop3A_1120 = arith.mulf %parallel_loop3A_1119, %parallel_loop3A_103 : vector<16xf32>
      %parallel_loop3A_1121 = arith.maximumf %parallel_loop3A_1114, %parallel_loop3A_1120 : vector<16xf32>
      %parallel_loop3A_1122 = arith.constant 112 : i32
      %parallel_loop3A_1123 = vector.broadcast %parallel_loop3A_1122 : i32 to vector<16xi32>
      %parallel_loop3A_1124 = arith.addi %parallel_loop3A_195, %parallel_loop3A_1123 : vector<16xi32>
      %parallel_loop3A_1125 = tpu.vector_load_idx %arg6[%parallel_loop3A_1124] : memref<65536xf32, #tpu.memory_space<vmem>>[vector<16xi32>], vector<16xf32>,
      %parallel_loop3A_1126 = arith.addf %parallel_loop3A_1125, %parallel_loop3A_1073 : vector<16xf32>
      %parallel_loop3A_1127 = arith.mulf %parallel_loop3A_1126, %parallel_loop3A_107 : vector<16xf32>
      %parallel_loop3A_1128 = arith.maximumf %parallel_loop3A_1121, %parallel_loop3A_1127 : vector<16xf32>
      %parallel_loop3A_1129 = arith.constant 112 : i32
      %parallel_loop3A_1130 = vector.broadcast %parallel_loop3A_1129 : i32 to vector<16xi32>
      %parallel_loop3A_1131 = arith.addi %parallel_loop3A_202, %parallel_loop3A_1130 : vector<16xi32>
      %parallel_loop3A_1132 = tpu.vector_load_idx %arg6[%parallel_loop3A_1131] : memref<65536xf32, #tpu.memory_space<vmem>>[vector<16xi32>], vector<16xf32>,
      %parallel_loop3A_1133 = arith.addf %parallel_loop3A_1132, %parallel_loop3A_1073 : vector<16xf32>
      %parallel_loop3A_1134 = arith.mulf %parallel_loop3A_1133, %parallel_loop3A_111 : vector<16xf32>
      %parallel_loop3A_1135 = arith.maximumf %parallel_loop3A_1128, %parallel_loop3A_1134 : vector<16xf32>
      %parallel_loop3A_1136 = arith.constant 112 : i32
      %parallel_loop3A_1137 = vector.broadcast %parallel_loop3A_1136 : i32 to vector<16xi32>
      %parallel_loop3A_1138 = arith.addi %parallel_loop3A_209, %parallel_loop3A_1137 : vector<16xi32>
      %parallel_loop3A_1139 = tpu.vector_load_idx %arg6[%parallel_loop3A_1138] : memref<65536xf32, #tpu.memory_space<vmem>>[vector<16xi32>], vector<16xf32>,
      %parallel_loop3A_1140 = arith.addf %parallel_loop3A_1139, %parallel_loop3A_1073 : vector<16xf32>
      %parallel_loop3A_1141 = arith.mulf %parallel_loop3A_1140, %parallel_loop3A_115 : vector<16xf32>
      %parallel_loop3A_1142 = arith.maximumf %parallel_loop3A_1135, %parallel_loop3A_1141 : vector<16xf32>
      %parallel_loop3A_1143 = arith.constant 112 : i32
      %parallel_loop3A_1144 = vector.broadcast %parallel_loop3A_1143 : i32 to vector<16xi32>
      %parallel_loop3A_1145 = arith.addi %parallel_loop3A_216, %parallel_loop3A_1144 : vector<16xi32>
      %parallel_loop3A_1146 = tpu.vector_load_idx %arg6[%parallel_loop3A_1145] : memref<65536xf32, #tpu.memory_space<vmem>>[vector<16xi32>], vector<16xf32>,
      %parallel_loop3A_1147 = arith.addf %parallel_loop3A_1146, %parallel_loop3A_1073 : vector<16xf32>
      %parallel_loop3A_1148 = arith.mulf %parallel_loop3A_1147, %parallel_loop3A_119 : vector<16xf32>
      %parallel_loop3A_1149 = arith.maximumf %parallel_loop3A_1142, %parallel_loop3A_1148 : vector<16xf32>
      %parallel_loop3A_1150 = arith.constant 112 : i32
      %parallel_loop3A_1151 = vector.broadcast %parallel_loop3A_1150 : i32 to vector<16xi32>
      %parallel_loop3A_1152 = arith.addi %parallel_loop3A_223, %parallel_loop3A_1151 : vector<16xi32>
      %parallel_loop3A_1153 = tpu.vector_load_idx %arg6[%parallel_loop3A_1152] : memref<65536xf32, #tpu.memory_space<vmem>>[vector<16xi32>], vector<16xf32>,
      %parallel_loop3A_1154 = arith.addf %parallel_loop3A_1153, %parallel_loop3A_1073 : vector<16xf32>
      %parallel_loop3A_1155 = arith.mulf %parallel_loop3A_1154, %parallel_loop3A_123 : vector<16xf32>
      %parallel_loop3A_1156 = arith.maximumf %parallel_loop3A_1149, %parallel_loop3A_1155 : vector<16xf32>
      %parallel_loop3A_1157 = arith.constant 112 : i32
      %parallel_loop3A_1158 = vector.broadcast %parallel_loop3A_1157 : i32 to vector<16xi32>
      %parallel_loop3A_1159 = arith.addi %parallel_loop3A_230, %parallel_loop3A_1158 : vector<16xi32>
      %parallel_loop3A_1160 = tpu.vector_load_idx %arg6[%parallel_loop3A_1159] : memref<65536xf32, #tpu.memory_space<vmem>>[vector<16xi32>], vector<16xf32>,
      %parallel_loop3A_1161 = arith.addf %parallel_loop3A_1160, %parallel_loop3A_1073 : vector<16xf32>
      %parallel_loop3A_1162 = arith.mulf %parallel_loop3A_1161, %parallel_loop3A_127 : vector<16xf32>
      %parallel_loop3A_1163 = arith.maximumf %parallel_loop3A_1156, %parallel_loop3A_1162 : vector<16xf32>
      %parallel_loop3A_1164 = arith.constant 112 : i32
      %parallel_loop3A_1165 = vector.broadcast %parallel_loop3A_1164 : i32 to vector<16xi32>
      %parallel_loop3A_1166 = arith.addi %parallel_loop3A_237, %parallel_loop3A_1165 : vector<16xi32>
      %parallel_loop3A_1167 = tpu.vector_load_idx %arg6[%parallel_loop3A_1166] : memref<65536xf32, #tpu.memory_space<vmem>>[vector<16xi32>], vector<16xf32>,
      %parallel_loop3A_1168 = arith.addf %parallel_loop3A_1167, %parallel_loop3A_1073 : vector<16xf32>
      %parallel_loop3A_1169 = arith.mulf %parallel_loop3A_1168, %parallel_loop3A_131 : vector<16xf32>
      %parallel_loop3A_1170 = arith.maximumf %parallel_loop3A_1163, %parallel_loop3A_1169 : vector<16xf32>
      %parallel_loop3A_1171 = arith.constant 112 : i32
      %parallel_loop3A_1172 = vector.broadcast %parallel_loop3A_1171 : i32 to vector<16xi32>
      %parallel_loop3A_1173 = arith.addi %parallel_loop3A_244, %parallel_loop3A_1172 : vector<16xi32>
      %parallel_loop3A_1174 = tpu.vector_load_idx %arg6[%parallel_loop3A_1173] : memref<65536xf32, #tpu.memory_space<vmem>>[vector<16xi32>], vector<16xf32>,
      %parallel_loop3A_1175 = arith.addf %parallel_loop3A_1174, %parallel_loop3A_1073 : vector<16xf32>
      %parallel_loop3A_1176 = arith.mulf %parallel_loop3A_1175, %parallel_loop3A_135 : vector<16xf32>
      %parallel_loop3A_1177 = arith.maximumf %parallel_loop3A_1170, %parallel_loop3A_1176 : vector<16xf32>
      %parallel_loop3A_1178 = arith.constant 112 : i32
      %parallel_loop3A_1179 = vector.broadcast %parallel_loop3A_1178 : i32 to vector<16xi32>
      %parallel_loop3A_1180 = arith.addi %parallel_loop3A_251, %parallel_loop3A_1179 : vector<16xi32>
      %parallel_loop3A_1181 = tpu.vector_load_idx %arg6[%parallel_loop3A_1180] : memref<65536xf32, #tpu.memory_space<vmem>>[vector<16xi32>], vector<16xf32>,
      %parallel_loop3A_1182 = arith.addf %parallel_loop3A_1181, %parallel_loop3A_1073 : vector<16xf32>
      %parallel_loop3A_1183 = arith.mulf %parallel_loop3A_1182, %parallel_loop3A_139 : vector<16xf32>
      %parallel_loop3A_1184 = arith.maximumf %parallel_loop3A_1177, %parallel_loop3A_1183 : vector<16xf32>
      %parallel_loop3A_1185 = arith.index_cast %parallel_loop3A_27 : i32 to index
      %parallel_loop3A_1186 = arith.constant 112 : index
      %parallel_loop3A_1187 = tpu.vector_load %arg9[%parallel_loop3A_1185, %parallel_loop3A_1186] {strides = array<i32>} : memref<64x128xf32, #tpu.memory_space<vmem>>, vector<16xf32>,
      tpu.vector_store %arg9[%parallel_loop3A_1185, %parallel_loop3A_1186], %parallel_loop3A_1184 {strides = array<i32>} : memref<64x128xf32, #tpu.memory_space<vmem>>, vector<16xf32>,
    } {sc.loop_unroll_factor = 2 : i64, sc.parallel_access}
    "tpu.region"() ({
      %run_scoped3A = tpu.sem_alloc : memref<!tpu.dma_semaphore, #tpu.memory_space<semaphore_mem>>
      %dma_start3A_27 = arith.constant 0 : i32
      %dma_start3A_28 = tpu.memref_slice %arg5[%mul3A_2, %dma_start3A_27] : memref<2048x128xf32, #tpu.memory_space<hbm>> -> memref<64x128xf32, #tpu.memory_space<hbm>>
      %dma_start3A_29 = arith.constant 0 : i32
      %dma_start3A_30 = tpu.memref_slice %arg5[%mul3A_2, %dma_start3A_29] : memref<2048x128xf32, #tpu.memory_space<hbm>> -> memref<64x128xf32, #tpu.memory_space<hbm>>
      tpu.enqueue_dma source(%arg9 : memref<64x128xf32, #tpu.memory_space<vmem>>) target(%dma_start3A_30 : memref<64x128xf32, #tpu.memory_space<hbm>>) target_semaphore(%run_scoped3A : memref<!tpu.dma_semaphore, #tpu.memory_space<semaphore_mem>>)
      %dma_wait3A_31 = arith.constant 0 : i32
      %dma_wait3A_32 = tpu.memref_slice %arg5[%mul3A_2, %dma_wait3A_31] : memref<2048x128xf32, #tpu.memory_space<hbm>> -> memref<64x128xf32, #tpu.memory_space<hbm>>
      %dma_wait3A_33 = arith.constant 0 : i32
      %dma_wait3A_34 = tpu.memref_slice %arg5[%mul3A_2, %dma_wait3A_33] : memref<2048x128xf32, #tpu.memory_space<hbm>> -> memref<64x128xf32, #tpu.memory_space<hbm>>
      tpu.wait_dma2 semaphore(%run_scoped3A : memref<!tpu.dma_semaphore, #tpu.memory_space<semaphore_mem>>) src(%arg9 : memref<64x128xf32, #tpu.memory_space<vmem>>) dst(%dma_wait3A_34 : memref<64x128xf32, #tpu.memory_space<hbm>>)
      tpu.yield
    }) : () -> ()
    return
  }
}

module attributes {stable_mosaic.version = 14 : i64} {
  func.func @_stage1_body(%arg0: i32, %arg1: memref<1x128x512xf32, #tpu.memory_space<vmem>>, %arg2: memref<128x256xf32, #tpu.memory_space<vmem>>, %arg3: memref<1x128xf32, #tpu.memory_space<vmem>>, %arg4: memref<1x512x256xi32, #tpu.memory_space<vmem>>, %arg5: memref<1x512x128xf32, #tpu.memory_space<vmem>>, %arg6: memref<1x512x128xf32, #tpu.memory_space<vmem>>) attributes {dimension_semantics = [#tpu.dimension_semantics<arbitrary>], iteration_bounds = array<i64: 4>, scalar_prefetch = 0 : i64, scratch_operands = 0 : i64, tpu.core_type = #tpu.core_type<tc>, window_params = [{transform_indices = @transform_0, window_bounds = array<i64: 1, 128, 512>}, {pipeline_mode = #tpu.pipeline_mode<synchronous>, transform_indices = @transform_1, window_bounds = array<i64: 128, 256>}, {pipeline_mode = #tpu.pipeline_mode<synchronous>, transform_indices = @transform_2, window_bounds = array<i64: 1, 128>}, {transform_indices = @transform_3, window_bounds = array<i64: 1, 512, 256>}, {transform_indices = @transform_4, window_bounds = array<i64: 1, 512, 128>}, {transform_indices = @transform_5, window_bounds = array<i64: 1, 512, 128>}]} {
    %get3A = arith.constant 0 : index
    %get3A_0 = arith.constant 0 : index
    %get3A_1 = arith.constant 0 : index
    %get3A_2 = vector.load %arg1[%get3A, %get3A_0, %get3A_1] : memref<1x128x512xf32, #tpu.memory_space<vmem>>, vector<1x128x512xf32>
    %get3A_3 = vector.shape_cast %get3A_2 : vector<1x128x512xf32> to vector<128x512xf32>
    %dot_general3A = arith.constant dense<0.000000e+00> : vector<512x512xf32>
    %dot_general3A_4 = tpu.matmul %get3A_3, %get3A_3, %dot_general3A {dimension_numbers = #tpu.dot_dimension_numbers<[0], [0], [1], [1], [0, 1, 1, 1], [], []>, precision = #tpu.contract_precision<fp32>, transpose_lhs_hint = false} : vector<128x512xf32>, vector<128x512xf32>, vector<512x512xf32> -> vector<512x512xf32>
    %mul3A = arith.mulf %get3A_3, %get3A_3 : vector<128x512xf32>
    %reduce_sum3A = arith.constant dense<0.000000e+00> : vector<512xf32>
    %reduce_sum3A_5 = vector.multi_reduction <add>, %mul3A, %reduce_sum3A [0] : vector<128x512xf32> to vector<512xf32>
    %broadcast_in_dim3A = vector.shape_cast %reduce_sum3A_5 : vector<512xf32> to vector<1x512xf32>
    %broadcast_in_dim3A_6 = vector.shape_cast %reduce_sum3A_5 : vector<512xf32> to vector<512x1xf32>
    %add3A = vector.broadcast %broadcast_in_dim3A_6 : vector<512x1xf32> to vector<512x512xf32>
    %add3A_7 = vector.broadcast %broadcast_in_dim3A : vector<1x512xf32> to vector<512x512xf32>
    %add3A_8 = arith.addf %add3A, %add3A_7 : vector<512x512xf32>
    %mul3A_9 = arith.constant 2.000000e+00 : f32
    %mul3A_10 = vector.broadcast %mul3A_9 : f32 to vector<512x512xf32>
    %mul3A_11 = arith.mulf %mul3A_10, %dot_general3A_4 : vector<512x512xf32>
    %sub3A = arith.subf %add3A_8, %mul3A_11 : vector<512x512xf32>
    %iota3A = tpu.iota {dimensions = array<i32: 1>} : vector<1x512xi32>
    %bitcast_convert_type3A = tpu.bitcast %broadcast_in_dim3A : vector<1x512xf32> -> vector<1x512xi32>
    %and3A = arith.constant -512 : i32
    %and3A_12 = vector.broadcast %and3A : i32 to vector<1x512xi32>
    %and3A_13 = arith.andi %bitcast_convert_type3A, %and3A_12 : vector<1x512xi32>
    %or3A = arith.ori %and3A_13, %iota3A : vector<1x512xi32>
    %bitcast_convert_type3A_14 = tpu.bitcast %or3A : vector<1x512xi32> -> vector<1x512xf32>
    %reduce_min3A = arith.constant dense<0x7F800000> : vector<512xf32>
    %reduce_min3A_15 = vector.multi_reduction <minimumf>, %sub3A, %reduce_min3A [1] : vector<512x512xf32> to vector<512xf32>
    %broadcast_in_dim3A_16 = vector.shape_cast %reduce_min3A_15 : vector<512xf32> to vector<512x1xf32>
    %eq3A = vector.broadcast %broadcast_in_dim3A_16 : vector<512x1xf32> to vector<512x512xf32>
    %eq3A_17 = arith.cmpf oeq, %sub3A, %eq3A : vector<512x512xf32>
    %jit3A = arith.constant 0xFF800000 : f32
    %broadcast_in_dim3A_18 = vector.shape_cast %bitcast_convert_type3A_14 : vector<1x512xf32> to vector<1x512xf32>
    %broadcast_in_dim3A_19 = vector.broadcast %broadcast_in_dim3A_18 : vector<1x512xf32> to vector<512x512xf32>
    %broadcast_in_dim3A_20 = vector.broadcast %jit3A : f32 to vector<512x512xf32>
    %select_n3A = arith.select %eq3A_17, %broadcast_in_dim3A_19, %broadcast_in_dim3A_20 : vector<512x512xi1>, vector<512x512xf32>
    %reduce_max3A = arith.constant dense<0xFF800000> : vector<512xf32>
    %reduce_max3A_21 = vector.multi_reduction <maximumf>, %select_n3A, %reduce_max3A [1] : vector<512x512xf32> to vector<512xf32>
    %broadcast_in_dim3A_22 = vector.shape_cast %reduce_max3A_21 : vector<512xf32> to vector<512x1xf32>
    %jit3A_23 = arith.constant 0x7F800000 : f32
    %broadcast_in_dim3A_24 = vector.broadcast %jit3A_23 : f32 to vector<512x512xf32>
    %select_n3A_25 = arith.select %eq3A_17, %broadcast_in_dim3A_24, %sub3A : vector<512x512xi1>, vector<512x512xf32>
    %reduce_min3A_26 = arith.constant dense<0x7F800000> : vector<512xf32>
    %reduce_min3A_27 = vector.multi_reduction <minimumf>, %select_n3A_25, %reduce_min3A_26 [1] : vector<512x512xf32> to vector<512xf32>
    %broadcast_in_dim3A_28 = vector.shape_cast %reduce_min3A_27 : vector<512xf32> to vector<512x1xf32>
    %eq3A_29 = vector.broadcast %broadcast_in_dim3A_28 : vector<512x1xf32> to vector<512x512xf32>
    %eq3A_30 = arith.cmpf oeq, %select_n3A_25, %eq3A_29 : vector<512x512xf32>
    %jit3A_31 = arith.constant 0xFF800000 : f32
    %broadcast_in_dim3A_32 = vector.shape_cast %bitcast_convert_type3A_14 : vector<1x512xf32> to vector<1x512xf32>
    %broadcast_in_dim3A_33 = vector.broadcast %broadcast_in_dim3A_32 : vector<1x512xf32> to vector<512x512xf32>
    %broadcast_in_dim3A_34 = vector.broadcast %jit3A_31 : f32 to vector<512x512xf32>
    %select_n3A_35 = arith.select %eq3A_30, %broadcast_in_dim3A_33, %broadcast_in_dim3A_34 : vector<512x512xi1>, vector<512x512xf32>
    %reduce_max3A_36 = arith.constant dense<0xFF800000> : vector<512xf32>
    %reduce_max3A_37 = vector.multi_reduction <maximumf>, %select_n3A_35, %reduce_max3A_36 [1] : vector<512x512xf32> to vector<512xf32>
    %broadcast_in_dim3A_38 = vector.shape_cast %reduce_max3A_37 : vector<512xf32> to vector<512x1xf32>
    %jit3A_39 = arith.constant 0x7F800000 : f32
    %broadcast_in_dim3A_40 = vector.broadcast %jit3A_39 : f32 to vector<512x512xf32>
    %select_n3A_41 = arith.select %eq3A_30, %broadcast_in_dim3A_40, %select_n3A_25 : vector<512x512xi1>, vector<512x512xf32>
    %reduce_min3A_42 = arith.constant dense<0x7F800000> : vector<512xf32>
    %reduce_min3A_43 = vector.multi_reduction <minimumf>, %select_n3A_41, %reduce_min3A_42 [1] : vector<512x512xf32> to vector<512xf32>
    %broadcast_in_dim3A_44 = vector.shape_cast %reduce_min3A_43 : vector<512xf32> to vector<512x1xf32>
    %eq3A_45 = vector.broadcast %broadcast_in_dim3A_44 : vector<512x1xf32> to vector<512x512xf32>
    %eq3A_46 = arith.cmpf oeq, %select_n3A_41, %eq3A_45 : vector<512x512xf32>
    %jit3A_47 = arith.constant 0xFF800000 : f32
    %broadcast_in_dim3A_48 = vector.shape_cast %bitcast_convert_type3A_14 : vector<1x512xf32> to vector<1x512xf32>
    %broadcast_in_dim3A_49 = vector.broadcast %broadcast_in_dim3A_48 : vector<1x512xf32> to vector<512x512xf32>
    %broadcast_in_dim3A_50 = vector.broadcast %jit3A_47 : f32 to vector<512x512xf32>
    %select_n3A_51 = arith.select %eq3A_46, %broadcast_in_dim3A_49, %broadcast_in_dim3A_50 : vector<512x512xi1>, vector<512x512xf32>
    %reduce_max3A_52 = arith.constant dense<0xFF800000> : vector<512xf32>
    %reduce_max3A_53 = vector.multi_reduction <maximumf>, %select_n3A_51, %reduce_max3A_52 [1] : vector<512x512xf32> to vector<512xf32>
    %broadcast_in_dim3A_54 = vector.shape_cast %reduce_max3A_53 : vector<512xf32> to vector<512x1xf32>
    %jit3A_55 = arith.constant 0x7F800000 : f32
    %broadcast_in_dim3A_56 = vector.broadcast %jit3A_55 : f32 to vector<512x512xf32>
    %select_n3A_57 = arith.select %eq3A_46, %broadcast_in_dim3A_56, %select_n3A_41 : vector<512x512xi1>, vector<512x512xf32>
    %reduce_min3A_58 = arith.constant dense<0x7F800000> : vector<512xf32>
    %reduce_min3A_59 = vector.multi_reduction <minimumf>, %select_n3A_57, %reduce_min3A_58 [1] : vector<512x512xf32> to vector<512xf32>
    %broadcast_in_dim3A_60 = vector.shape_cast %reduce_min3A_59 : vector<512xf32> to vector<512x1xf32>
    %eq3A_61 = vector.broadcast %broadcast_in_dim3A_60 : vector<512x1xf32> to vector<512x512xf32>
    %eq3A_62 = arith.cmpf oeq, %select_n3A_57, %eq3A_61 : vector<512x512xf32>
    %jit3A_63 = arith.constant 0xFF800000 : f32
    %broadcast_in_dim3A_64 = vector.shape_cast %bitcast_convert_type3A_14 : vector<1x512xf32> to vector<1x512xf32>
    %broadcast_in_dim3A_65 = vector.broadcast %broadcast_in_dim3A_64 : vector<1x512xf32> to vector<512x512xf32>
    %broadcast_in_dim3A_66 = vector.broadcast %jit3A_63 : f32 to vector<512x512xf32>
    %select_n3A_67 = arith.select %eq3A_62, %broadcast_in_dim3A_65, %broadcast_in_dim3A_66 : vector<512x512xi1>, vector<512x512xf32>
    %reduce_max3A_68 = arith.constant dense<0xFF800000> : vector<512xf32>
    %reduce_max3A_69 = vector.multi_reduction <maximumf>, %select_n3A_67, %reduce_max3A_68 [1] : vector<512x512xf32> to vector<512xf32>
    %broadcast_in_dim3A_70 = vector.shape_cast %reduce_max3A_69 : vector<512xf32> to vector<512x1xf32>
    %jit3A_71 = arith.constant 0x7F800000 : f32
    %broadcast_in_dim3A_72 = vector.broadcast %jit3A_71 : f32 to vector<512x512xf32>
    %select_n3A_73 = arith.select %eq3A_62, %broadcast_in_dim3A_72, %select_n3A_57 : vector<512x512xi1>, vector<512x512xf32>
    %reduce_min3A_74 = arith.constant dense<0x7F800000> : vector<512xf32>
    %reduce_min3A_75 = vector.multi_reduction <minimumf>, %select_n3A_73, %reduce_min3A_74 [1] : vector<512x512xf32> to vector<512xf32>
    %broadcast_in_dim3A_76 = vector.shape_cast %reduce_min3A_75 : vector<512xf32> to vector<512x1xf32>
    %eq3A_77 = vector.broadcast %broadcast_in_dim3A_76 : vector<512x1xf32> to vector<512x512xf32>
    %eq3A_78 = arith.cmpf oeq, %select_n3A_73, %eq3A_77 : vector<512x512xf32>
    %jit3A_79 = arith.constant 0xFF800000 : f32
    %broadcast_in_dim3A_80 = vector.shape_cast %bitcast_convert_type3A_14 : vector<1x512xf32> to vector<1x512xf32>
    %broadcast_in_dim3A_81 = vector.broadcast %broadcast_in_dim3A_80 : vector<1x512xf32> to vector<512x512xf32>
    %broadcast_in_dim3A_82 = vector.broadcast %jit3A_79 : f32 to vector<512x512xf32>
    %select_n3A_83 = arith.select %eq3A_78, %broadcast_in_dim3A_81, %broadcast_in_dim3A_82 : vector<512x512xi1>, vector<512x512xf32>
    %reduce_max3A_84 = arith.constant dense<0xFF800000> : vector<512xf32>
    %reduce_max3A_85 = vector.multi_reduction <maximumf>, %select_n3A_83, %reduce_max3A_84 [1] : vector<512x512xf32> to vector<512xf32>
    %broadcast_in_dim3A_86 = vector.shape_cast %reduce_max3A_85 : vector<512xf32> to vector<512x1xf32>
    %jit3A_87 = arith.constant 0x7F800000 : f32
    %broadcast_in_dim3A_88 = vector.broadcast %jit3A_87 : f32 to vector<512x512xf32>
    %select_n3A_89 = arith.select %eq3A_78, %broadcast_in_dim3A_88, %select_n3A_73 : vector<512x512xi1>, vector<512x512xf32>
    %reduce_min3A_90 = arith.constant dense<0x7F800000> : vector<512xf32>
    %reduce_min3A_91 = vector.multi_reduction <minimumf>, %select_n3A_89, %reduce_min3A_90 [1] : vector<512x512xf32> to vector<512xf32>
    %broadcast_in_dim3A_92 = vector.shape_cast %reduce_min3A_91 : vector<512xf32> to vector<512x1xf32>
    %eq3A_93 = vector.broadcast %broadcast_in_dim3A_92 : vector<512x1xf32> to vector<512x512xf32>
    %eq3A_94 = arith.cmpf oeq, %select_n3A_89, %eq3A_93 : vector<512x512xf32>
    %jit3A_95 = arith.constant 0xFF800000 : f32
    %broadcast_in_dim3A_96 = vector.shape_cast %bitcast_convert_type3A_14 : vector<1x512xf32> to vector<1x512xf32>
    %broadcast_in_dim3A_97 = vector.broadcast %broadcast_in_dim3A_96 : vector<1x512xf32> to vector<512x512xf32>
    %broadcast_in_dim3A_98 = vector.broadcast %jit3A_95 : f32 to vector<512x512xf32>
    %select_n3A_99 = arith.select %eq3A_94, %broadcast_in_dim3A_97, %broadcast_in_dim3A_98 : vector<512x512xi1>, vector<512x512xf32>
    %reduce_max3A_100 = arith.constant dense<0xFF800000> : vector<512xf32>
    %reduce_max3A_101 = vector.multi_reduction <maximumf>, %select_n3A_99, %reduce_max3A_100 [1] : vector<512x512xf32> to vector<512xf32>
    %broadcast_in_dim3A_102 = vector.shape_cast %reduce_max3A_101 : vector<512xf32> to vector<512x1xf32>
    %jit3A_103 = arith.constant 0x7F800000 : f32
    %broadcast_in_dim3A_104 = vector.broadcast %jit3A_103 : f32 to vector<512x512xf32>
    %select_n3A_105 = arith.select %eq3A_94, %broadcast_in_dim3A_104, %select_n3A_89 : vector<512x512xi1>, vector<512x512xf32>
    %reduce_min3A_106 = arith.constant dense<0x7F800000> : vector<512xf32>
    %reduce_min3A_107 = vector.multi_reduction <minimumf>, %select_n3A_105, %reduce_min3A_106 [1] : vector<512x512xf32> to vector<512xf32>
    %broadcast_in_dim3A_108 = vector.shape_cast %reduce_min3A_107 : vector<512xf32> to vector<512x1xf32>
    %eq3A_109 = vector.broadcast %broadcast_in_dim3A_108 : vector<512x1xf32> to vector<512x512xf32>
    %eq3A_110 = arith.cmpf oeq, %select_n3A_105, %eq3A_109 : vector<512x512xf32>
    %jit3A_111 = arith.constant 0xFF800000 : f32
    %broadcast_in_dim3A_112 = vector.shape_cast %bitcast_convert_type3A_14 : vector<1x512xf32> to vector<1x512xf32>
    %broadcast_in_dim3A_113 = vector.broadcast %broadcast_in_dim3A_112 : vector<1x512xf32> to vector<512x512xf32>
    %broadcast_in_dim3A_114 = vector.broadcast %jit3A_111 : f32 to vector<512x512xf32>
    %select_n3A_115 = arith.select %eq3A_110, %broadcast_in_dim3A_113, %broadcast_in_dim3A_114 : vector<512x512xi1>, vector<512x512xf32>
    %reduce_max3A_116 = arith.constant dense<0xFF800000> : vector<512xf32>
    %reduce_max3A_117 = vector.multi_reduction <maximumf>, %select_n3A_115, %reduce_max3A_116 [1] : vector<512x512xf32> to vector<512xf32>
    %broadcast_in_dim3A_118 = vector.shape_cast %reduce_max3A_117 : vector<512xf32> to vector<512x1xf32>
    %jit3A_119 = arith.constant 0x7F800000 : f32
    %broadcast_in_dim3A_120 = vector.broadcast %jit3A_119 : f32 to vector<512x512xf32>
    %select_n3A_121 = arith.select %eq3A_110, %broadcast_in_dim3A_120, %select_n3A_105 : vector<512x512xi1>, vector<512x512xf32>
    %reduce_min3A_122 = arith.constant dense<0x7F800000> : vector<512xf32>
    %reduce_min3A_123 = vector.multi_reduction <minimumf>, %select_n3A_121, %reduce_min3A_122 [1] : vector<512x512xf32> to vector<512xf32>
    %broadcast_in_dim3A_124 = vector.shape_cast %reduce_min3A_123 : vector<512xf32> to vector<512x1xf32>
    %eq3A_125 = vector.broadcast %broadcast_in_dim3A_124 : vector<512x1xf32> to vector<512x512xf32>
    %eq3A_126 = arith.cmpf oeq, %select_n3A_121, %eq3A_125 : vector<512x512xf32>
    %jit3A_127 = arith.constant 0xFF800000 : f32
    %broadcast_in_dim3A_128 = vector.shape_cast %bitcast_convert_type3A_14 : vector<1x512xf32> to vector<1x512xf32>
    %broadcast_in_dim3A_129 = vector.broadcast %broadcast_in_dim3A_128 : vector<1x512xf32> to vector<512x512xf32>
    %broadcast_in_dim3A_130 = vector.broadcast %jit3A_127 : f32 to vector<512x512xf32>
    %select_n3A_131 = arith.select %eq3A_126, %broadcast_in_dim3A_129, %broadcast_in_dim3A_130 : vector<512x512xi1>, vector<512x512xf32>
    %reduce_max3A_132 = arith.constant dense<0xFF800000> : vector<512xf32>
    %reduce_max3A_133 = vector.multi_reduction <maximumf>, %select_n3A_131, %reduce_max3A_132 [1] : vector<512x512xf32> to vector<512xf32>
    %broadcast_in_dim3A_134 = vector.shape_cast %reduce_max3A_133 : vector<512xf32> to vector<512x1xf32>
    %jit3A_135 = arith.constant 0x7F800000 : f32
    %broadcast_in_dim3A_136 = vector.broadcast %jit3A_135 : f32 to vector<512x512xf32>
    %select_n3A_137 = arith.select %eq3A_126, %broadcast_in_dim3A_136, %select_n3A_121 : vector<512x512xi1>, vector<512x512xf32>
    %reduce_min3A_138 = arith.constant dense<0x7F800000> : vector<512xf32>
    %reduce_min3A_139 = vector.multi_reduction <minimumf>, %select_n3A_137, %reduce_min3A_138 [1] : vector<512x512xf32> to vector<512xf32>
    %broadcast_in_dim3A_140 = vector.shape_cast %reduce_min3A_139 : vector<512xf32> to vector<512x1xf32>
    %eq3A_141 = vector.broadcast %broadcast_in_dim3A_140 : vector<512x1xf32> to vector<512x512xf32>
    %eq3A_142 = arith.cmpf oeq, %select_n3A_137, %eq3A_141 : vector<512x512xf32>
    %jit3A_143 = arith.constant 0xFF800000 : f32
    %broadcast_in_dim3A_144 = vector.shape_cast %bitcast_convert_type3A_14 : vector<1x512xf32> to vector<1x512xf32>
    %broadcast_in_dim3A_145 = vector.broadcast %broadcast_in_dim3A_144 : vector<1x512xf32> to vector<512x512xf32>
    %broadcast_in_dim3A_146 = vector.broadcast %jit3A_143 : f32 to vector<512x512xf32>
    %select_n3A_147 = arith.select %eq3A_142, %broadcast_in_dim3A_145, %broadcast_in_dim3A_146 : vector<512x512xi1>, vector<512x512xf32>
    %reduce_max3A_148 = arith.constant dense<0xFF800000> : vector<512xf32>
    %reduce_max3A_149 = vector.multi_reduction <maximumf>, %select_n3A_147, %reduce_max3A_148 [1] : vector<512x512xf32> to vector<512xf32>
    %broadcast_in_dim3A_150 = vector.shape_cast %reduce_max3A_149 : vector<512xf32> to vector<512x1xf32>
    %jit3A_151 = arith.constant 0x7F800000 : f32
    %broadcast_in_dim3A_152 = vector.broadcast %jit3A_151 : f32 to vector<512x512xf32>
    %select_n3A_153 = arith.select %eq3A_142, %broadcast_in_dim3A_152, %select_n3A_137 : vector<512x512xi1>, vector<512x512xf32>
    %reduce_min3A_154 = arith.constant dense<0x7F800000> : vector<512xf32>
    %reduce_min3A_155 = vector.multi_reduction <minimumf>, %select_n3A_153, %reduce_min3A_154 [1] : vector<512x512xf32> to vector<512xf32>
    %broadcast_in_dim3A_156 = vector.shape_cast %reduce_min3A_155 : vector<512xf32> to vector<512x1xf32>
    %eq3A_157 = vector.broadcast %broadcast_in_dim3A_156 : vector<512x1xf32> to vector<512x512xf32>
    %eq3A_158 = arith.cmpf oeq, %select_n3A_153, %eq3A_157 : vector<512x512xf32>
    %jit3A_159 = arith.constant 0xFF800000 : f32
    %broadcast_in_dim3A_160 = vector.shape_cast %bitcast_convert_type3A_14 : vector<1x512xf32> to vector<1x512xf32>
    %broadcast_in_dim3A_161 = vector.broadcast %broadcast_in_dim3A_160 : vector<1x512xf32> to vector<512x512xf32>
    %broadcast_in_dim3A_162 = vector.broadcast %jit3A_159 : f32 to vector<512x512xf32>
    %select_n3A_163 = arith.select %eq3A_158, %broadcast_in_dim3A_161, %broadcast_in_dim3A_162 : vector<512x512xi1>, vector<512x512xf32>
    %reduce_max3A_164 = arith.constant dense<0xFF800000> : vector<512xf32>
    %reduce_max3A_165 = vector.multi_reduction <maximumf>, %select_n3A_163, %reduce_max3A_164 [1] : vector<512x512xf32> to vector<512xf32>
    %broadcast_in_dim3A_166 = vector.shape_cast %reduce_max3A_165 : vector<512xf32> to vector<512x1xf32>
    %jit3A_167 = arith.constant 0x7F800000 : f32
    %broadcast_in_dim3A_168 = vector.broadcast %jit3A_167 : f32 to vector<512x512xf32>
    %select_n3A_169 = arith.select %eq3A_158, %broadcast_in_dim3A_168, %select_n3A_153 : vector<512x512xi1>, vector<512x512xf32>
    %reduce_min3A_170 = arith.constant dense<0x7F800000> : vector<512xf32>
    %reduce_min3A_171 = vector.multi_reduction <minimumf>, %select_n3A_169, %reduce_min3A_170 [1] : vector<512x512xf32> to vector<512xf32>
    %broadcast_in_dim3A_172 = vector.shape_cast %reduce_min3A_171 : vector<512xf32> to vector<512x1xf32>
    %eq3A_173 = vector.broadcast %broadcast_in_dim3A_172 : vector<512x1xf32> to vector<512x512xf32>
    %eq3A_174 = arith.cmpf oeq, %select_n3A_169, %eq3A_173 : vector<512x512xf32>
    %jit3A_175 = arith.constant 0xFF800000 : f32
    %broadcast_in_dim3A_176 = vector.shape_cast %bitcast_convert_type3A_14 : vector<1x512xf32> to vector<1x512xf32>
    %broadcast_in_dim3A_177 = vector.broadcast %broadcast_in_dim3A_176 : vector<1x512xf32> to vector<512x512xf32>
    %broadcast_in_dim3A_178 = vector.broadcast %jit3A_175 : f32 to vector<512x512xf32>
    %select_n3A_179 = arith.select %eq3A_174, %broadcast_in_dim3A_177, %broadcast_in_dim3A_178 : vector<512x512xi1>, vector<512x512xf32>
    %reduce_max3A_180 = arith.constant dense<0xFF800000> : vector<512xf32>
    %reduce_max3A_181 = vector.multi_reduction <maximumf>, %select_n3A_179, %reduce_max3A_180 [1] : vector<512x512xf32> to vector<512xf32>
    %broadcast_in_dim3A_182 = vector.shape_cast %reduce_max3A_181 : vector<512xf32> to vector<512x1xf32>
    %jit3A_183 = arith.constant 0x7F800000 : f32
    %broadcast_in_dim3A_184 = vector.broadcast %jit3A_183 : f32 to vector<512x512xf32>
    %select_n3A_185 = arith.select %eq3A_174, %broadcast_in_dim3A_184, %select_n3A_169 : vector<512x512xi1>, vector<512x512xf32>
    %reduce_min3A_186 = arith.constant dense<0x7F800000> : vector<512xf32>
    %reduce_min3A_187 = vector.multi_reduction <minimumf>, %select_n3A_185, %reduce_min3A_186 [1] : vector<512x512xf32> to vector<512xf32>
    %broadcast_in_dim3A_188 = vector.shape_cast %reduce_min3A_187 : vector<512xf32> to vector<512x1xf32>
    %eq3A_189 = vector.broadcast %broadcast_in_dim3A_188 : vector<512x1xf32> to vector<512x512xf32>
    %eq3A_190 = arith.cmpf oeq, %select_n3A_185, %eq3A_189 : vector<512x512xf32>
    %jit3A_191 = arith.constant 0xFF800000 : f32
    %broadcast_in_dim3A_192 = vector.shape_cast %bitcast_convert_type3A_14 : vector<1x512xf32> to vector<1x512xf32>
    %broadcast_in_dim3A_193 = vector.broadcast %broadcast_in_dim3A_192 : vector<1x512xf32> to vector<512x512xf32>
    %broadcast_in_dim3A_194 = vector.broadcast %jit3A_191 : f32 to vector<512x512xf32>
    %select_n3A_195 = arith.select %eq3A_190, %broadcast_in_dim3A_193, %broadcast_in_dim3A_194 : vector<512x512xi1>, vector<512x512xf32>
    %reduce_max3A_196 = arith.constant dense<0xFF800000> : vector<512xf32>
    %reduce_max3A_197 = vector.multi_reduction <maximumf>, %select_n3A_195, %reduce_max3A_196 [1] : vector<512x512xf32> to vector<512xf32>
    %broadcast_in_dim3A_198 = vector.shape_cast %reduce_max3A_197 : vector<512xf32> to vector<512x1xf32>
    %jit3A_199 = arith.constant 0x7F800000 : f32
    %broadcast_in_dim3A_200 = vector.broadcast %jit3A_199 : f32 to vector<512x512xf32>
    %select_n3A_201 = arith.select %eq3A_190, %broadcast_in_dim3A_200, %select_n3A_185 : vector<512x512xi1>, vector<512x512xf32>
    %reduce_min3A_202 = arith.constant dense<0x7F800000> : vector<512xf32>
    %reduce_min3A_203 = vector.multi_reduction <minimumf>, %select_n3A_201, %reduce_min3A_202 [1] : vector<512x512xf32> to vector<512xf32>
    %broadcast_in_dim3A_204 = vector.shape_cast %reduce_min3A_203 : vector<512xf32> to vector<512x1xf32>
    %eq3A_205 = vector.broadcast %broadcast_in_dim3A_204 : vector<512x1xf32> to vector<512x512xf32>
    %eq3A_206 = arith.cmpf oeq, %select_n3A_201, %eq3A_205 : vector<512x512xf32>
    %jit3A_207 = arith.constant 0xFF800000 : f32
    %broadcast_in_dim3A_208 = vector.shape_cast %bitcast_convert_type3A_14 : vector<1x512xf32> to vector<1x512xf32>
    %broadcast_in_dim3A_209 = vector.broadcast %broadcast_in_dim3A_208 : vector<1x512xf32> to vector<512x512xf32>
    %broadcast_in_dim3A_210 = vector.broadcast %jit3A_207 : f32 to vector<512x512xf32>
    %select_n3A_211 = arith.select %eq3A_206, %broadcast_in_dim3A_209, %broadcast_in_dim3A_210 : vector<512x512xi1>, vector<512x512xf32>
    %reduce_max3A_212 = arith.constant dense<0xFF800000> : vector<512xf32>
    %reduce_max3A_213 = vector.multi_reduction <maximumf>, %select_n3A_211, %reduce_max3A_212 [1] : vector<512x512xf32> to vector<512xf32>
    %broadcast_in_dim3A_214 = vector.shape_cast %reduce_max3A_213 : vector<512xf32> to vector<512x1xf32>
    %jit3A_215 = arith.constant 0x7F800000 : f32
    %broadcast_in_dim3A_216 = vector.broadcast %jit3A_215 : f32 to vector<512x512xf32>
    %select_n3A_217 = arith.select %eq3A_206, %broadcast_in_dim3A_216, %select_n3A_201 : vector<512x512xi1>, vector<512x512xf32>
    %reduce_min3A_218 = arith.constant dense<0x7F800000> : vector<512xf32>
    %reduce_min3A_219 = vector.multi_reduction <minimumf>, %select_n3A_217, %reduce_min3A_218 [1] : vector<512x512xf32> to vector<512xf32>
    %broadcast_in_dim3A_220 = vector.shape_cast %reduce_min3A_219 : vector<512xf32> to vector<512x1xf32>
    %eq3A_221 = vector.broadcast %broadcast_in_dim3A_220 : vector<512x1xf32> to vector<512x512xf32>
    %eq3A_222 = arith.cmpf oeq, %select_n3A_217, %eq3A_221 : vector<512x512xf32>
    %jit3A_223 = arith.constant 0xFF800000 : f32
    %broadcast_in_dim3A_224 = vector.shape_cast %bitcast_convert_type3A_14 : vector<1x512xf32> to vector<1x512xf32>
    %broadcast_in_dim3A_225 = vector.broadcast %broadcast_in_dim3A_224 : vector<1x512xf32> to vector<512x512xf32>
    %broadcast_in_dim3A_226 = vector.broadcast %jit3A_223 : f32 to vector<512x512xf32>
    %select_n3A_227 = arith.select %eq3A_222, %broadcast_in_dim3A_225, %broadcast_in_dim3A_226 : vector<512x512xi1>, vector<512x512xf32>
    %reduce_max3A_228 = arith.constant dense<0xFF800000> : vector<512xf32>
    %reduce_max3A_229 = vector.multi_reduction <maximumf>, %select_n3A_227, %reduce_max3A_228 [1] : vector<512x512xf32> to vector<512xf32>
    %broadcast_in_dim3A_230 = vector.shape_cast %reduce_max3A_229 : vector<512xf32> to vector<512x1xf32>
    %jit3A_231 = arith.constant 0x7F800000 : f32
    %broadcast_in_dim3A_232 = vector.broadcast %jit3A_231 : f32 to vector<512x512xf32>
    %select_n3A_233 = arith.select %eq3A_222, %broadcast_in_dim3A_232, %select_n3A_217 : vector<512x512xi1>, vector<512x512xf32>
    %reduce_min3A_234 = arith.constant dense<0x7F800000> : vector<512xf32>
    %reduce_min3A_235 = vector.multi_reduction <minimumf>, %select_n3A_233, %reduce_min3A_234 [1] : vector<512x512xf32> to vector<512xf32>
    %broadcast_in_dim3A_236 = vector.shape_cast %reduce_min3A_235 : vector<512xf32> to vector<512x1xf32>
    %eq3A_237 = vector.broadcast %broadcast_in_dim3A_236 : vector<512x1xf32> to vector<512x512xf32>
    %eq3A_238 = arith.cmpf oeq, %select_n3A_233, %eq3A_237 : vector<512x512xf32>
    %jit3A_239 = arith.constant 0xFF800000 : f32
    %broadcast_in_dim3A_240 = vector.shape_cast %bitcast_convert_type3A_14 : vector<1x512xf32> to vector<1x512xf32>
    %broadcast_in_dim3A_241 = vector.broadcast %broadcast_in_dim3A_240 : vector<1x512xf32> to vector<512x512xf32>
    %broadcast_in_dim3A_242 = vector.broadcast %jit3A_239 : f32 to vector<512x512xf32>
    %select_n3A_243 = arith.select %eq3A_238, %broadcast_in_dim3A_241, %broadcast_in_dim3A_242 : vector<512x512xi1>, vector<512x512xf32>
    %reduce_max3A_244 = arith.constant dense<0xFF800000> : vector<512xf32>
    %reduce_max3A_245 = vector.multi_reduction <maximumf>, %select_n3A_243, %reduce_max3A_244 [1] : vector<512x512xf32> to vector<512xf32>
    %broadcast_in_dim3A_246 = vector.shape_cast %reduce_max3A_245 : vector<512xf32> to vector<512x1xf32>
    %jit3A_247 = arith.constant 0x7F800000 : f32
    %broadcast_in_dim3A_248 = vector.broadcast %jit3A_247 : f32 to vector<512x512xf32>
    %select_n3A_249 = arith.select %eq3A_238, %broadcast_in_dim3A_248, %select_n3A_233 : vector<512x512xi1>, vector<512x512xf32>
    %reduce_min3A_250 = arith.constant dense<0x7F800000> : vector<512xf32>
    %reduce_min3A_251 = vector.multi_reduction <minimumf>, %select_n3A_249, %reduce_min3A_250 [1] : vector<512x512xf32> to vector<512xf32>
    %broadcast_in_dim3A_252 = vector.shape_cast %reduce_min3A_251 : vector<512xf32> to vector<512x1xf32>
    %eq3A_253 = vector.broadcast %broadcast_in_dim3A_252 : vector<512x1xf32> to vector<512x512xf32>
    %eq3A_254 = arith.cmpf oeq, %select_n3A_249, %eq3A_253 : vector<512x512xf32>
    %jit3A_255 = arith.constant 0xFF800000 : f32
    %broadcast_in_dim3A_256 = vector.shape_cast %bitcast_convert_type3A_14 : vector<1x512xf32> to vector<1x512xf32>
    %broadcast_in_dim3A_257 = vector.broadcast %broadcast_in_dim3A_256 : vector<1x512xf32> to vector<512x512xf32>
    %broadcast_in_dim3A_258 = vector.broadcast %jit3A_255 : f32 to vector<512x512xf32>
    %select_n3A_259 = arith.select %eq3A_254, %broadcast_in_dim3A_257, %broadcast_in_dim3A_258 : vector<512x512xi1>, vector<512x512xf32>
    %reduce_max3A_260 = arith.constant dense<0xFF800000> : vector<512xf32>
    %reduce_max3A_261 = vector.multi_reduction <maximumf>, %select_n3A_259, %reduce_max3A_260 [1] : vector<512x512xf32> to vector<512xf32>
    %broadcast_in_dim3A_262 = vector.shape_cast %reduce_max3A_261 : vector<512xf32> to vector<512x1xf32>
    %concatenate3A = tpu.concatenate %broadcast_in_dim3A_22, %broadcast_in_dim3A_38, %broadcast_in_dim3A_54, %broadcast_in_dim3A_70, %broadcast_in_dim3A_86, %broadcast_in_dim3A_102, %broadcast_in_dim3A_118, %broadcast_in_dim3A_134, %broadcast_in_dim3A_150, %broadcast_in_dim3A_166, %broadcast_in_dim3A_182, %broadcast_in_dim3A_198, %broadcast_in_dim3A_214, %broadcast_in_dim3A_230, %broadcast_in_dim3A_246, %broadcast_in_dim3A_262 in 1 : vector<512x1xf32>, vector<512x1xf32>, vector<512x1xf32>, vector<512x1xf32>, vector<512x1xf32>, vector<512x1xf32>, vector<512x1xf32>, vector<512x1xf32>, vector<512x1xf32>, vector<512x1xf32>, vector<512x1xf32>, vector<512x1xf32>, vector<512x1xf32>, vector<512x1xf32>, vector<512x1xf32>, vector<512x1xf32> -> vector<512x16xf32>
    %bitcast_convert_type3A_263 = tpu.bitcast %concatenate3A : vector<512x16xf32> -> vector<512x16xi32>
    %and3A_264 = arith.constant 511 : i32
    %and3A_265 = vector.broadcast %and3A_264 : i32 to vector<512x16xi32>
    %and3A_266 = arith.andi %bitcast_convert_type3A_263, %and3A_265 : vector<512x16xi32>
    %and3A_267 = arith.constant -512 : i32
    %and3A_268 = vector.broadcast %and3A_267 : i32 to vector<512x16xi32>
    %and3A_269 = arith.andi %bitcast_convert_type3A_263, %and3A_268 : vector<512x16xi32>
    %bitcast_convert_type3A_270 = tpu.bitcast %and3A_269 : vector<512x16xi32> -> vector<512x16xf32>
    %concatenate3A_271 = tpu.concatenate %broadcast_in_dim3A_16, %broadcast_in_dim3A_28, %broadcast_in_dim3A_44, %broadcast_in_dim3A_60, %broadcast_in_dim3A_76, %broadcast_in_dim3A_92, %broadcast_in_dim3A_108, %broadcast_in_dim3A_124, %broadcast_in_dim3A_140, %broadcast_in_dim3A_156, %broadcast_in_dim3A_172, %broadcast_in_dim3A_188, %broadcast_in_dim3A_204, %broadcast_in_dim3A_220, %broadcast_in_dim3A_236, %broadcast_in_dim3A_252 in 1 : vector<512x1xf32>, vector<512x1xf32>, vector<512x1xf32>, vector<512x1xf32>, vector<512x1xf32>, vector<512x1xf32>, vector<512x1xf32>, vector<512x1xf32>, vector<512x1xf32>, vector<512x1xf32>, vector<512x1xf32>, vector<512x1xf32>, vector<512x1xf32>, vector<512x1xf32>, vector<512x1xf32>, vector<512x1xf32> -> vector<512x16xf32>
    %add3A_272 = vector.broadcast %broadcast_in_dim3A_6 : vector<512x1xf32> to vector<512x16xf32>
    %add3A_273 = arith.addf %add3A_272, %bitcast_convert_type3A_270 : vector<512x16xf32>
    %sub3A_274 = arith.subf %add3A_273, %concatenate3A_271 : vector<512x16xf32>
    %mul3A_275 = arith.constant 5.000000e-01 : f32
    %mul3A_276 = vector.broadcast %mul3A_275 : f32 to vector<512x16xf32>
    %mul3A_277 = arith.mulf %sub3A_274, %mul3A_276 : vector<512x16xf32>
    %mul3A_278 = vector.broadcast %broadcast_in_dim3A_6 : vector<512x1xf32> to vector<512x16xf32>
    %mul3A_279 = arith.mulf %mul3A_278, %bitcast_convert_type3A_270 : vector<512x16xf32>
    %rsqrt3A = math.rsqrt %mul3A_279 : vector<512x16xf32>
    %mul3A_280 = arith.mulf %mul3A_277, %rsqrt3A : vector<512x16xf32>
    %iota3A_281 = tpu.iota {dimensions = array<i32: 1>} : vector<16x256xi32>
    %jit3A_282 = arith.constant 16 : i32
    %div3A = vector.broadcast %jit3A_282 : i32 to vector<16x256xi32>
    %div3A_283 = arith.divsi %iota3A_281, %div3A : vector<16x256xi32>
    %sign3A = arith.constant 0 : i32
    %sign3A_284 = vector.broadcast %sign3A : i32 to vector<16x256xi32>
    %sign3A_285 = arith.cmpi sgt, %iota3A_281, %sign3A_284 : vector<16x256xi32>
    %sign3A_286 = arith.extui %sign3A_285 : vector<16x256xi1> to vector<16x256xi32>
    %sign3A_287 = arith.constant 0 : i32
    %sign3A_288 = vector.broadcast %sign3A_287 : i32 to vector<16x256xi32>
    %sign3A_289 = arith.cmpi slt, %iota3A_281, %sign3A_288 : vector<16x256xi32>
    %sign3A_290 = arith.extui %sign3A_289 : vector<16x256xi1> to vector<16x256xi32>
    %sign3A_291 = arith.subi %sign3A_286, %sign3A_290 : vector<16x256xi32>
    %sign3A_292 = arith.constant 0 : i32
    %sign3A_293 = arith.cmpi sgt, %jit3A_282, %sign3A_292 : i32
    %sign3A_294 = arith.extui %sign3A_293 : i1 to i32
    %sign3A_295 = arith.constant 0 : i32
    %sign3A_296 = arith.cmpi slt, %jit3A_282, %sign3A_295 : i32
    %sign3A_297 = arith.extui %sign3A_296 : i1 to i32
    %sign3A_298 = arith.subi %sign3A_294, %sign3A_297 : i32
    %ne3A = vector.broadcast %sign3A_298 : i32 to vector<16x256xi32>
    %ne3A_299 = arith.cmpi ne, %sign3A_291, %ne3A : vector<16x256xi32>
    %rem3A = vector.broadcast %jit3A_282 : i32 to vector<16x256xi32>
    %rem3A_300 = arith.remsi %iota3A_281, %rem3A : vector<16x256xi32>
    %ne3A_301 = arith.constant 0 : i32
    %ne3A_302 = vector.broadcast %ne3A_301 : i32 to vector<16x256xi32>
    %ne3A_303 = arith.cmpi ne, %rem3A_300, %ne3A_302 : vector<16x256xi32>
    %and3A_304 = arith.andi %ne3A_299, %ne3A_303 : vector<16x256xi1>
    %sub3A_305 = arith.constant 1 : i32
    %sub3A_306 = vector.broadcast %sub3A_305 : i32 to vector<16x256xi32>
    %sub3A_307 = arith.subi %div3A_283, %sub3A_306 : vector<16x256xi32>
    %select_n3A_308 = arith.select %and3A_304, %sub3A_307, %div3A_283 : vector<16x256xi1>, vector<16x256xi32>
    %iota3A_309 = tpu.iota {dimensions = array<i32: 0>} : vector<16x256xi32>
    %eq3A_310 = arith.cmpi eq, %select_n3A_308, %iota3A_309 : vector<16x256xi32>
    %convert_element_type3A = arith.extui %eq3A_310 : vector<16x256xi1> to vector<16x256xi32>
    %convert_element_type3A_311 = arith.sitofp %convert_element_type3A : vector<16x256xi32> to vector<16x256xf32>
    %convert_element_type3A_312 = arith.sitofp %and3A_266 : vector<512x16xi32> to vector<512x16xf32>
    %dot_general3A_313 = arith.constant dense<0.000000e+00> : vector<512x256xf32>
    %dot_general3A_314 = tpu.matmul %convert_element_type3A_312, %convert_element_type3A_311, %dot_general3A_313 {dimension_numbers = #tpu.dot_dimension_numbers<[1], [0], [0], [1], [0, 0, 1, 1], [], []>, precision = #tpu.contract_precision<fp32>, transpose_lhs_hint = false} : vector<512x16xf32>, vector<16x256xf32>, vector<512x256xf32> -> vector<512x256xf32>
    %convert_element_type3A_315 = arith.fptosi %dot_general3A_314 : vector<512x256xf32> to vector<512x256xi32>
    %dot_general3A_316 = arith.constant dense<0.000000e+00> : vector<512x256xf32>
    %dot_general3A_317 = tpu.matmul %mul3A_280, %convert_element_type3A_311, %dot_general3A_316 {dimension_numbers = #tpu.dot_dimension_numbers<[1], [0], [0], [1], [0, 0, 1, 1], [], []>, precision = #tpu.contract_precision<fp32>, transpose_lhs_hint = false} : vector<512x16xf32>, vector<16x256xf32>, vector<512x256xf32> -> vector<512x256xf32>
    %bitcast_convert_type3A_318 = tpu.bitcast %dot_general3A_317 : vector<512x256xf32> -> vector<512x256xi32>
    %and3A_319 = arith.constant -512 : i32
    %and3A_320 = vector.broadcast %and3A_319 : i32 to vector<512x256xi32>
    %and3A_321 = arith.andi %bitcast_convert_type3A_318, %and3A_320 : vector<512x256xi32>
    %or3A_322 = arith.ori %and3A_321, %convert_element_type3A_315 : vector<512x256xi32>
    %swap3A = arith.constant 0 : index
    %swap3A_323 = arith.constant 0 : index
    %swap3A_324 = arith.constant 0 : index
    %swap3A_325 = vector.load %arg4[%swap3A, %swap3A_323, %swap3A_324] : memref<1x512x256xi32, #tpu.memory_space<vmem>>, vector<1x512x256xi32>
    %swap3A_326 = vector.shape_cast %swap3A_325 : vector<1x512x256xi32> to vector<512x256xi32>
    %swap3A_327 = vector.shape_cast %or3A_322 : vector<512x256xi32> to vector<1x512x256xi32>
    tpu.vector_store %arg4[%swap3A, %swap3A_323, %swap3A_324], %swap3A_327 {strides = array<i32>} : memref<1x512x256xi32, #tpu.memory_space<vmem>>, vector<1x512x256xi32>,
    %get3A_328 = arith.constant 0 : index
    %get3A_329 = arith.constant 0 : index
    %get3A_330 = vector.load %arg2[%get3A_328, %get3A_329] : memref<128x256xf32, #tpu.memory_space<vmem>>, vector<128x256xf32>
    %slice3A = vector.extract_strided_slice %get3A_330 {offsets = [0, 0], sizes = [128, 128], strides = [1, 1]} : vector<128x256xf32> to vector<128x128xf32>
    %slice3A_331 = vector.extract_strided_slice %get3A_330 {offsets = [0, 128], sizes = [128, 128], strides = [1, 1]} : vector<128x256xf32> to vector<128x128xf32>
    %dot_general3A_332 = arith.constant dense<0.000000e+00> : vector<512x128xf32>
    %dot_general3A_333 = tpu.matmul %get3A_3, %slice3A, %dot_general3A_332 {dimension_numbers = #tpu.dot_dimension_numbers<[0], [1], [1], [0], [0, 1, 1, 0], [], []>, precision = #tpu.contract_precision<fp32>, transpose_lhs_hint = false} : vector<128x512xf32>, vector<128x128xf32>, vector<512x128xf32> -> vector<512x128xf32>
    %swap3A_334 = arith.constant 0 : index
    %swap3A_335 = arith.constant 0 : index
    %swap3A_336 = arith.constant 0 : index
    %swap3A_337 = vector.load %arg5[%swap3A_334, %swap3A_335, %swap3A_336] : memref<1x512x128xf32, #tpu.memory_space<vmem>>, vector<1x512x128xf32>
    %swap3A_338 = vector.shape_cast %swap3A_337 : vector<1x512x128xf32> to vector<512x128xf32>
    %swap3A_339 = vector.shape_cast %dot_general3A_333 : vector<512x128xf32> to vector<1x512x128xf32>
    tpu.vector_store %arg5[%swap3A_334, %swap3A_335, %swap3A_336], %swap3A_339 {strides = array<i32>} : memref<1x512x128xf32, #tpu.memory_space<vmem>>, vector<1x512x128xf32>,
    %dot_general3A_340 = arith.constant dense<0.000000e+00> : vector<512x128xf32>
    %dot_general3A_341 = tpu.matmul %get3A_3, %slice3A_331, %dot_general3A_340 {dimension_numbers = #tpu.dot_dimension_numbers<[0], [1], [1], [0], [0, 1, 1, 0], [], []>, precision = #tpu.contract_precision<fp32>, transpose_lhs_hint = false} : vector<128x512xf32>, vector<128x128xf32>, vector<512x128xf32> -> vector<512x128xf32>
    %get3A_342 = arith.constant 0 : index
    %get3A_343 = arith.constant 0 : index
    %get3A_344 = vector.load %arg3[%get3A_342, %get3A_343] : memref<1x128xf32, #tpu.memory_space<vmem>>, vector<1x128xf32>
    %add3A_345 = vector.broadcast %get3A_344 : vector<1x128xf32> to vector<512x128xf32>
    %add3A_346 = arith.addf %dot_general3A_341, %add3A_345 : vector<512x128xf32>
    %swap3A_347 = arith.constant 0 : index
    %swap3A_348 = arith.constant 0 : index
    %swap3A_349 = arith.constant 0 : index
    %swap3A_350 = vector.load %arg6[%swap3A_347, %swap3A_348, %swap3A_349] : memref<1x512x128xf32, #tpu.memory_space<vmem>>, vector<1x512x128xf32>
    %swap3A_351 = vector.shape_cast %swap3A_350 : vector<1x512x128xf32> to vector<512x128xf32>
    %swap3A_352 = vector.shape_cast %add3A_346 : vector<512x128xf32> to vector<1x512x128xf32>
    tpu.vector_store %arg6[%swap3A_347, %swap3A_348, %swap3A_349], %swap3A_352 {strides = array<i32>} : memref<1x512x128xf32, #tpu.memory_space<vmem>>, vector<1x512x128xf32>,
    return
  }
  func.func @transform_0(%arg0: i32) -> (i32, i32, i32) {
    %c0_i32 = arith.constant 0 : i32
    %c0_i32_0 = arith.constant 0 : i32
    %c0_i32_1 = arith.constant 0 : i32
    return %arg0, %c0_i32, %c0_i32_0 : i32, i32, i32
  }
  func.func @transform_1(%arg0: i32) -> (i32, i32) {
    %c0_i32 = arith.constant 0 : i32
    %c0_i32_0 = arith.constant 0 : i32
    %c0_i32_1 = arith.constant 0 : i32
    return %c0_i32, %c0_i32_0 : i32, i32
  }
  func.func @transform_2(%arg0: i32) -> (i32, i32) {
    %c0_i32 = arith.constant 0 : i32
    %c0_i32_0 = arith.constant 0 : i32
    %c0_i32_1 = arith.constant 0 : i32
    return %c0_i32, %c0_i32_0 : i32, i32
  }
  func.func @transform_3(%arg0: i32) -> (i32, i32, i32) {
    %c0_i32 = arith.constant 0 : i32
    %c0_i32_0 = arith.constant 0 : i32
    %c0_i32_1 = arith.constant 0 : i32
    return %arg0, %c0_i32, %c0_i32_0 : i32, i32, i32
  }
  func.func @transform_4(%arg0: i32) -> (i32, i32, i32) {
    %c0_i32 = arith.constant 0 : i32
    %c0_i32_0 = arith.constant 0 : i32
    %c0_i32_1 = arith.constant 0 : i32
    return %arg0, %c0_i32, %c0_i32_0 : i32, i32, i32
  }
  func.func @transform_5(%arg0: i32) -> (i32, i32, i32) {
    %c0_i32 = arith.constant 0 : i32
    %c0_i32_0 = arith.constant 0 : i32
    %c0_i32_1 = arith.constant 0 : i32
    return %arg0, %c0_i32, %c0_i32_0 : i32, i32, i32
  }
}

</mosaic_0001>

<sc_bundles>
// kernel: kernel.4.cloned.1.call-start
scs
__scs_entry_jumppad:
0x0: {  	(pc) =	sbr.rel $0x88, $3  }
0x1: {  	(tag) =	ssettag $0x0;
	lr =	simm.s32 $0x1  }
0x2: {  	[smem:$0x3F9E] =	sst lr;
	_ =	strace $0xD0000000  }
0x3: {  	_ = 	snop  }
0x4: {  	_ = 	snop  }
0x5: {  	_ = 	snop  }
0x6: {  	_ = 	snop  }
0x7: {  	_ = 	snop  }
__scs_overlays_trampoline_lowered:
0x8: {  	[smem:$0x3FAD] =	sst s0  }
0x9: {  	[smem:$0x3FAE] =	sst s1  }
0xa: {  	[smem:$0x3FAF] =	sst s2  }
0xb: {  	[smem:$0x3FB0] =	sst s3  }
0xc: {  	[smem:$0x3FB1] =	sst s4  }
0xd: {  	[smem:$0x3FB2] =	sst s5  }
0xe: {  	[smem:$0x3FB3] =	sst s6  }
0xf: {  	[smem:$0x3FB4] =	sst s7  }
0x10: {  	[smem:$0x3FB5] =	sst s8  }
0x11: {  	[smem:$0x3FB6] =	sst s9;
	s0 =	simm.s32 @!p0 $0x0  }
0x12: {  	s1 =	sld [smem:$0x3F9C];
	s0 =	simm.s32 @p0 $0x1  }
0x13: {  	[smem:$0x3FB7] =	sst s0;
	s0 =	simm.s32 @!p1 $0x0  }
0x14: {  	s2 =	sld [smem:$0x3F9B];
	s0 =	simm.s32 @p1 $0x1  }
0x15: {  	[smem:$0x3FB8] =	sst s0;
	s0 =	simm.s32 @!p2 $0x0  }
0x16: {  	s3 =	sld [smem:$0x3FDB];
	s0 =	simm.s32 @p2 $0x1  }
0x17: {  	s4 =	simm.s32 $0x1BF5;
	[smem:$0x3FBA] =	sst s0  }
0x18: {  	s0 =	sld [smem:$0x3F9D];
	_ =	swait.ge [sflag:s4], $0x0  }
0x19: {  	s7 =	sld [smem:$0x3F9E]  }
0x1a: {  	s8 =	sadd.s32 $0xFFFFE003, lr  }
0x1b: {  	s9 =	sadd.s32 $0xFFFFFEF7, lr;
	s5 =	simm.s32 $0xFFFFFFFF;
	p2 =	slt.u32 s8, $0xFFFFF086  }
0x1c: {  	p1 =	slt.u32 s9, $0xF7A;
	s5 =	simm.s32 @!p2 $0x0  }
0x1d: {  	s5 =	simm.s32 @p1 $0x1;
	p0 =	seq.s32 s7, s2  }
0x1e: {  	s7 =	smul.u32 @!p0 $0xF7A, s2;
	p2 =	seq.s32 @!p0 s5, $0x0  }
0x1f: {  	s9 =	smul.u32 $0xF7A, s1;
	s8 =	simm.s32 @!p0 $0x1BF5;
	p2 =	por !p2, p0  }
0x20: {  	[sflag:s8] =	ssyncset.s32 @!p0 $0xFFFFF086;
	s6 =	sadd.s32 @!p0 s3, s7;
	s7 =	simm.s32 @!p0 $0x108  }
0x21: {  	s3 =	sadd.s32 s3, s9;
	s6 =	sadd.s32 @!p0 $0x88, s6;
	s7 =	simm.s32 @p2 $0x1082  }
0x22: {  	[simem:s7], [sflag:s8] =	dma.local @!p0 [hbm:s6], $0xF7A  }
0x23: {  	s9 =	sor.u32 $0xD0000000, s2;
	s6 =	simm.s32 $0x108;
	_ =	swait.ge @!p0 [sflag:s8], $0x0  }
0x24: {  	s3 =	sadd.s32 $0x88, s3;
	s6 =	simm.s32 @!p1 $0x1082;
	[sflag:s4] =	ssyncset.s32 $0xFFFFF086  }
0x25: {  	[simem:s6], [sflag:s4] =	dma.local [hbm:s3], $0xF7A  }
0x26: {  	[smem:$0x3F9E] =	sst s1;
	(tag) =	ssettag s2;
	_ =	strace s9  }
0x27: {  	s1 =	sld [smem:$0x3FAE]  }
0x28: {  	s2 =	sld [smem:$0x3FAF]  }
0x29: {  	s4 =	sld [smem:$0x3FB1]  }
0x2a: {  	p0 =	seq.s32 s5, $0x0;
	s5 =	sld [smem:$0x3FB2]  }
0x2b: {  	s6 =	sld [smem:$0x3FB3]  }
0x2c: {  	s7 =	sld [smem:$0x3FB4]  }
0x2d: {  	s3 =	simm.s32 $0x108;
	s8 =	sld [smem:$0x3FB5]  }
0x2e: {  	s3 =	simm.s32 @!p0 $0x1082;
	s9 =	sld [smem:$0x3FB6]  }
0x2f: {  	lr =	sadd.s32 s0, s3;
	s0 =	sld [smem:$0x3FAD]  }
0x30: {  	s3 =	sld [smem:$0x3FB0]  }
0x31: {  	[smem:$0x3FB9] =	sst s10  }
0x32: {  	s10 =	sld [smem:$0x3FB7];
	_ =	sdelay $0x3  }
0x33: {  	p0 =	seq.s32 s10, $0x1;
	s10 =	sld [smem:$0x3FB9];
	_ =	sdelay $0x3  }
0x34: {  	[smem:$0x3FB9] =	sst s10  }
0x35: {  	s10 =	sld [smem:$0x3FB8];
	_ =	sdelay $0x3  }
0x36: {  	p1 =	seq.s32 s10, $0x1;
	s10 =	sld [smem:$0x3FB9];
	_ =	sdelay $0x3  }
0x37: {  	[smem:$0x3FB9] =	sst s10  }
0x38: {  	s10 =	sld [smem:$0x3FBA]  }
0x39: {  	_ = 	snop;
	(pc) =	sbr.ind lr, $3  }
0x3a: {  	_ = 	snop  }
0x3b: {  	_ = 	snop  }
0x3c: {  	p2 =	seq.s32 s10, $0x1;
	s10 =	sld [smem:$0x3FB9]  }
0x3d: {  	_ =	shalt  }
0x3e: {  	_ =	shalt  }
0x3f: {  	_ =	shalt  }
0x40: {  	_ =	shalt  }
0x41: {  	_ =	shalt  }
0x42: {  	_ =	shalt  }
0x43: {  	_ =	shalt  }
0x44: {  	_ =	shalt  }
0x45: {  	_ =	shalt  }
0x46: {  	_ =	shalt  }
0x47: {  	_ =	shalt  }
0x48: {  	_ =	shalt  }
0x49: {  	_ =	shalt  }
0x4a: {  	_ =	shalt  }
0x4b: {  	_ =	shalt  }
0x4c: {  	_ =	shalt  }
0x4d: {  	_ =	shalt  }
0x4e: {  	_ =	shalt  }
0x4f: {  	_ =	shalt  }
0x50: {  	_ =	shalt  }
0x51: {  	_ =	shalt  }
0x52: {  	_ =	shalt  }
0x53: {  	_ =	shalt  }
0x54: {  	_ =	shalt  }
0x55: {  	_ =	shalt  }
0x56: {  	_ =	shalt  }
0x57: {  	_ =	shalt  }
0x58: {  	_ =	shalt  }
0x59: {  	_ =	shalt  }
0x5a: {  	_ =	shalt  }
0x5b: {  	_ =	shalt  }
0x5c: {  	_ =	shalt  }
0x5d: {  	_ =	shalt  }
0x5e: {  	_ =	shalt  }
0x5f: {  	_ =	shalt  }
0x60: {  	_ =	shalt  }
0x61: {  	_ =	shalt  }
0x62: {  	_ =	shalt  }
0x63: {  	_ =	shalt  }
0x64: {  	_ =	shalt  }
0x65: {  	_ =	shalt  }
0x66: {  	_ =	shalt  }
0x67: {  	_ =	shalt  }
0x68: {  	_ =	shalt  }
0x69: {  	_ =	shalt  }
0x6a: {  	_ =	shalt  }
0x6b: {  	_ =	shalt  }
0x6c: {  	_ =	shalt  }
0x6d: {  	_ =	shalt  }
0x6e: {  	_ =	shalt  }
0x6f: {  	_ =	shalt  }
0x70: {  	_ =	shalt  }
0x71: {  	_ =	shalt  }
0x72: {  	_ =	shalt  }
0x73: {  	_ =	shalt  }
0x74: {  	_ =	shalt  }
0x75: {  	_ =	shalt  }
0x76: {  	_ =	shalt  }
0x77: {  	_ =	shalt  }
0x78: {  	_ =	shalt  }
0x79: {  	_ =	shalt  }
0x7a: {  	_ =	shalt  }
0x7b: {  	_ =	shalt  }
0x7c: {  	_ =	shalt  }
0x7d: {  	_ =	shalt  }
0x7e: {  	_ =	shalt  }
0x7f: {  	_ =	shalt  }
0x80: {  	_ =	shalt  }
0x81: {  	_ =	shalt  }
0x82: {  	_ =	shalt  }
0x83: {  	_ =	shalt  }
0x84: {  	_ =	shalt  }
0x85: {  	_ =	shalt  }
0x86: {  	_ =	shalt  }
0x87: {  	_ =	shalt  }
.Lfunc_end0:
.L_simem_size_0:
called_computation_lowered:
.L_overlay_start_0:
0x88: {  	s2 =	sld [smem:$0x3FD9]  }
0x89: {  	s3 =	sld [smem:$0x3FFE];
	_ =	sdelay $0x1  }
0x8a: {  	s1 =	srdreg.scid  }
0x8b: {  	s0 =	sand.u32 $0x1, s1  }
0x8c: {  	s17 =	sshll.u32 s0, $0xA;
	s2 =	sadd.s32 s3, s2  }
0x8d: {  	s2 =	sadd.s32 s2, s17  }
0x8e: {  	[smem:$0x3FC5] =	sst s2  }
0x8f: {  	_ = 	snop  }
0x90: {  	s2 =	sld [smem:$0x3FD0];
	(tm) =	ssettm $0x1  }
0x91: {  	s18 =	sld [smem:$0x3FFB];
	_ =	sdelay $0x3  }
0x92: {  	_ =	strace s18  }
0x93: {  	s3 =	sld [smem:$0x3FFC];
	_ =	sdelay $0x3  }
0x94: {  	_ =	strace s3  }
0x95: {  	s3 =	sld [smem:$0x3FFD];
	_ =	sdelay $0x3  }
0x96: {  	_ =	strace s3  }
0x97: {  	_ =	strace $0x8FFFFFFF  }
0x98: {  	s19 =	sld [smem:$0x3FDB];
	_ =	sdelay $0x1  }
0x99: {  	s4 =	simm.s32 $_scs_section_size  }
0x9a: {  	s5 =	simm.s32 $_size__tile_overlayer_lowered;
	s6 =	simm.s32 $_tile_overlayer_lowered  }
0x9b: {  	s22 =	simm.s32 $0x1BFF;
	s21 =	sshll.u32 s6, $0x1;
	s3 =	sadd.s32 s4, s19  }
0x9c: {  	s7 =	simm.s32 $0x0;
	s20 =	sshll.u32 s5, $0x1;
	s5 =	sadd.s32 s21, s3  }
0x9d: {  	[timem:s7], [sflag:s22] =	dma.local [hbm:s5], s20  }
0x9e: {  	_ =	swait.ge [sflag:s22], s20  }
0x9f: {  	s4 =	ssub.s32 $0x0, s20;
	[sflag:s22] =	ssyncset.done $0x0  }
0xa0: {  	[sflag:s22] =	ssyncadd.s32 s4;
	_ =	sdelay $0x1  }
0xa1: {  	s23 =	simm.s32 $0x1B8B  }
0xa2: {  	_ =	swait.ge [sflag:s23], $0x1  }
0xa3: {  	[sflag:s23] =	ssyncset.done $0x0  }
0xa4: {  	s25 =	simm.s32 $0x1B8E;
	s24 =	sld [smem:$0x3FFE];
	[sflag:s23] =	ssyncadd.s32 $0xFFFFFFFF  }
0xa5: {  	s26 =	simm.s32 $execute0_lowered;
	[smem:$0x3FD2] =	sst s25  }
0xa6: {  	s5 =	sshll.u32 s26, $0x1;
	_ =	strace $0x80000046;
	[dreg:$0x1] =	wrdreg $0xFFFFFFFF  }
0xa7: {  	s28 =	simm.s32 $_size_execute0_lowered;
	s3 =	sadd.s32 s3, s5;
	[dreg:$0x0] =	wrdreg $0x0  }
0xa8: {  	s5 =	sshll.u32 s28, $0x1;
	[dreg:$0x2] =	wrdreg s3  }
0xa9: {  	[dreg:$0x3] =	wrdreg s5  }
0xaa: {  	[dreg:$0x4] =	wrdreg $0xC0  }
0xab: {  	_ =	task [dreg:s7], $0x5FFFF  }
0xac: {  	[dreg:$0x1] =	wrdreg $0xFFFFFFFF  }
0xad: {  	[dreg:$0x0] =	wrdreg $0x60  }
0xae: {  	[dreg:$0x2] =	wrdreg s2  }
0xaf: {  	[dreg:$0x3] =	wrdreg s24  }
0xb0: {  	[dreg:$0x4] =	wrdreg $0x9  }
0xb1: {  	_ =	task.clear_ibuf [dreg:s7], $0x5FFFF;
	_ =	strace $0x90000046  }
0xb2: {  	s29 =	simm.s32 $0x9;
	_ =	strace $0x80000048  }
0xb3: {  	_ =	swait.ge [sflag:s29], $0x1  }
0xb4: {  	[sflag:s29] =	ssyncadd.s32 $0xFFFFFFFF  }
0xb5: {  	_ =	strace $0x90000048  }
0xb6: {  	_ =	sfence  }
0xb7: {  	s30 =	sld [smem:$0x0];
	_ =	sdelay $0x2  }
0xb8: {  	s31 =	sshll.u32 s1, $0xD;
	s1 =	sshrl.u32 s1, $0x2  }
0xb9: {  	s3 =	sand.u32 $0x4000, s31;
	s1 =	sadd.s32 s1, s30  }
0xba: {  	s0 =	sor.u32 s3, s0;
	s1 =	sshll.u32 s1, $0x11  }
0xbb: {  	s0 =	sor.u32 s1, s0  }
0xbc: {  	s0 =	sadd.s32 $0x8F2B, s0  }
0xbd: {  	[sflag:s0] =	ssyncadd.remote.s32 $0x1  }
0xbe: {  	_ =	sfence.sel $0xFFFF  }
0xbf: {  	[dreg:$0x0] =	wrdreg $0xFFFFFFFF;
	(pc) =	sbr.abs _section_cstart, $3  }
0xc0: {  	[dreg:$0x1] =	wrdreg $0xFFFFFFFF  }
0xc1: {  	_ =	task.clear_ibuf [dreg:s7], $0x2FFFF;
	_ =	strace $0x9FFFFFFF  }
0xc2: {  	(tm) =	ssettm $0x7FFFFFFF  }
0xc3: {  	_ =	shalt  }
tec
execute0_lowered:
.L_overlay_start_1:
0x0: {  	(tag) =	ssettag $0x1  }
0x1: {  	s3 =	rddreg [dreg:$0x0];
	s1 =	srdreg.scid  }
0x2: {  	s0 =	stileid.u32;
	s4 =	rddreg [dreg:$0x1]  }
0x3: {  	s2 =	simm.s32 $0x0;
	s10 =	simm.s32 $0x14000;
	s11 =	simm.s32 $0x1  }
0x4: {  	s12 =	simm.s32 $0x16000;
	s5 =	sand.u32 $0x1, s1;
	s1 =	rddreg [dreg:$0x2]  }
0x5: {  	s13 =	simm.s32 $0x0;
	s6 =	sshll.u32 s0, $0x1;
	[smem:$0x7FF] =	sst s2  }
0x6: {  	v39 =	vlaneseq.u32;
	s8 =	sshll.u32 s0, $0xB;
	s6 =	sor.u32 s5, s6;
	_ =	strace $0x80000047  }
0x7: {  	v1 =	vor.u32 $0x10, v39;
	s5 =	ssub.s32 $0x2, s5;
	s8 =	sand.u32 $0x6000, s8;
	s7 =	sshll.u32 s6, $0xB  }
0x8: {  	v2 =	vor.u32 $0x20, v39;
	[tilespmem:$0x1FFC0] =	vst v1;
	s6 =	sshll.u32 s6, $0xA;
	s31 =	sshrl.u32 s5, $0x1;
	s3 =	sadd.s32 s3, s8  }
0x9: {  	v3 =	vor.u32 $0x30, v39;
	[tilespmem:$0x1FFD0] =	vst v2;
	s8 =	simm.s32 $0x10000;
	s7 =	sadd.s32 s7, s4;
	s6 =	sadd.s32 s6, s4  }
0xa: {  	v6 =	vor.u32 $0x60, v39;
	[tilespmem:$0x1FFE0] =	vst v3;
	s9 =	ssub.s32 s5, s31;
	s4 =	sadd.s32 $0x1200, s7;
	s5 =	sadd.s32 $0x11200, s6  }
0xb: {  	v4 =	vor.u32 $0x40, v39;
	v5 =	vor.u32 $0x50, v39;
	v7 =	vor.u32 $0x70, v39;
	[tilespmem:$0x1FFF0] =	vst v6;
	s6 =	sadd.s32 $0x19200, s6;
	s7 =	smax.u32 s9, $0x1;
	s9 =	simm.s32 $0x2  }
.LBB2_1:
0xc: {  	[tilespmem:s2], [sflag:$0x1] =	stream.linear.gather [hbm4b:s3+s2], $0x10000, $0x38;
	[tilespmem:$0x18000] =	vst v63  }
0xd: {  	_ = 	snop  }
0xe: {  	[tilespmem:s8], [sflag:$0x2] =	stream.linear.gather [hbm4b:s4+s2], $0x4000, $0x38;
	[tilespmem:$0x18000] =	vst v63  }
0xf: {  	_ =	swait.ge [sflag:s9], $0x4000  }
0x10: {  	[sflag:s9] =	ssyncset.done $0x0  }
0x11: {  	[sflag:s9] =	ssyncadd.s32 $0xFFFFC000  }
0x12: {  	[tilespmem:s10], [sflag:$0x2] =	stream.linear.gather [hbm4b:s5+s2], $0x2000, $0x38;
	[tilespmem:$0x18000] =	vst v63  }
0x13: {  	_ =	swait.ge [sflag:s9], $0x2000  }
0x14: {  	[sflag:s9] =	ssyncset.done $0x0  }
0x15: {  	[sflag:s9] =	ssyncadd.s32 $0xFFFFE000  }
0x16: {  	s14 =	simm.s32 $0xFFFFFFFE;
	_ =	swait.ge [sflag:s11], $0x10000  }
0x17: {  	s15 =	simm.s32 $0x80;
	s16 =	simm.s32 $0x16080;
	[sflag:s11] =	ssyncset.done $0x0  }
0x18: {  	s17 =	simm.s32 $0x14080;
	s18 =	simm.s32 $0x0;
	[sflag:s11] =	ssyncadd.s32 $0xFFFF0000  }
.LBB2_2:
0x19: {  	s19 =	sand.u32 $0x3800, s18;
	s20 =	sadd.s32 $0xFFFFFF80, s15  }
0x1a: {  	s20 =	sand.u32 $0x300, s20;
	s19 =	sor.u32 $0x10000, s19  }
0x1b: {  	s20 =	sor.u32 s20, s19  }
0x1c: {  	v0 =	vld [tilespmem:s20+$0x0]  }
0x1d: {  	v8 =	vld [tilespmem:s20+$0x10]  }
0x1e: {  	v9 =	vld [tilespmem:s20+$0x20]  }
0x1f: {  	v10 =	vld [tilespmem:s20+$0x30]  }
0x20: {  	v11 =	vld [tilespmem:s20+$0x40]  }
0x21: {  	v12 =	vld [tilespmem:s20+$0x50]  }
0x22: {  	v13 =	vld [tilespmem:s20+$0x60]  }
0x23: {  	v14 =	vld [tilespmem:s20+$0x70]  }
0x24: {  	v15 =	vld [tilespmem:s20+$0x400]  }
0x25: {  	v17 =	vld [tilespmem:s20+$0x410]  }
0x26: {  	v18 =	vld [tilespmem:s20+$0x420]  }
0x27: {  	v19 =	vld [tilespmem:s20+$0x430]  }
0x28: {  	v20 =	vld [tilespmem:s20+$0x440]  }
0x29: {  	v23 =	vld [tilespmem:s20+$0x450]  }
0x2a: {  	v40 =	vld [tilespmem:s20+$0x460];
	v48 =	vand.u32 $0xFFFFFE00, v0;
	v6 =	vand.u32 $0xFFFFFE00, v8  }
0x2b: {  	v37 =	vand.u32 $0xFFFFFE00, v9;
	v35 =	vand.u32 $0xFFFFFE00, v10;
	v34 =	vand.u32 $0xFFFFFE00, v11  }
0x2c: {  	v33 =	vand.u32 $0xFFFFFE00, v12;
	v31 =	vand.u32 $0xFFFFFE00, v13;
	v29 =	vand.u32 $0xFFFFFE00, v14  }
0x2d: {  	v27 =	vand.u32 $0xFFFFFE00, v15;
	v26 =	vand.u32 $0xFFFFFE00, v17;
	v25 =	vand.u32 $0xFFFFFE00, v18  }
0x2e: {  	v24 =	vand.u32 $0xFFFFFE00, v19;
	v22 =	vand.u32 $0xFFFFFE00, v20;
	v21 =	vand.u32 $0xFFFFFE00, v23  }
0x2f: {  	v16 =	vand.u32 $0xFFFFFE00, v40;
	v0 =	vshll.u32 v0, $0x7;
	v8 =	vshll.u32 v8, $0x7  }
0x30: {  	v50 =	vshll.u32 v13, $0x7;
	v36 =	vand.u32 $0xFF80, v0;
	v0 =	vshll.u32 v9, $0x7  }
0x31: {  	v51 =	vand.u32 $0xFF80, v8;
	v52 =	vand.u32 $0xFF80, v50;
	v56 =	vand.u32 $0xFF80, v0  }
0x32: {  	v0 =	vshll.u32 v10, $0x7;
	v8 =	vor.u32 v39, v36;
	v47 =	vor.u32 v39, v51  }
0x33: {  	v61 =	vor.u32 v39, v52;
	v54 =	vand.u32 $0xFF80, v0;
	v0 =	vshll.u32 v11, $0x7  }
0x34: {  	v57 =	vor.u32 v39, v56;
	v53 =	vand.u32 $0xFF80, v0;
	v0 =	vshll.u32 v12, $0x7  }
0x35: {  	v10 =	vld [tilespmem:s17+$0xFFFFFF80];
	v58 =	vor.u32 v39, v54;
	v55 =	vand.u32 $0xFF80, v0;
	v0 =	vshll.u32 v14, $0x7  }
0x36: {  	v59 =	vor.u32 v39, v53;
	v14 =	vld [tilespmem:s20+$0x470];
	v50 =	vand.u32 $0xFF80, v0;
	v0 =	vshll.u32 v15, $0x7  }
0x37: {  	v60 =	vor.u32 v39, v55;
	v49 =	vand.u32 $0xFF80, v0;
	v0 =	vshll.u32 v17, $0x7;
	v8 =	vld.idx.msk [tilespmem:v8+s2+$0x0], $0xffff  }
0x38: {  	v9 =	vld.idx.msk [tilespmem:v47+s2+$0x0], $0xffff;
	v41 =	vor.u32 v39, v50;
	v32 =	vand.u32 $0xFF80, v0;
	v0 =	vshll.u32 v18, $0x7  }
0x39: {  	v11 =	vld.idx.msk [tilespmem:v57+s2+$0x0], $0xffff;
	v62 =	vor.u32 v39, v49;
	v18 =	vand.u32 $0xFF80, v0;
	v0 =	vshll.u32 v19, $0x7  }
0x3a: {  	v12 =	vld.idx.msk [tilespmem:v58+s2+$0x0], $0xffff;
	v42 =	vor.u32 v39, v32;
	v19 =	vand.u32 $0xFF80, v0;
	v0 =	vshll.u32 v20, $0x7  }
0x3b: {  	v13 =	vld.idx.msk [tilespmem:v59+s2+$0x0], $0xffff;
	v43 =	vor.u32 v39, v18;
	v20 =	vand.u32 $0xFF80, v0;
	v0 =	vshll.u32 v23, $0x7  }
0x3c: {  	v44 =	vld.idx.msk [tilespmem:v61+s2+$0x0], $0xffff;
	v45 =	vor.u32 v39, v19;
	v28 =	vand.u32 $0xFF80, v0;
	v0 =	vshll.u32 v40, $0x7  }
0x3d: {  	v15 =	vld.idx.msk [tilespmem:v60+s2+$0x0], $0xffff;
	v8 =	vadd.f32 v8, v10;
	v9 =	vadd.f32 v9, v10;
	v38 =	vor.u32 v39, v20  }
0x3e: {  	v63 =	vld.idx.msk [tilespmem:v41+s2+$0x0], $0xffff;
	v23 =	vand.u32 $0xFF80, v0;
	v0 =	vshll.u32 v14, $0x7;
	v59 =	vor.u32 v39, v28  }
0x3f: {  	v58 =	vld.idx.msk [tilespmem:v62+s2+$0x0], $0xffff;
	v8 =	vmul.f32 v48, v8;
	v17 =	vand.u32 $0xFF80, v0;
	v0 =	vadd.f32 v11, v10  }
0x40: {  	v30 =	vmovc v28;
	v9 =	vmul.f32 v6, v9;
	v57 =	vadd.f32 v12, v10;
	v46 =	vor.u32 v39, v23  }
0x41: {  	v42 =	vld.idx.msk [tilespmem:v42+s2+$0x0], $0xffff;
	v13 =	vadd.f32 v13, v10;
	v47 =	vor.u32 v39, v17;
	v0 =	vmul.f32 v37, v0  }
0x42: {  	v43 =	vld.idx.msk [tilespmem:v43+s2+$0x0], $0xffff;
	v8 =	vmax.f32 v8, v9;
	v9 =	vmul.f32 v35, v57;
	v15 =	vadd.f32 v15, v10  }
0x43: {  	v60 =	vadd.f32 v44, v10;
	v61 =	vld.idx.msk [tilespmem:v45+s2+$0x0], $0xffff;
	v0 =	vmax.f32 v8, v0;
	v8 =	vmul.f32 v34, v13  }
0x44: {  	v11 =	vadd.f32 v63, v10;
	v63 =	vld.idx.msk [tilespmem:v38+s2+$0x0], $0xffff;
	v62 =	vmul.f32 v33, v15;
	v0 =	vmax.f32 v0, v9  }
0x45: {  	v12 =	vadd.f32 v58, v10;
	v28 =	vld.idx.msk [tilespmem:v59+s2+$0x0], $0xffff;
	v0 =	vmax.f32 v0, v8;
	v8 =	vmul.f32 v31, v60  }
0x46: {  	v38 =	vmul.f32 v29, v11;
	v45 =	vadd.f32 v42, v10;
	v57 =	vld.idx.msk [tilespmem:v46+s2+$0x0], $0xffff;
	v0 =	vmax.f32 v0, v62  }
0x47: {  	v58 =	vadd.f32 v43, v10;
	v59 =	vld.idx.msk [tilespmem:v47+s2+$0x0], $0xffff;
	v0 =	vmax.f32 v0, v8;
	v8 =	vmul.f32 v27, v12  }
0x48: {  	v60 =	vmul.f32 v26, v45;
	v61 =	vadd.f32 v61, v10;
	v0 =	vmax.f32 v0, v38  }
0x49: {  	v62 =	vadd.f32 v63, v10;
	v0 =	vmax.f32 v0, v8;
	v8 =	vmul.f32 v25, v58  }
0x4a: {  	v63 =	vmul.f32 v24, v61;
	v28 =	vadd.f32 v28, v10;
	v0 =	vmax.f32 v0, v60  }
0x4b: {  	v38 =	vadd.f32 v57, v10;
	v0 =	vmax.f32 v0, v8;
	v8 =	vmul.f32 v22, v62  }
0x4c: {  	v40 =	vmul.f32 v21, v28;
	v10 =	vadd.f32 v59, v10;
	v0 =	vmax.f32 v0, v63  }
0x4d: {  	v28 =	vand.u32 $0xFFFFFE00, v14;
	v0 =	vmax.f32 v0, v8;
	v8 =	vmul.f32 v16, v38  }
0x4e: {  	v42 =	vor.u32 v1, v36;
	v41 =	vmul.f32 v28, v10;
	v0 =	vmax.f32 v0, v40  }
0x4f: {  	v0 =	vmax.f32 v0, v8;
	v8 =	vor.u32 v1, v51  }
0x50: {  	v43 =	vor.u32 v1, v56;
	v0 =	vmax.f32 v0, v41  }
0x51: {  	v44 =	vor.u32 v1, v54;
	[tilespmem:s16+$0xFFFFFF80] =	vst v0  }
0x52: {  	v45 =	vor.u32 v1, v53;
	v0 =	vld [tilespmem:s17+$0xFFFFFF90]  }
0x53: {  	v46 =	vor.u32 v1, v55;
	v10 =	vld.idx.msk [tilespmem:v42+s2+$0x0], $0xffff  }
0x54: {  	v47 =	vor.u32 v1, v52;
	v8 =	vld.idx.msk [tilespmem:v8+s2+$0x0], $0xffff  }
0x55: {  	v57 =	vor.u32 v1, v50;
	v9 =	vld.idx.msk [tilespmem:v43+s2+$0x0], $0xffff  }
0x56: {  	v58 =	vor.u32 v1, v49;
	v11 =	vld.idx.msk [tilespmem:v44+s2+$0x0], $0xffff  }
0x57: {  	v59 =	vor.u32 v1, v32;
	v12 =	vld.idx.msk [tilespmem:v45+s2+$0x0], $0xffff  }
0x58: {  	v61 =	vor.u32 v1, v19;
	v60 =	vor.u32 v1, v18;
	v13 =	vld.idx.msk [tilespmem:v46+s2+$0x0], $0xffff  }
0x59: {  	v62 =	vor.u32 v1, v20;
	v14 =	vld.idx.msk [tilespmem:v47+s2+$0x0], $0xffff;
	v10 =	vadd.f32 v10, v0;
	v8 =	vadd.f32 v8, v0  }
0x5a: {  	v38 =	vor.u32 v1, v30;
	v15 =	vld.idx.msk [tilespmem:v57+s2+$0x0], $0xffff;
	v57 =	vor.u32 v1, v23;
	v9 =	vadd.f32 v9, v0  }
0x5b: {  	v63 =	vadd.f32 v11, v0;
	v11 =	vld.idx.msk [tilespmem:v58+s2+$0x0], $0xffff;
	v10 =	vmul.f32 v48, v10;
	v8 =	vmul.f32 v6, v8  }
0x5c: {  	v41 =	vld.idx.msk [tilespmem:v59+s2+$0x0], $0xffff;
	v46 =	vor.u32 v1, v17;
	v12 =	vadd.f32 v12, v0;
	v9 =	vmul.f32 v37, v9  }
0x5d: {  	v42 =	vld.idx.msk [tilespmem:v60+s2+$0x0], $0xffff;
	v13 =	vadd.f32 v13, v0;
	v8 =	vmax.f32 v10, v8;
	v10 =	vmul.f32 v35, v63  }
0x5e: {  	v59 =	vadd.f32 v14, v0;
	v14 =	vld.idx.msk [tilespmem:v61+s2+$0x0], $0xffff;
	v58 =	vmul.f32 v34, v12;
	v8 =	vmax.f32 v8, v9  }
0x5f: {  	v62 =	vld.idx.msk [tilespmem:v62+s2+$0x0], $0xffff;
	v61 =	vadd.f32 v15, v0;
	v60 =	vmul.f32 v33, v13;
	v8 =	vmax.f32 v8, v10  }
0x60: {  	v12 =	vld.idx.msk [tilespmem:v38+s2+$0x0], $0xffff;
	v11 =	vadd.f32 v11, v0;
	v63 =	vmul.f32 v31, v59;
	v8 =	vmax.f32 v8, v58  }
0x61: {  	v44 =	vadd.f32 v41, v0;
	v45 =	vld.idx.msk [tilespmem:v57+s2+$0x0], $0xffff;
	v38 =	vmul.f32 v29, v61;
	v8 =	vmax.f32 v8, v60  }
0x62: {  	v57 =	vadd.f32 v42, v0;
	v47 =	vmul.f32 v27, v11;
	v58 =	vld.idx.msk [tilespmem:v46+s2+$0x0], $0xffff;
	v8 =	vmax.f32 v8, v63  }
0x63: {  	v59 =	vmul.f32 v26, v44;
	v60 =	vadd.f32 v14, v0;
	v8 =	vmax.f32 v8, v38  }
0x64: {  	v62 =	vadd.f32 v62, v0;
	v61 =	vmul.f32 v25, v57;
	v8 =	vmax.f32 v8, v47  }
0x65: {  	v12 =	vadd.f32 v12, v0;
	v63 =	vmul.f32 v24, v60;
	v8 =	vmax.f32 v8, v59  }
0x66: {  	v15 =	vmul.f32 v22, v62;
	v38 =	vadd.f32 v45, v0;
	v8 =	vmax.f32 v8, v61  }
0x67: {  	v40 =	vmul.f32 v21, v12;
	v0 =	vadd.f32 v58, v0;
	v8 =	vmax.f32 v8, v63  }
0x68: {  	v41 =	vmul.f32 v16, v38;
	v8 =	vmax.f32 v8, v15  }
0x69: {  	v42 =	vor.u32 v2, v36;
	v0 =	vmul.f32 v28, v0;
	v8 =	vmax.f32 v8, v40  }
0x6a: {  	v43 =	vor.u32 v2, v51;
	v8 =	vmax.f32 v8, v41  }
0x6b: {  	v0 =	vmax.f32 v8, v0;
	v8 =	vor.u32 v2, v56  }
0x6c: {  	v44 =	vor.u32 v2, v54;
	[tilespmem:s16+$0xFFFFFF90] =	vst v0  }
0x6d: {  	v45 =	vor.u32 v2, v53;
	v0 =	vld [tilespmem:s17+$0xFFFFFFA0]  }
0x6e: {  	v46 =	vor.u32 v2, v55;
	v10 =	vld.idx.msk [tilespmem:v42+s2+$0x0], $0xffff  }
0x6f: {  	v47 =	vor.u32 v2, v52;
	v9 =	vld.idx.msk [tilespmem:v43+s2+$0x0], $0xffff  }
0x70: {  	v57 =	vor.u32 v2, v50;
	v8 =	vld.idx.msk [tilespmem:v8+s2+$0x0], $0xffff  }
0x71: {  	v58 =	vor.u32 v2, v49;
	v11 =	vld.idx.msk [tilespmem:v44+s2+$0x0], $0xffff  }
0x72: {  	v59 =	vor.u32 v2, v32;
	v12 =	vld.idx.msk [tilespmem:v45+s2+$0x0], $0xffff  }
0x73: {  	[tilespmem:$0x1FF30] =	vst v23;
	v62 =	vor.u32 v2, v20;
	v60 =	vor.u32 v2, v18;
	v13 =	vld.idx.msk [tilespmem:v46+s2+$0x0], $0xffff  }
0x74: {  	v61 =	vor.u32 v2, v19;
	v14 =	vld.idx.msk [tilespmem:v47+s2+$0x0], $0xffff;
	v10 =	vadd.f32 v10, v0;
	v9 =	vadd.f32 v9, v0  }
0x75: {  	v38 =	vor.u32 v2, v30;
	v15 =	vld.idx.msk [tilespmem:v57+s2+$0x0], $0xffff;
	v57 =	vor.u32 v2, v23;
	v8 =	vadd.f32 v8, v0  }
0x76: {  	v63 =	vadd.f32 v11, v0;
	v11 =	vld.idx.msk [tilespmem:v58+s2+$0x0], $0xffff;
	v10 =	vmul.f32 v48, v10;
	v9 =	vmul.f32 v6, v9  }
0x77: {  	v41 =	vld.idx.msk [tilespmem:v59+s2+$0x0], $0xffff;
	v46 =	vor.u32 v2, v17;
	v12 =	vadd.f32 v12, v0;
	v8 =	vmul.f32 v37, v8  }
0x78: {  	v42 =	vld.idx.msk [tilespmem:v60+s2+$0x0], $0xffff;
	v13 =	vadd.f32 v13, v0;
	v9 =	vmax.f32 v10, v9;
	v10 =	vmul.f32 v35, v63  }
0x79: {  	v59 =	vadd.f32 v14, v0;
	v14 =	vld.idx.msk [tilespmem:v61+s2+$0x0], $0xffff;
	v58 =	vmul.f32 v34, v12;
	v8 =	vmax.f32 v9, v8  }
0x7a: {  	v62 =	vld.idx.msk [tilespmem:v62+s2+$0x0], $0xffff;
	v61 =	vadd.f32 v15, v0;
	v60 =	vmul.f32 v33, v13;
	v8 =	vmax.f32 v8, v10  }
0x7b: {  	v23 =	vld.idx.msk [tilespmem:v38+s2+$0x0], $0xffff;
	v63 =	vmul.f32 v31, v59;
	v11 =	vadd.f32 v11, v0;
	v8 =	vmax.f32 v8, v58  }
0x7c: {  	v44 =	vadd.f32 v41, v0;
	v45 =	vld.idx.msk [tilespmem:v57+s2+$0x0], $0xffff;
	v38 =	vmul.f32 v29, v61;
	v8 =	vmax.f32 v8, v60  }
0x7d: {  	v57 =	vadd.f32 v42, v0;
	v47 =	vmul.f32 v27, v11;
	v58 =	vld.idx.msk [tilespmem:v46+s2+$0x0], $0xffff;
	v8 =	vmax.f32 v8, v63  }
0x7e: {  	v59 =	vmul.f32 v26, v44;
	v60 =	vadd.f32 v14, v0;
	v8 =	vmax.f32 v8, v38  }
0x7f: {  	v62 =	vadd.f32 v62, v0;
	v61 =	vmul.f32 v25, v57;
	v8 =	vmax.f32 v8, v47  }
0x80: {  	v12 =	vadd.f32 v23, v0;
	v63 =	vmul.f32 v24, v60;
	v8 =	vmax.f32 v8, v59  }
0x81: {  	v15 =	vmul.f32 v22, v62;
	v38 =	vadd.f32 v45, v0;
	v8 =	vmax.f32 v8, v61  }
0x82: {  	v40 =	vmul.f32 v21, v12;
	v0 =	vadd.f32 v58, v0;
	v8 =	vmax.f32 v8, v63  }
0x83: {  	v41 =	vmul.f32 v16, v38;
	v8 =	vmax.f32 v8, v15  }
0x84: {  	v42 =	vor.u32 v3, v36;
	v0 =	vmul.f32 v28, v0;
	v8 =	vmax.f32 v8, v40  }
0x85: {  	s31 =	sand.u32 $0x380, s15;
	v43 =	vor.u32 v3, v51;
	v8 =	vmax.f32 v8, v41  }
0x86: {  	s19 =	sor.u32 s31, s19;
	v44 =	vor.u32 v3, v56;
	v0 =	vmax.f32 v8, v0  }
0x87: {  	v47 =	vor.u32 v3, v53;
	v41 =	vld [tilespmem:s19+$0x0];
	[tilespmem:s16+$0xFFFFFFA0] =	vst v0  }
0x88: {  	[tilespmem:$0x1FE20] =	vst v56;
	v56 =	vor.u32 v3, v55;
	v8 =	vld [tilespmem:s17+$0xFFFFFFB0]  }
0x89: {  	v57 =	vor.u32 v3, v52;
	v10 =	vld.idx.msk [tilespmem:v42+s2+$0x0], $0xffff  }
0x8a: {  	v58 =	vor.u32 v3, v50;
	v9 =	vld.idx.msk [tilespmem:v43+s2+$0x0], $0xffff  }
0x8b: {  	v60 =	vor.u32 v3, v32;
	v11 =	vld.idx.msk [tilespmem:v44+s2+$0x0], $0xffff  }
0x8c: {  	v12 =	vld.idx.msk [tilespmem:v47+s2+$0x0], $0xffff  }
0x8d: {  	v13 =	vld.idx.msk [tilespmem:v56+s2+$0x0], $0xffff  }
0x8e: {  	v0 =	vor.u32 v3, v54;
	v14 =	vld.idx.msk [tilespmem:v57+s2+$0x0], $0xffff  }
0x8f: {  	[tilespmem:$0x1FEE0] =	vst v32;
	v32 =	vor.u32 v3, v20;
	v15 =	vld.idx.msk [tilespmem:v58+s2+$0x0], $0xffff  }
0x90: {  	v23 =	vmov v21;
	v21 =	vld.idx.msk [tilespmem:v60+s2+$0x0], $0xffff  }
0x91: {  	[tilespmem:$0x1FEB0] =	vst v50;
	v59 =	vor.u32 v3, v49;
	v43 =	vld [tilespmem:s19+$0x10]  }
0x92: {  	[tilespmem:$0x1FFB0] =	vst v28;
	v61 =	vor.u32 v3, v18;
	v42 =	vld [tilespmem:s19+$0x40]  }
0x93: {  	v38 =	vmovc v28;
	v28 =	vor.u32 v3, v19;
	v57 =	vshll.u32 v41, $0x7;
	v0 =	vld.idx.msk [tilespmem:v0+s2+$0x0], $0xffff;
	v10 =	vadd.f32 v10, v8  }
0x94: {  	[tilespmem:$0x1FF00] =	vst v19;
	v58 =	vld.idx.msk [tilespmem:v32+s2+$0x0], $0xffff;
	v19 =	vand.u32 $0xFF80, v57;
	v9 =	vadd.f32 v9, v8;
	v11 =	vadd.f32 v11, v8  }
0x95: {  	[tilespmem:$0x1FEF0] =	vst v18;
	v60 =	vor.u32 v39, v19;
	v62 =	vadd.f32 v12, v8;
	v18 =	vadd.f32 v13, v8  }
0x96: {  	[tilespmem:$0x1FEC0] =	vst v49;
	v63 =	vld.idx.msk [tilespmem:v59+s2+$0x0], $0xffff;
	v14 =	vadd.f32 v14, v8;
	v15 =	vadd.f32 v15, v8;
	v59 =	vshll.u32 v43, $0x7  }
0x97: {  	[tilespmem:$0x1FE90] =	vst v6;
	v12 =	vld [tilespmem:s19+$0x30];
	v13 =	vadd.f32 v21, v8;
	v10 =	vmul.f32 v48, v10;
	v9 =	vmul.f32 v6, v9  }
0x98: {  	[tilespmem:$0x1FEA0] =	vst v37;
	v11 =	vmul.f32 v37, v11;
	v37 =	vld.idx.msk [tilespmem:v28+s2+$0x0], $0xffff;
	v28 =	vshll.u32 v42, $0x7;
	v0 =	vadd.f32 v0, v8  }
0x99: {  	[tilespmem:$0x1FF10] =	vst v20;
	v40 =	vadd.f32 v58, v8;
	v20 =	vand.u32 $0xFF80, v59;
	v49 =	vand.u32 $0xFF80, v28  }
0x9a: {  	[tilespmem:$0x1FCD0] =	vst v35;
	v9 =	vmax.f32 v10, v9;
	v57 =	vor.u32 v39, v49;
	v0 =	vmul.f32 v35, v0  }
0x9b: {  	[tilespmem:$0x1FD10] =	vst v33;
	v50 =	vld [tilespmem:s19+$0x60];
	v9 =	vmax.f32 v9, v11;
	v11 =	vmul.f32 v34, v62;
	v62 =	vor.u32 v39, v20  }
0x9c: {  	[tilespmem:$0x1FBE0] =	vst v27;
	v0 =	vmax.f32 v9, v0;
	v9 =	vmul.f32 v33, v18;
	v33 =	vmul.f32 v31, v14;
	v14 =	vld [tilespmem:s19+$0x20]  }
0x9d: {  	[tilespmem:$0x1FFA0] =	vst v16;
	v45 =	vmovc v16;
	v16 =	vld [tilespmem:s19+$0x400];
	v35 =	vadd.f32 v63, v8;
	v18 =	vshll.u32 v12, $0x7;
	v0 =	vmax.f32 v0, v11  }
0x9e: {  	[tilespmem:$0x1FE40] =	vst v54;
	v54 =	vld [tilespmem:s19+$0x70];
	v6 =	vmovc v34;
	v34 =	vmul.f32 v29, v15;
	v21 =	vand.u32 $0xFF80, v18;
	v0 =	vmax.f32 v0, v9  }
0x9f: {  	v10 =	vld.idx.msk [tilespmem:v61+s2+$0x0], $0xffff;
	v11 =	vmul.f32 v27, v35;
	v27 =	vor.u32 v39, v21;
	v0 =	vmax.f32 v0, v33  }
0xa0: {  	[tilespmem:$0x1FE80] =	vst v48;
	v15 =	vld.idx.msk [tilespmem:v60+s2+$0x0], $0xffff;
	v9 =	vadd.f32 v37, v8;
	v37 =	vshll.u32 v50, $0x7;
	v0 =	vmax.f32 v0, v34  }
0xa1: {  	[tilespmem:$0x1FD30] =	vst v31;
	v48 =	vand.u32 $0xFF80, v37;
	v0 =	vmax.f32 v0, v11;
	v11 =	vld [tilespmem:s19+$0x50];
	v61 =	vshll.u32 v14, $0x7  }
0xa2: {  	[tilespmem:$0x1FF50] =	vst v26;
	v13 =	vmul.f32 v26, v13;
	v31 =	vld.idx.msk [tilespmem:v62+s2+$0x0], $0xffff;
	v63 =	vand.u32 $0xFF80, v61;
	v61 =	vor.u32 v39, v48  }
0xa3: {  	v60 =	vmul.f32 v22, v40;
	[tilespmem:$0x1FBD0] =	vst v21;
	v21 =	vld [tilespmem:s19+$0x410];
	v26 =	vor.u32 v39, v63  }
0xa4: {  	[tilespmem:$0x1FC90] =	vst v53;
	v32 =	vand.u32 $0xFFFFFE00, v12;
	v40 =	vand.u32 $0xFFFFFE00, v42;
	v13 =	vmax.f32 v0, v13;
	v0 =	vld [tilespmem:s17+$0x0]  }
0xa5: {  	[tilespmem:$0x1FED0] =	vst v29;
	v10 =	vadd.f32 v10, v8;
	v35 =	vand.u32 $0xFFFFFE00, v41;
	v62 =	vor.u32 v3, v30;
	v59 =	vld.idx.msk [tilespmem:v27+s2+$0x0], $0xffff  }
0xa6: {  	[tilespmem:$0x1FF20] =	vst v30;
	v18 =	vand.u32 $0xFFFFFE00, v43;
	v41 =	vand.u32 $0xFFFFFE00, v54;
	v30 =	vld.idx.msk [tilespmem:v57+s2+$0x0], $0xffff;
	v29 =	vshll.u32 v11, $0x7  }
0xa7: {  	[tilespmem:$0x1FE70] =	vst v52;
	v10 =	vmul.f32 v25, v10;
	v9 =	vmul.f32 v24, v9;
	v52 =	vand.u32 $0xFF80, v29;
	v61 =	vld.idx.msk [tilespmem:v61+s2+$0x0], $0xffff  }
0xa8: {  	[tilespmem:$0x1FE10] =	vst v51;
	v46 =	vmovc v51;
	v34 =	vshll.u32 v16, $0x7;
	v51 =	vld.idx.msk [tilespmem:v26+s2+$0x0], $0xffff;
	v58 =	vor.u32 v39, v52;
	v26 =	vshll.u32 v54, $0x7  }
0xa9: {  	[tilespmem:$0x1FE60] =	vst v55;
	v53 =	vmovc v55;
	v28 =	vand.u32 $0xFFFFFE00, v14;
	v10 =	vmax.f32 v13, v10;
	v55 =	vand.u32 $0xFF80, v26  }
0xaa: {  	[tilespmem:$0x1FD70] =	vst v63;
	v12 =	vld.idx.msk [tilespmem:v62+s2+$0x0], $0xffff;
	v62 =	vshll.u32 v21, $0x7;
	v33 =	vadd.f32 v59, v0;
	v63 =	vor.u32 v39, v55  }
0xab: {  	[tilespmem:$0x1FD90] =	vst v48;
	v43 =	vand.u32 $0xFF80, v62;
	v62 =	vld [tilespmem:s19+$0x430];
	v15 =	vadd.f32 v15, v0;
	v48 =	vadd.f32 v30, v0  }
0xac: {  	[tilespmem:$0x1FC50] =	vst v32;
	v47 =	vmul.f32 v32, v33;
	v32 =	vor.u32 v39, v43;
	v30 =	vadd.f32 v61, v0;
	v61 =	vld [tilespmem:s19+$0x420]  }
0xad: {  	v9 =	vmax.f32 v10, v9;
	v27 =	vadd.f32 v31, v0;
	v13 =	vadd.f32 v51, v0;
	v31 =	vld.idx.msk [tilespmem:v58+s2+$0x0], $0xffff  }
0xae: {  	v9 =	vmax.f32 v9, v60;
	v37 =	vand.u32 $0xFFFFFE00, v11;
	v29 =	vmul.f32 v35, v15  }
0xaf: {  	[tilespmem:$0x1FC40] =	vst v28;
	v56 =	vmul.f32 v18, v27;
	v58 =	vand.u32 $0xFF80, v34;
	v13 =	vmul.f32 v28, v13;
	v28 =	vld.idx.msk [tilespmem:v63+s2+$0x0], $0xffff  }
0xb0: {  	v42 =	vld [tilespmem:$0x1FF30];
	v54 =	vor.u32 v3, v17;
	v12 =	vadd.f32 v12, v8;
	v51 =	vor.u32 v39, v58  }
0xb1: {  	[tilespmem:$0x1FF60] =	vst v25;
	v14 =	vmax.f32 v29, v56;
	v29 =	vmul.f32 v40, v48;
	v59 =	vld.idx.msk [tilespmem:v32+s2+$0x0], $0xffff;
	v32 =	vshll.u32 v62, $0x7  }
0xb2: {  	[tilespmem:$0x1FC30] =	vst v18;
	v25 =	vld [tilespmem:s19+$0x460];
	v13 =	vmax.f32 v14, v13;
	v57 =	vshll.u32 v61, $0x7;
	v18 =	vadd.f32 v31, v0  }
0xb3: {  	v27 =	vld [tilespmem:s19+$0x470];
	v11 =	vmax.f32 v13, v47;
	v31 =	vand.u32 $0xFFFFFE00, v50;
	v48 =	vand.u32 $0xFF80, v57  }
0xb4: {  	v63 =	vmovc v37;
	v14 =	vld [tilespmem:s19+$0x440];
	v33 =	vmax.f32 v11, v29;
	v56 =	vmul.f32 v37, v18;
	v37 =	vadd.f32 v28, v0  }
0xb5: {  	v34 =	vmul.f32 v31, v30;
	v60 =	vld.idx.msk [tilespmem:v51+s2+$0x0], $0xffff;
	v11 =	vor.u32 v3, v42;
	v51 =	vand.u32 $0xFF80, v32  }
0xb6: {  	[tilespmem:$0x1FDF0] =	vst v41;
	v10 =	vmax.f32 v33, v56;
	v56 =	vld [tilespmem:s19+$0x450];
	v13 =	vmul.f32 v41, v37;
	v41 =	vor.u32 v39, v51  }
0xb7: {  	v10 =	vmax.f32 v10, v34;
	v34 =	vor.u32 v39, v48  }
0xb8: {  	[tilespmem:$0x1FF70] =	vst v24;
	v12 =	vmul.f32 v23, v12;
	v24 =	vld.idx.msk [tilespmem:v54+s2+$0x0], $0xffff;
	v54 =	vshll.u32 v25, $0x7  }
0xb9: {  	[tilespmem:$0x1FF80] =	vst v22;
	v57 =	vand.u32 $0xFF80, v54;
	v18 =	vshll.u32 v27, $0x7;
	v33 =	vshll.u32 v14, $0x7  }
0xba: {  	[tilespmem:$0x1FF40] =	vst v17;
	v47 =	vmovc v17;
	v22 =	vor.u32 v39, v57;
	v18 =	vand.u32 $0xFF80, v18;
	v17 =	vand.u32 $0xFF80, v33;
	v29 =	vld.idx.msk [tilespmem:v11+s2+$0x0], $0xffff  }
0xbb: {  	[tilespmem:$0x1FF90] =	vst v23;
	v10 =	vmax.f32 v10, v13;
	v44 =	vor.u32 v39, v17;
	v50 =	vshll.u32 v56, $0x7;
	v13 =	vld.idx.msk [tilespmem:v41+s2+$0x0], $0xffff  }
0xbc: {  	v26 =	vadd.f32 v59, v0;
	v41 =	vmovc v23;
	v23 =	vor.u32 v39, v18;
	v50 =	vand.u32 $0xFF80, v50;
	v59 =	vld.idx.msk [tilespmem:v34+s2+$0x0], $0xffff  }
0xbd: {  	v37 =	vand.u32 $0xFFFFFE00, v21;
	v21 =	vor.u32 v39, v50;
	_ =	sdelay $0x1  }
0xbe: {  	v28 =	vmov v57;
	v57 =	vld.idx.msk [tilespmem:v22+s2+$0x0], $0xffff;
	v29 =	vadd.f32 v29, v8  }
0xbf: {  	v60 =	vadd.f32 v60, v0;
	v30 =	vld.idx.msk [tilespmem:v44+s2+$0x0], $0xffff  }
0xc0: {  	v16 =	vand.u32 $0xFFFFFE00, v16;
	v44 =	vmul.f32 v45, v29;
	v45 =	vadd.f32 v59, v0;
	v59 =	vld.idx.msk [tilespmem:v23+s2+$0x0], $0xffff  }
0xc1: {  	v60 =	vmul.f32 v16, v60;
	v54 =	vld.idx.msk [tilespmem:v21+s2+$0x0], $0xffff;
	_ =	sdelay $0x1  }
0xc2: {  	v10 =	vmax.f32 v10, v60  }
0xc3: {  	[tilespmem:$0x1FDC0] =	vst v36;
	v60 =	vor.u32 v4, v36;
	v8 =	vadd.f32 v24, v8;
	v36 =	vadd.f32 v57, v0  }
0xc4: {  	v9 =	vmax.f32 v9, v12;
	v22 =	vld [tilespmem:$0x1FE20];
	v13 =	vadd.f32 v13, v0;
	v30 =	vadd.f32 v30, v0  }
0xc5: {  	v8 =	vmul.f32 v38, v8;
	v57 =	vadd.f32 v59, v0;
	v34 =	vadd.f32 v54, v0;
	v0 =	vld [tilespmem:$0x1FE40]  }
0xc6: {  	v26 =	vmul.f32 v37, v26;
	v9 =	vmax.f32 v9, v44  }
0xc7: {  	v38 =	vand.u32 $0xFFFFFE00, v61;
	v61 =	vor.u32 v4, v46;
	v8 =	vmax.f32 v9, v8  }
0xc8: {  	v33 =	vor.u32 v1, v19;
	v11 =	vand.u32 $0xFFFFFE00, v62;
	v10 =	vmax.f32 v10, v26;
	[tilespmem:s16+$0xFFFFFFB0] =	vst v8;
	v8 =	vld [tilespmem:$0x1FC90]  }
0xc9: {  	v39 =	vand.u32 $0xFFFFFE00, v14;
	v46 =	vand.u32 $0xFFFFFE00, v25;
	v24 =	vmul.f32 v38, v45  }
0xca: {  	v23 =	vor.u32 v4, v22;
	v13 =	vmul.f32 v11, v13;
	v59 =	vld.idx.msk [tilespmem:v60+s2+$0x0], $0xffff;
	v60 =	vor.u32 v4, v0  }
0xcb: {  	v44 =	vand.u32 $0xFFFFFE00, v56;
	v62 =	vmul.f32 v39, v30;
	v10 =	vmax.f32 v10, v24;
	v0 =	vld [tilespmem:s17+$0xFFFFFFC0]  }
0xcc: {  	v14 =	vld.idx.msk [tilespmem:v61+s2+$0x0], $0xffff;
	v24 =	vmul.f32 v46, v36;
	v21 =	vmax.f32 v10, v13;
	v61 =	vmul.f32 v44, v34  }
0xcd: {  	v12 =	vmax.f32 v21, v62;
	v54 =	vand.u32 $0xFFFFFE00, v27;
	v62 =	vor.u32 v4, v8;
	v8 =	vmovc v19;
	v19 =	vld [tilespmem:$0x1FD70]  }
0xce: {  	v34 =	vmul.f32 v54, v57;
	v57 =	vld [tilespmem:$0x1FE90];
	v12 =	vmax.f32 v12, v61  }
0xcf: {  	v12 =	vmax.f32 v12, v24;
	v24 =	vld.idx.msk [tilespmem:v60+s2+$0x0], $0xffff  }
0xd0: {  	v60 =	vadd.f32 v59, v0;
	v59 =	vld [tilespmem:$0x1FE80]  }
0xd1: {  	v13 =	vld.idx.msk [tilespmem:v23+s2+$0x0], $0xffff  }
0xd2: {  	v45 =	vld.idx.msk [tilespmem:v62+s2+$0x0], $0xffff;
	v62 =	vor.u32 v1, v19  }
0xd3: {  	v10 =	vld [tilespmem:$0x1FD90];
	v14 =	vadd.f32 v14, v0  }
0xd4: {  	v36 =	vor.u32 v1, v20;
	v12 =	vmax.f32 v12, v34;
	v34 =	vld [tilespmem:$0x1FEA0]  }
0xd5: {  	v21 =	vmov v20;
	v20 =	vld [tilespmem:$0x1FBD0];
	[tilespmem:s16+$0x0] =	vst v12;
	v14 =	vmul.f32 v57, v14;
	v25 =	vmul.f32 v59, v60  }
0xd6: {  	v61 =	vor.u32 v4, v53;
	v27 =	vld.idx.msk [tilespmem:v33+s2+$0x0], $0xffff  }
0xd7: {  	v13 =	vadd.f32 v13, v0;
	v14 =	vmax.f32 v25, v14;
	v25 =	vld.idx.msk [tilespmem:v62+s2+$0x0], $0xffff  }
0xd8: {  	v62 =	vld [tilespmem:$0x1FE70]  }
0xd9: {  	v26 =	vld.idx.msk [tilespmem:v36+s2+$0x0], $0xffff;
	v13 =	vmul.f32 v34, v13  }
0xda: {  	[tilespmem:$0x1FDE0] =	vst v31;
	v23 =	vor.u32 v1, v20;
	v31 =	vld [tilespmem:s17+$0x10]  }
0xdb: {  	v36 =	vor.u32 v1, v49;
	v13 =	vmax.f32 v14, v13;
	v14 =	vld.idx.msk [tilespmem:v61+s2+$0x0], $0xffff  }
0xdc: {  	v56 =	vor.u32 v1, v55;
	v61 =	vld [tilespmem:$0x1FCD0]  }
0xdd: {  	v9 =	vor.u32 v4, v62;
	v62 =	vld [tilespmem:$0x1FC30]  }
0xde: {  	[tilespmem:$0x1FC00] =	vst v49;
	v15 =	vld [tilespmem:$0x1FC50];
	v12 =	vadd.f32 v45, v0  }
0xdf: {  	v45 =	vor.u32 v1, v52;
	v49 =	vld.idx.msk [tilespmem:v23+s2+$0x0], $0xffff;
	v27 =	vadd.f32 v27, v31;
	v24 =	vadd.f32 v24, v0  }
0xe0: {  	[tilespmem:$0x1FC20] =	vst v35;
	v53 =	vmov v52;
	v52 =	vor.u32 v1, v10;
	v26 =	vadd.f32 v26, v31;
	v33 =	vld.idx.msk [tilespmem:v36+s2+$0x0], $0xffff  }
0xe1: {  	v56 =	vld.idx.msk [tilespmem:v56+s2+$0x0], $0xffff;
	v27 =	vmul.f32 v35, v27;
	v35 =	vor.u32 v1, v51;
	v24 =	vmul.f32 v61, v24  }
0xe2: {  	v23 =	vld [tilespmem:$0x1FC40];
	v12 =	vmul.f32 v6, v12;
	v26 =	vmul.f32 v62, v26  }
0xe3: {  	v30 =	vor.u32 v1, v43;
	v13 =	vmax.f32 v13, v24;
	v32 =	vld.idx.msk [tilespmem:v9+s2+$0x0], $0xffff  }
0xe4: {  	v12 =	vmax.f32 v13, v12;
	v13 =	vmax.f32 v27, v26;
	v26 =	vld.idx.msk [tilespmem:v45+s2+$0x0], $0xffff;
	v45 =	vadd.f32 v49, v31  }
0xe5: {  	v29 =	vld.idx.msk [tilespmem:v52+s2+$0x0], $0xffff;
	v33 =	vadd.f32 v33, v31  }
0xe6: {  	v35 =	vld.idx.msk [tilespmem:v35+s2+$0x0], $0xffff;
	v24 =	vor.u32 v1, v58  }
0xe7: {  	[tilespmem:$0x1FDA0] =	vst v58;
	v36 =	vmov v58;
	v52 =	vmul.f32 v40, v33;
	v49 =	vld [tilespmem:$0x1FD10]  }
0xe8: {  	v25 =	vadd.f32 v25, v31;
	v61 =	vmovc v43;
	v43 =	vmovc v40;
	v27 =	vmul.f32 v15, v45;
	v45 =	vmov v51;
	v51 =	vld [tilespmem:$0x1FD30]  }
0xe9: {  	v40 =	vadd.f32 v32, v0;
	v32 =	vor.u32 v1, v50;
	v58 =	vadd.f32 v26, v31;
	v26 =	vld.idx.msk [tilespmem:v30+s2+$0x0], $0xffff  }
0xea: {  	v14 =	vadd.f32 v14, v0;
	v30 =	vld [tilespmem:$0x1FEB0]  }
0xeb: {  	v34 =	vor.u32 v1, v48;
	v25 =	vmul.f32 v23, v25;
	v24 =	vld.idx.msk [tilespmem:v24+s2+$0x0], $0xffff  }
0xec: {  	v33 =	vor.u32 v1, v17;
	v14 =	vmul.f32 v49, v14;
	v49 =	vld [tilespmem:$0x1FDE0]  }
0xed: {  	[tilespmem:$0x1FCF0] =	vst v6;
	v22 =	vmovc v55;
	v55 =	vmov v48;
	v48 =	vmov v50;
	v13 =	vmax.f32 v13, v25;
	v50 =	vld [tilespmem:$0x1FEC0]  }
0xee: {  	v60 =	vadd.f32 v29, v31;
	v13 =	vmax.f32 v13, v27;
	v12 =	vmax.f32 v12, v14;
	v29 =	vld.idx.msk [tilespmem:v32+s2+$0x0], $0xffff  }
0xef: {  	v6 =	vmovc v63;
	v14 =	vmul.f32 v63, v58;
	v63 =	vmul.f32 v51, v40;
	v40 =	vld [tilespmem:$0x1FDF0];
	v27 =	vor.u32 v4, v30  }
0xf0: {  	v9 =	vadd.f32 v56, v31;
	v56 =	vor.u32 v1, v28;
	v30 =	vld.idx.msk [tilespmem:v34+s2+$0x0], $0xffff  }
0xf1: {  	v25 =	vmul.f32 v49, v60;
	v60 =	vadd.f32 v24, v31;
	v24 =	vld.idx.msk [tilespmem:v33+s2+$0x0], $0xffff;
	v33 =	vor.u32 v1, v18  }
0xf2: {  	v13 =	vmax.f32 v13, v52;
	v12 =	vmax.f32 v12, v63;
	v63 =	vld [tilespmem:$0x1FEE0]  }
0xf3: {  	v13 =	vmax.f32 v13, v14;
	v14 =	vmul.f32 v16, v60;
	v60 =	vadd.f32 v35, v31;
	v35 =	vld [tilespmem:$0x1FF10]  }
0xf4: {  	v26 =	vadd.f32 v26, v31;
	v27 =	vld.idx.msk [tilespmem:v27+s2+$0x0], $0xffff  }
0xf5: {  	[tilespmem:$0x1FE00] =	vst v16;
	v9 =	vmul.f32 v40, v9;
	v16 =	vadd.f32 v30, v31;
	v30 =	vld.idx.msk [tilespmem:v56+s2+$0x0], $0xffff  }
0xf6: {  	v34 =	vor.u32 v4, v50;
	v13 =	vmax.f32 v13, v25;
	v58 =	vmul.f32 v37, v26;
	v32 =	vld.idx.msk [tilespmem:v33+s2+$0x0], $0xffff  }
0xf7: {  	v24 =	vadd.f32 v24, v31;
	v56 =	vld [tilespmem:$0x1FF20];
	v13 =	vmax.f32 v13, v9;
	v33 =	vor.u32 v4, v63  }
0xf8: {  	[tilespmem:$0x1FE50] =	vst v11;
	v9 =	vmul.f32 v11, v60;
	v60 =	vld [tilespmem:$0x1FF00];
	v13 =	vmax.f32 v13, v14;
	v25 =	vmul.f32 v38, v16  }
0xf9: {  	[tilespmem:$0x1FD00] =	vst v39;
	v11 =	vadd.f32 v29, v31;
	v24 =	vmul.f32 v39, v24;
	v39 =	vld [tilespmem:$0x1FED0];
	v13 =	vmax.f32 v13, v58  }
0xfa: {  	[tilespmem:$0x1FE30] =	vst v38;
	v13 =	vmax.f32 v13, v25  }
0xfb: {  	v1 =	vmovc v37;
	v29 =	vor.u32 v4, v35;
	v58 =	vld [tilespmem:$0x1FEF0];
	v14 =	vmul.f32 v44, v11;
	v13 =	vmax.f32 v13, v9  }
0xfc: {  	v25 =	vld.idx.msk [tilespmem:v34+s2+$0x0], $0xffff;
	v37 =	vadd.f32 v27, v0;
	v38 =	vadd.f32 v30, v31;
	v63 =	vor.u32 v4, v56  }
0xfd: {  	v30 =	vadd.f32 v32, v31;
	v34 =	vor.u32 v4, v60;
	v13 =	vmax.f32 v13, v24;
	v31 =	vld.idx.msk [tilespmem:v33+s2+$0x0], $0xffff  }
0xfe: {  	v16 =	vmovc v8;
	v33 =	vor.u32 v2, v8;
	v8 =	vld [tilespmem:$0x1FBE0];
	v24 =	vmul.f32 v39, v37;
	v27 =	vmul.f32 v46, v38  }
0xff: {  	v13 =	vmax.f32 v13, v14;
	v30 =	vmul.f32 v54, v30;
	v37 =	vor.u32 v2, v19;
	v19 =	vld [tilespmem:$0x1FC00]  }
0x100: {  	v26 =	vor.u32 v4, v58;
	v12 =	vmax.f32 v12, v24;
	v13 =	vmax.f32 v13, v27;
	v24 =	vld.idx.msk [tilespmem:v29+s2+$0x0], $0xffff  }
0x101: {  	v52 =	vmovc v28;
	v28 =	vmov v44;
	v44 =	vadd.f32 v25, v0;
	v13 =	vmax.f32 v13, v30;
	v30 =	vld.idx.msk [tilespmem:v63+s2+$0x0], $0xffff  }
0x102: {  	[tilespmem:$0x1FBF0] =	vst v46;
	v39 =	vmov v46;
	v46 =	vld.idx.msk [tilespmem:v34+s2+$0x0], $0xffff  }
0x103: {  	v27 =	vor.u32 v2, v21;
	v14 =	vmul.f32 v8, v44;
	[tilespmem:s16+$0x10] =	vst v13;
	v8 =	vld [tilespmem:$0x1FF50]  }
0x104: {  	v34 =	vld [tilespmem:s17+$0x20]  }
0x105: {  	v26 =	vld.idx.msk [tilespmem:v26+s2+$0x0], $0xffff  }
0x106: {  	v44 =	vor.u32 v2, v53;
	v37 =	vld.idx.msk [tilespmem:v37+s2+$0x0], $0xffff  }
0x107: {  	v56 =	vadd.f32 v31, v0;
	v25 =	vadd.f32 v46, v0;
	v46 =	vld [tilespmem:$0x1FF60]  }
0x108: {  	v9 =	vmov v20;
	v63 =	vor.u32 v2, v20;
	v20 =	vor.u32 v2, v19;
	v27 =	vld.idx.msk [tilespmem:v27+s2+$0x0], $0xffff  }
0x109: {  	v13 =	vmul.f32 v8, v56;
	v56 =	vld [tilespmem:$0x1FF80]  }
0x10a: {  	v8 =	vld [tilespmem:$0x1FF70];
	v38 =	vadd.f32 v26, v0  }
0x10b: {  	v42 =	vor.u32 v4, v42;
	[tilespmem:$0x1FCA0] =	vst v17;
	v12 =	vmax.f32 v12, v14;
	v29 =	vld.idx.msk [tilespmem:v44+s2+$0x0], $0xffff  }
0x10c: {  	v24 =	vadd.f32 v24, v0;
	v26 =	vld.idx.msk [tilespmem:v33+s2+$0x0], $0xffff;
	v33 =	vor.u32 v4, v47;
	v14 =	vmul.f32 v46, v38  }
0x10d: {  	[tilespmem:$0x1FC10] =	vst v22;
	v35 =	vld.idx.msk [tilespmem:v20+s2+$0x0], $0xffff;
	v12 =	vmax.f32 v12, v13  }
0x10e: {  	v12 =	vmax.f32 v12, v14;
	v14 =	vmul.f32 v56, v24;
	v24 =	vld.idx.msk [tilespmem:v63+s2+$0x0], $0xffff;
	v63 =	vor.u32 v2, v10  }
0x10f: {  	v11 =	vmovc v21;
	v32 =	vor.u32 v2, v17;
	v44 =	vor.u32 v2, v55;
	v20 =	vld [tilespmem:$0x1FC20];
	v27 =	vadd.f32 v27, v34  }
0x110: {  	v21 =	vmul.f32 v8, v25;
	v38 =	vadd.f32 v30, v0;
	v30 =	vld.idx.msk [tilespmem:v42+s2+$0x0], $0xffff;
	v42 =	vor.u32 v2, v22  }
0x111: {  	v25 =	vadd.f32 v37, v34;
	v27 =	vmul.f32 v62, v27;
	v47 =	vld.idx.msk [tilespmem:v33+s2+$0x0], $0xffff;
	v26 =	vadd.f32 v26, v34  }
0x112: {  	v8 =	vmovc v22;
	v33 =	vor.u32 v2, v36;
	v13 =	vmul.f32 v41, v38;
	v10 =	vor.u32 v2, v61  }
0x113: {  	v22 =	vmovc v23;
	v36 =	vmov v62;
	v38 =	vor.u32 v2, v45;
	v25 =	vmul.f32 v23, v25;
	v31 =	vld.idx.msk [tilespmem:v63+s2+$0x0], $0xffff  }
0x114: {  	v62 =	vadd.f32 v35, v34;
	v23 =	vmovc v17;
	v17 =	vor.u32 v2, v48;
	v12 =	vmax.f32 v12, v21  }
0x115: {  	v12 =	vmax.f32 v12, v14;
	v26 =	vmul.f32 v20, v26;
	v24 =	vadd.f32 v24, v34  }
0x116: {  	[tilespmem:$0x1FCB0] =	vst v48;
	v12 =	vmax.f32 v12, v13;
	v13 =	vadd.f32 v30, v0;
	v0 =	vadd.f32 v47, v0  }
0x117: {  	v47 =	vmax.f32 v26, v27;
	v27 =	vld.idx.msk [tilespmem:v10+s2+$0x0], $0xffff;
	v10 =	vadd.f32 v29, v34;
	v24 =	vmul.f32 v15, v24  }
0x118: {  	v30 =	vld.idx.msk [tilespmem:v42+s2+$0x0], $0xffff;
	v14 =	vmax.f32 v47, v25;
	v25 =	vmul.f32 v43, v62;
	v31 =	vadd.f32 v31, v34  }
0x119: {  	[tilespmem:$0x1FC80] =	vst v45;
	v21 =	vld.idx.msk [tilespmem:v44+s2+$0x0], $0xffff;
	v14 =	vmax.f32 v14, v24;
	v24 =	vmul.f32 v6, v10  }
0x11a: {  	v41 =	vmovc v15;
	v26 =	vld.idx.msk [tilespmem:v33+s2+$0x0], $0xffff;
	v15 =	vmov v48;
	v14 =	vmax.f32 v14, v25;
	v48 =	vmul.f32 v49, v31  }
0x11b: {  	v44 =	vmovc v43;
	v63 =	vmov v45;
	v45 =	vor.u32 v2, v52;
	v43 =	vld.idx.msk [tilespmem:v38+s2+$0x0], $0xffff;
	v14 =	vmax.f32 v14, v24  }
0x11c: {  	v14 =	vmax.f32 v14, v48;
	v48 =	vld [tilespmem:$0x1FFA0]  }
0x11d: {  	v29 =	vld.idx.msk [tilespmem:v17+s2+$0x0], $0xffff;
	v30 =	vadd.f32 v30, v34  }
0x11e: {  	v47 =	vor.u32 v2, v18;
	v2 =	vld [tilespmem:$0x1FE00]  }
0x11f: {  	v62 =	vmul.f32 v40, v30;
	v30 =	vld.idx.msk [tilespmem:v32+s2+$0x0], $0xffff  }
0x120: {  	v42 =	vadd.f32 v43, v34;
	v43 =	vld.idx.msk [tilespmem:v45+s2+$0x0], $0xffff  }
0x121: {  	v26 =	vadd.f32 v26, v34;
	v13 =	vmul.f32 v48, v13;
	v48 =	vld [tilespmem:$0x1FE30]  }
0x122: {  	v27 =	vadd.f32 v27, v34;
	v45 =	vld [tilespmem:$0x1FE50]  }
0x123: {  	[tilespmem:$0x1FCE0] =	vst v18;
	v56 =	vmov v18;
	v18 =	vld.idx.msk [tilespmem:v47+s2+$0x0], $0xffff;
	v10 =	vmul.f32 v2, v26  }
0x124: {  	v17 =	vmovc v1;
	v21 =	vadd.f32 v21, v34;
	v33 =	vmul.f32 v1, v27;
	v1 =	vld [tilespmem:$0x1FD00];
	v14 =	vmax.f32 v14, v62  }
0x125: {  	v14 =	vmax.f32 v14, v10;
	v10 =	vld [tilespmem:$0x1FFB0]  }
0x126: {  	v62 =	vmul.f32 v48, v21  }
0x127: {  	v14 =	vmax.f32 v14, v33;
	v21 =	vmul.f32 v45, v42  }
0x128: {  	v32 =	vadd.f32 v30, v34;
	v27 =	vmax.f32 v14, v62  }
0x129: {  	v35 =	vadd.f32 v29, v34;
	v37 =	vadd.f32 v43, v34;
	v33 =	vmax.f32 v27, v21;
	v21 =	vld [tilespmem:$0x1FE10]  }
0x12a: {  	[tilespmem:$0x1FD20] =	vst v28;
	v26 =	vadd.f32 v18, v34;
	v0 =	vmul.f32 v10, v0;
	v14 =	vmul.f32 v1, v32  }
0x12b: {  	v18 =	vmovc v28;
	v29 =	vmul.f32 v39, v37;
	v12 =	vmax.f32 v12, v13;
	v13 =	vmul.f32 v28, v35;
	v28 =	vld [tilespmem:$0x1FD70]  }
0x12c: {  	v0 =	vmax.f32 v12, v0;
	v32 =	vor.u32 v3, v11;
	v12 =	vmax.f32 v33, v14  }
0x12d: {  	v31 =	vmul.f32 v54, v26;
	v12 =	vmax.f32 v12, v13  }
0x12e: {  	[tilespmem:s16+$0xFFFFFFC0] =	vst v0;
	v0 =	vmax.f32 v12, v29;
	v47 =	vor.u32 v5, v21  }
0x12f: {  	v62 =	vld [tilespmem:$0x1FDC0];
	v0 =	vmax.f32 v0, v31  }
0x130: {  	v42 =	vor.u32 v3, v28;
	[tilespmem:s16+$0x20] =	vst v0;
	v0 =	vld [tilespmem:$0x1FE20]  }
0x131: {  	v25 =	vld.idx.msk [tilespmem:v32+s2+$0x0], $0xffff  }
0x132: {  	v29 =	vld [tilespmem:s17+$0x30]  }
0x133: {  	v30 =	vor.u32 v3, v16;
	v34 =	vld.idx.msk [tilespmem:v47+s2+$0x0], $0xffff  }
0x134: {  	v47 =	vld [tilespmem:$0x1FE40]  }
0x135: {  	v26 =	vld.idx.msk [tilespmem:v42+s2+$0x0], $0xffff;
	v35 =	vor.u32 v5, v0  }
0x136: {  	v42 =	vld [tilespmem:$0x1FC90];
	_ =	sdelay $0x1  }
0x137: {  	v38 =	vor.u32 v5, v62;
	v14 =	vld.idx.msk [tilespmem:v30+s2+$0x0], $0xffff  }
0x138: {  	v0 =	vld [tilespmem:s17+$0xFFFFFFD0];
	v27 =	vor.u32 v5, v47  }
0x139: {  	[tilespmem:$0x1FD40] =	vst v16;
	v43 =	vmov v16;
	v16 =	vor.u32 v3, v9;
	v25 =	vadd.f32 v25, v29;
	v24 =	vld.idx.msk [tilespmem:v35+s2+$0x0], $0xffff  }
0x13a: {  	v47 =	vor.u32 v5, v42;
	v42 =	vld [tilespmem:$0x1FE60]  }
0x13b: {  	v25 =	vmul.f32 v36, v25;
	v36 =	vld [tilespmem:$0x1FEA0]  }
0x13c: {  	v39 =	vmov v9;
	v9 =	vor.u32 v3, v19;
	v33 =	vld.idx.msk [tilespmem:v38+s2+$0x0], $0xffff  }
0x13d: {  	v14 =	vadd.f32 v14, v29;
	v27 =	vld.idx.msk [tilespmem:v27+s2+$0x0], $0xffff  }
0x13e: {  	v30 =	vld.idx.msk [tilespmem:v16+s2+$0x0], $0xffff;
	v24 =	vadd.f32 v24, v0  }
0x13f: {  	v38 =	vor.u32 v3, v8;
	v8 =	vld [tilespmem:$0x1FCD0];
	v14 =	vmul.f32 v20, v14;
	v16 =	vor.u32 v5, v42  }
0x140: {  	v24 =	vmul.f32 v36, v24;
	v36 =	vld [tilespmem:$0x1FD90]  }
0x141: {  	v26 =	vadd.f32 v26, v29;
	v12 =	vadd.f32 v33, v0;
	v20 =	vmax.f32 v14, v25;
	v14 =	vld.idx.msk [tilespmem:v9+s2+$0x0], $0xffff  }
0x142: {  	v13 =	vadd.f32 v34, v0;
	v34 =	vor.u32 v3, v61;
	v31 =	vld.idx.msk [tilespmem:v47+s2+$0x0], $0xffff;
	v27 =	vadd.f32 v27, v0  }
0x143: {  	v30 =	vadd.f32 v30, v29;
	v26 =	vmul.f32 v22, v26;
	v12 =	vmul.f32 v59, v12;
	v47 =	vld [tilespmem:$0x1FE70]  }
0x144: {  	v13 =	vmul.f32 v57, v13;
	v33 =	vld.idx.msk [tilespmem:v16+s2+$0x0], $0xffff;
	v59 =	vmul.f32 v8, v27  }
0x145: {  	v9 =	vmul.f32 v41, v30;
	v16 =	vld [tilespmem:$0x1FDA0];
	v37 =	vor.u32 v3, v36  }
0x146: {  	v12 =	vmax.f32 v12, v13;
	v13 =	vmax.f32 v20, v26;
	v14 =	vadd.f32 v14, v29;
	v8 =	vld [tilespmem:$0x1FCF0]  }
0x147: {  	v19 =	vor.u32 v3, v53;
	v13 =	vmax.f32 v13, v9;
	v9 =	vld.idx.msk [tilespmem:v34+s2+$0x0], $0xffff;
	v12 =	vmax.f32 v12, v24  }
0x148: {  	[tilespmem:$0x1FDB0] =	vst v44;
	v14 =	vmul.f32 v44, v14;
	v12 =	vmax.f32 v12, v59;
	v59 =	vmov v44;
	v44 =	vld.idx.msk [tilespmem:v38+s2+$0x0], $0xffff  }
0x149: {  	v57 =	vor.u32 v5, v47;
	v31 =	vadd.f32 v31, v0;
	v38 =	vld [tilespmem:$0x1FEB0]  }
0x14a: {  	v20 =	vor.u32 v3, v16;
	v22 =	vld.idx.msk [tilespmem:v37+s2+$0x0], $0xffff  }
0x14b: {  	v41 =	vmul.f32 v8, v31;
	v8 =	vld [tilespmem:$0x1FD10]  }
0x14c: {  	v24 =	vld.idx.msk [tilespmem:v19+s2+$0x0], $0xffff  }
0x14d: {  	[tilespmem:$0x1FDD0] =	vst v6;
	v19 =	vmov v6;
	v6 =	vld [tilespmem:$0x1FFF0];
	v12 =	vmax.f32 v12, v41;
	v41 =	vor.u32 v3, v63  }
0x14e: {  	[tilespmem:$0x1FC60] =	vst v61;
	v61 =	vor.u32 v3, v55;
	v25 =	vld.idx.msk [tilespmem:v57+s2+$0x0], $0xffff;
	v33 =	vadd.f32 v33, v0  }
0x14f: {  	v13 =	vmax.f32 v13, v14;
	v14 =	vld.idx.msk [tilespmem:v20+s2+$0x0], $0xffff;
	v57 =	vor.u32 v5, v38;
	v44 =	vadd.f32 v44, v29  }
0x150: {  	v20 =	vor.u32 v3, v23;
	v63 =	vmul.f32 v8, v33;
	v26 =	vadd.f32 v22, v29;
	v8 =	vld [tilespmem:$0x1FED0]  }
0x151: {  	v22 =	vor.u32 v3, v15;
	v15 =	vmovc v40;
	v30 =	vmul.f32 v40, v44;
	v40 =	vadd.f32 v9, v29;
	v9 =	vld [tilespmem:$0x1FBE0]  }
0x152: {  	v24 =	vadd.f32 v24, v29;
	v27 =	vld.idx.msk [tilespmem:v41+s2+$0x0], $0xffff  }
0x153: {  	[tilespmem:$0x1FCC0] =	vst v52;
	v12 =	vmax.f32 v12, v63;
	v63 =	vor.u32 v3, v52;
	v52 =	vld [tilespmem:$0x1FEE0]  }
0x154: {  	v24 =	vmul.f32 v19, v24;
	v41 =	vor.u32 v3, v56;
	v23 =	vld.idx.msk [tilespmem:v57+s2+$0x0], $0xffff  }
0x155: {  	v26 =	vmul.f32 v49, v26;
	v57 =	vmov v49;
	v49 =	vld.idx.msk [tilespmem:v61+s2+$0x0], $0xffff;
	v61 =	vor.u32 v5, v50  }
0x156: {  	v13 =	vmax.f32 v13, v24;
	v14 =	vadd.f32 v14, v29;
	v33 =	vld.idx.msk [tilespmem:v20+s2+$0x0], $0xffff  }
0x157: {  	v25 =	vadd.f32 v25, v0;
	v13 =	vmax.f32 v13, v26;
	v26 =	vmul.f32 v17, v40;
	v44 =	vld.idx.msk [tilespmem:v22+s2+$0x0], $0xffff  }
0x158: {  	v14 =	vmul.f32 v2, v14;
	v22 =	vmov v17;
	v17 =	vor.u32 v5, v58;
	v40 =	vld.idx.msk [tilespmem:v63+s2+$0x0], $0xffff  }
0x159: {  	v25 =	vmul.f32 v51, v25;
	v13 =	vmax.f32 v13, v30;
	v34 =	vld.idx.msk [tilespmem:v41+s2+$0x0], $0xffff  }
0x15a: {  	v13 =	vmax.f32 v13, v14;
	v37 =	vadd.f32 v27, v29;
	v41 =	vor.u32 v5, v60;
	v14 =	vld.idx.msk [tilespmem:v61+s2+$0x0], $0xffff  }
0x15b: {  	v56 =	vor.u32 v5, v52;
	v13 =	vmax.f32 v13, v26;
	v24 =	vadd.f32 v23, v0;
	v23 =	vld [tilespmem:$0x1FF10]  }
0x15c: {  	v31 =	vadd.f32 v49, v29;
	v26 =	vmul.f32 v45, v37;
	v37 =	vor.u32 v4, v28;
	v28 =	vld [tilespmem:$0x1FC10]  }
0x15d: {  	v51 =	vmovc v58;
	v12 =	vmax.f32 v12, v25;
	v20 =	vmov v45;
	v63 =	vmov v48;
	v58 =	vld.idx.msk [tilespmem:v17+s2+$0x0], $0xffff  }
0x15e: {  	v33 =	vadd.f32 v33, v29;
	v25 =	vadd.f32 v44, v29;
	v31 =	vmul.f32 v48, v31;
	v48 =	vmovc v60;
	v60 =	vld [tilespmem:$0x1FBF0]  }
0x15f: {  	v24 =	vmul.f32 v8, v24;
	v27 =	vadd.f32 v40, v29;
	v45 =	vadd.f32 v34, v29;
	v29 =	vld.idx.msk [tilespmem:v41+s2+$0x0], $0xffff  }
0x160: {  	[tilespmem:$0x1FC70] =	vst v55;
	v41 =	vld [tilespmem:$0x1FF30]  }
0x161: {  	v12 =	vmax.f32 v12, v24;
	v13 =	vmax.f32 v13, v31;
	v24 =	vld.idx.msk [tilespmem:v56+s2+$0x0], $0xffff;
	v56 =	vmul.f32 v1, v33  }
0x162: {  	v55 =	vmovc v50;
	v25 =	vmul.f32 v18, v25;
	v1 =	vld [tilespmem:$0x1FF20];
	v50 =	vor.u32 v5, v23;
	v13 =	vmax.f32 v13, v26  }
0x163: {  	v17 =	vld [tilespmem:$0x1FF40];
	v40 =	vor.u32 v4, v43;
	v13 =	vmax.f32 v13, v56;
	v27 =	vmul.f32 v60, v27  }
0x164: {  	v26 =	vadd.f32 v58, v0;
	v58 =	vld [tilespmem:$0x1FF50];
	v13 =	vmax.f32 v13, v25;
	v25 =	vmul.f32 v54, v45  }
0x165: {  	v8 =	vld [tilespmem:$0x1FFA0];
	v13 =	vmax.f32 v13, v27  }
0x166: {  	v56 =	vld [tilespmem:$0x1FF80];
	v30 =	vor.u32 v5, v41;
	v13 =	vmax.f32 v13, v25  }
0x167: {  	v44 =	vor.u32 v5, v1;
	v24 =	vadd.f32 v24, v0;
	v49 =	vld.idx.msk [tilespmem:v50+s2+$0x0], $0xffff;
	[tilespmem:s16+$0x30] =	vst v13  }
0x168: {  	v14 =	vadd.f32 v14, v0;
	v25 =	vld.idx.msk [tilespmem:v40+s2+$0x0], $0xffff  }
0x169: {  	[tilespmem:$0x1FD60] =	vst v11;
	v45 =	vor.u32 v4, v11;
	v50 =	vor.u32 v5, v17;
	v11 =	vmul.f32 v58, v24;
	v24 =	vld [tilespmem:s17+$0x40]  }
0x16a: {  	v40 =	vld [tilespmem:$0x1FF90]  }
0x16b: {  	v14 =	vmul.f32 v9, v14;
	v18 =	vmul.f32 v46, v26;
	v26 =	vld.idx.msk [tilespmem:v30+s2+$0x0], $0xffff  }
0x16c: {  	v44 =	vld.idx.msk [tilespmem:v44+s2+$0x0], $0xffff  }
0x16d: {  	v12 =	vmax.f32 v12, v14;
	v61 =	vadd.f32 v49, v0;
	v49 =	vld [tilespmem:$0x1FF70]  }
0x16e: {  	v12 =	vmax.f32 v12, v11;
	v11 =	vld.idx.msk [tilespmem:v50+s2+$0x0], $0xffff;
	v50 =	vor.u32 v4, v39  }
0x16f: {  	[tilespmem:$0x1FD50] =	vst v54;
	v54 =	vmov v46;
	v46 =	vmov v39;
	v37 =	vld.idx.msk [tilespmem:v37+s2+$0x0], $0xffff;
	v39 =	vor.u32 v4, v53  }
0x170: {  	v35 =	vadd.f32 v29, v0;
	v30 =	vld.idx.msk [tilespmem:v45+s2+$0x0], $0xffff  }
0x171: {  	[tilespmem:$0x1FD80] =	vst v53;
	v53 =	vor.u32 v6, v62;
	v62 =	vor.u32 v6, v21;
	v21 =	vld [tilespmem:$0x1FC30]  }
0x172: {  	v12 =	vmax.f32 v12, v18;
	v27 =	vadd.f32 v44, v0;
	v44 =	vld [tilespmem:$0x1FC00];
	v43 =	vmul.f32 v49, v35  }
0x173: {  	v13 =	vmul.f32 v56, v61;
	v26 =	vadd.f32 v26, v0;
	v0 =	vadd.f32 v11, v0;
	v50 =	vld.idx.msk [tilespmem:v50+s2+$0x0], $0xffff  }
0x174: {  	v11 =	vld.idx.msk [tilespmem:v39+s2+$0x0], $0xffff;
	v35 =	vmul.f32 v40, v27;
	v12 =	vmax.f32 v12, v43;
	v43 =	vor.u32 v4, v36  }
0x175: {  	v45 =	vmul.f32 v8, v26;
	v39 =	vld [tilespmem:$0x1FC40];
	v0 =	vmul.f32 v10, v0;
	v12 =	vmax.f32 v12, v13  }
0x176: {  	v61 =	vmovc v10;
	v10 =	vadd.f32 v37, v24;
	v36 =	vld [tilespmem:$0x1FC20];
	v37 =	vor.u32 v4, v16;
	v12 =	vmax.f32 v12, v35  }
0x177: {  	v12 =	vmax.f32 v12, v45;
	v45 =	vld [tilespmem:$0x1FE20]  }
0x178: {  	v18 =	vor.u32 v4, v44;
	v26 =	vadd.f32 v50, v24;
	v50 =	vld [tilespmem:$0x1FE40]  }
0x179: {  	v14 =	vld.idx.msk [tilespmem:v43+s2+$0x0], $0xffff  }
0x17a: {  	v43 =	vld [tilespmem:$0x1FC50]  }
0x17b: {  	v55 =	vor.u32 v6, v55;
	v0 =	vmax.f32 v12, v0;
	v13 =	vld.idx.msk [tilespmem:v37+s2+$0x0], $0xffff  }
0x17c: {  	v25 =	vadd.f32 v25, v24;
	v30 =	vadd.f32 v30, v24;
	[tilespmem:s16+$0xFFFFFFD0] =	vst v0;
	v0 =	vmul.f32 v39, v10;
	v10 =	vld [tilespmem:$0x1FC80]  }
0x17d: {  	v32 =	vld.idx.msk [tilespmem:v18+s2+$0x0], $0xffff;
	v18 =	vor.u32 v4, v28  }
0x17e: {  	v35 =	vmul.f32 v21, v30;
	v34 =	vmul.f32 v36, v25;
	v25 =	vld.idx.msk [tilespmem:v53+s2+$0x0], $0xffff  }
0x17f: {  	v30 =	vld.idx.msk [tilespmem:v62+s2+$0x0], $0xffff  }
0x180: {  	v12 =	vmax.f32 v34, v35;
	v34 =	vor.u32 v6, v38;
	v38 =	vor.u32 v6, v51;
	v51 =	vld.idx.msk [tilespmem:v55+s2+$0x0], $0xffff  }
0x181: {  	v31 =	vor.u32 v6, v45;
	v45 =	vld [tilespmem:$0x1FC70]  }
0x182: {  	v53 =	vor.u32 v6, v50;
	v14 =	vadd.f32 v14, v24;
	v50 =	vor.u32 v4, v10;
	v29 =	vld.idx.msk [tilespmem:v18+s2+$0x0], $0xffff  }
0x183: {  	v12 =	vmax.f32 v12, v0;
	v0 =	vadd.f32 v32, v24;
	v18 =	vld [tilespmem:$0x1FC60]  }
0x184: {  	v27 =	vadd.f32 v11, v24;
	v26 =	vmul.f32 v43, v26;
	v14 =	vmul.f32 v57, v14;
	v57 =	vld [tilespmem:$0x1FE80]  }
0x185: {  	v32 =	vmul.f32 v59, v0;
	v0 =	vld [tilespmem:s17+$0xFFFFFFE0]  }
0x186: {  	v12 =	vmax.f32 v12, v26;
	v37 =	vor.u32 v4, v45;
	v59 =	vmul.f32 v19, v27;
	v19 =	vld [tilespmem:$0x1FC90]  }
0x187: {  	v26 =	vld.idx.msk [tilespmem:v50+s2+$0x0], $0xffff;
	v12 =	vmax.f32 v12, v32  }
0x188: {  	v42 =	vor.u32 v6, v42;
	v50 =	vld [tilespmem:$0x1FCB0];
	v12 =	vmax.f32 v12, v59  }
0x189: {  	v29 =	vadd.f32 v29, v24;
	v12 =	vmax.f32 v12, v14;
	v14 =	vld.idx.msk [tilespmem:v31+s2+$0x0], $0xffff  }
0x18a: {  	v62 =	vor.u32 v4, v18;
	v31 =	vld.idx.msk [tilespmem:v53+s2+$0x0], $0xffff  }
0x18b: {  	v32 =	vld.idx.msk [tilespmem:v37+s2+$0x0], $0xffff;
	v29 =	vmul.f32 v15, v29  }
0x18c: {  	v53 =	vld [tilespmem:$0x1FCA0]  }
0x18d: {  	v12 =	vmax.f32 v12, v29;
	v29 =	vld.idx.msk [tilespmem:v42+s2+$0x0], $0xffff  }
0x18e: {  	v42 =	vld [tilespmem:$0x1FCC0]  }
0x18f: {  	v13 =	vadd.f32 v13, v24;
	v27 =	vld.idx.msk [tilespmem:v62+s2+$0x0], $0xffff  }
0x190: {  	v3 =	vmov v2;
	v25 =	vadd.f32 v25, v0;
	v16 =	vor.u32 v6, v19;
	v62 =	vld [tilespmem:$0x1FE90]  }
0x191: {  	v13 =	vmul.f32 v3, v13;
	v3 =	vld [tilespmem:$0x1FEA0];
	v11 =	vor.u32 v4, v50;
	v32 =	vadd.f32 v32, v24  }
0x192: {  	v25 =	vmul.f32 v57, v25;
	v57 =	vld [tilespmem:$0x1FCD0];
	v59 =	vor.u32 v4, v53  }
0x193: {  	v30 =	vadd.f32 v30, v0;
	v32 =	vmul.f32 v63, v32;
	v63 =	vld [tilespmem:$0x1FCE0]  }
0x194: {  	v55 =	vld [tilespmem:$0x1FD60];
	v12 =	vmax.f32 v12, v13  }
0x195: {  	v14 =	vadd.f32 v14, v0;
	v13 =	vld.idx.msk [tilespmem:v16+s2+$0x0], $0xffff;
	v16 =	vor.u32 v4, v42;
	v30 =	vmul.f32 v62, v30  }
0x196: {  	v31 =	vadd.f32 v31, v0;
	v35 =	vld.idx.msk [tilespmem:v11+s2+$0x0], $0xffff  }
0x197: {  	v14 =	vmul.f32 v3, v14;
	v33 =	vld.idx.msk [tilespmem:v59+s2+$0x0], $0xffff;
	v25 =	vmax.f32 v25, v30;
	v30 =	vor.u32 v6, v47  }
0x198: {  	v31 =	vmul.f32 v57, v31;
	v62 =	vld [tilespmem:$0x1FD20];
	v11 =	vor.u32 v4, v63  }
0x199: {  	v27 =	vadd.f32 v27, v24;
	v59 =	vld [tilespmem:$0x1FD00];
	v14 =	vmax.f32 v25, v14  }
0x19a: {  	v26 =	vadd.f32 v26, v24;
	v14 =	vmax.f32 v14, v31;
	v31 =	vld.idx.msk [tilespmem:v16+s2+$0x0], $0xffff  }
0x19b: {  	v15 =	vld [tilespmem:$0x1FCF0];
	v27 =	vmul.f32 v22, v27  }
0x19c: {  	v20 =	vmul.f32 v20, v26;
	v47 =	vmov v22;
	v22 =	vadd.f32 v33, v24;
	v26 =	vld.idx.msk [tilespmem:v30+s2+$0x0], $0xffff  }
0x19d: {  	v12 =	vmax.f32 v12, v27;
	v30 =	vadd.f32 v35, v24;
	v11 =	vld.idx.msk [tilespmem:v11+s2+$0x0], $0xffff  }
0x19e: {  	v3 =	vld [tilespmem:$0x1FED0];
	v12 =	vmax.f32 v12, v32;
	v27 =	vmul.f32 v59, v22  }
0x19f: {  	v25 =	vld.idx.msk [tilespmem:v34+s2+$0x0], $0xffff;
	v12 =	vmax.f32 v12, v20;
	v30 =	vmul.f32 v62, v30;
	v16 =	vadd.f32 v31, v24  }
0x1a0: {  	v48 =	vor.u32 v6, v48;
	v13 =	vadd.f32 v13, v0;
	v20 =	vld [tilespmem:$0x1FD10];
	v12 =	vmax.f32 v12, v27  }
0x1a1: {  	v33 =	vor.u32 v6, v41;
	v41 =	vmovc v60;
	v12 =	vmax.f32 v12, v30;
	v30 =	vmul.f32 v60, v16;
	v60 =	vld [tilespmem:$0x1FD50]  }
0x1a2: {  	v37 =	vor.u32 v6, v52;
	v24 =	vadd.f32 v11, v24;
	v11 =	vld [tilespmem:$0x1FD30]  }
0x1a3: {  	v29 =	vadd.f32 v29, v0;
	v13 =	vmul.f32 v15, v13;
	v16 =	vld [tilespmem:$0x1FD40]  }
0x1a4: {  	v51 =	vadd.f32 v51, v0;
	v22 =	vld.idx.msk [tilespmem:v38+s2+$0x0], $0xffff;
	v27 =	vor.u32 v6, v23  }
0x1a5: {  	v13 =	vmax.f32 v14, v13;
	v38 =	vld [tilespmem:$0x1FD70];
	v29 =	vmul.f32 v20, v29;
	v26 =	vadd.f32 v26, v0  }
0x1a6: {  	v14 =	vld.idx.msk [tilespmem:v48+s2+$0x0], $0xffff;
	v48 =	vor.u32 v5, v55;
	v25 =	vadd.f32 v25, v0;
	v31 =	vor.u32 v6, v1  }
0x1a7: {  	v32 =	vld.idx.msk [tilespmem:v37+s2+$0x0], $0xffff;
	v13 =	vmax.f32 v13, v29;
	v24 =	vmul.f32 v60, v24;
	v26 =	vmul.f32 v11, v26  }
0x1a8: {  	v37 =	vld [tilespmem:$0x1FD80];
	v12 =	vmax.f32 v12, v30;
	v29 =	vor.u32 v6, v17;
	v23 =	vor.u32 v5, v16  }
0x1a9: {  	v12 =	vmax.f32 v12, v24;
	v24 =	vmul.f32 v9, v51;
	v13 =	vmax.f32 v13, v26;
	v26 =	vld.idx.msk [tilespmem:v27+s2+$0x0], $0xffff  }
0x1aa: {  	v17 =	vmov v9;
	v9 =	vadd.f32 v22, v0;
	v22 =	vor.u32 v5, v38;
	[tilespmem:s16+$0x40] =	vst v12;
	v27 =	vld.idx.msk [tilespmem:v33+s2+$0x0], $0xffff  }
0x1ab: {  	v25 =	vmul.f32 v3, v25;
	v33 =	vld.idx.msk [tilespmem:v48+s2+$0x0], $0xffff  }
0x1ac: {  	v52 =	vadd.f32 v32, v0;
	v14 =	vadd.f32 v14, v0;
	v30 =	vld [tilespmem:s17+$0x50]  }
0x1ad: {  	v51 =	vor.u32 v5, v44;
	v13 =	vmax.f32 v13, v25;
	v25 =	vld.idx.msk [tilespmem:v31+s2+$0x0], $0xffff  }
0x1ae: {  	v12 =	vmul.f32 v58, v52;
	v52 =	vmul.f32 v49, v14;
	v31 =	vld.idx.msk [tilespmem:v23+s2+$0x0], $0xffff  }
0x1af: {  	v48 =	vmul.f32 v54, v9;
	v23 =	vor.u32 v5, v46;
	v13 =	vmax.f32 v13, v24;
	v14 =	vld.idx.msk [tilespmem:v22+s2+$0x0], $0xffff  }
0x1b0: {  	v35 =	vor.u32 v5, v28;
	v12 =	vmax.f32 v13, v12;
	v22 =	vld [tilespmem:$0x1FD90]  }
0x1b1: {  	v3 =	vld [tilespmem:$0x1FDA0];
	v12 =	vmax.f32 v12, v48;
	v54 =	vadd.f32 v26, v0  }
0x1b2: {  	v51 =	vld.idx.msk [tilespmem:v51+s2+$0x0], $0xffff;
	v48 =	vor.u32 v5, v37;
	v33 =	vadd.f32 v33, v30;
	v58 =	vadd.f32 v25, v0  }
0x1b3: {  	v27 =	vadd.f32 v27, v0;
	v25 =	vld.idx.msk [tilespmem:v29+s2+$0x0], $0xffff;
	v31 =	vadd.f32 v31, v30;
	v9 =	vmul.f32 v56, v54  }
0x1b4: {  	v12 =	vmax.f32 v12, v52;
	v49 =	vld.idx.msk [tilespmem:v23+s2+$0x0], $0xffff;
	v33 =	vmul.f32 v21, v33;
	v24 =	vmul.f32 v40, v58  }
0x1b5: {  	v52 =	vld.idx.msk [tilespmem:v35+s2+$0x0], $0xffff;
	v32 =	vor.u32 v5, v22;
	v58 =	vmul.f32 v8, v27;
	v23 =	vmul.f32 v36, v31  }
0x1b6: {  	v29 =	vor.u32 v5, v18;
	v8 =	vmovc v36;
	v36 =	vadd.f32 v14, v30;
	v12 =	vmax.f32 v12, v9  }
0x1b7: {  	v27 =	vor.u32 v5, v3;
	v48 =	vld.idx.msk [tilespmem:v48+s2+$0x0], $0xffff;
	v12 =	vmax.f32 v12, v24;
	v24 =	vmax.f32 v23, v33  }
0x1b8: {  	v9 =	vld [tilespmem:$0x1FDE0];
	v13 =	vmul.f32 v39, v36;
	v33 =	vor.u32 v5, v45;
	v0 =	vadd.f32 v25, v0  }
0x1b9: {  	v12 =	vmax.f32 v12, v58;
	v49 =	vadd.f32 v49, v30;
	v58 =	vmovc v18;
	v18 =	vmov v39;
	v39 =	vld [tilespmem:$0x1FDB0]  }
0x1ba: {  	v26 =	vld.idx.msk [tilespmem:v32+s2+$0x0], $0xffff;
	v0 =	vmul.f32 v61, v0;
	v61 =	vor.u32 v5, v10  }
0x1bb: {  	v25 =	vmul.f32 v43, v49;
	v49 =	vld [tilespmem:$0x1FDC0]  }
0x1bc: {  	v13 =	vmax.f32 v24, v13;
	v27 =	vld.idx.msk [tilespmem:v27+s2+$0x0], $0xffff  }
0x1bd: {  	v51 =	vadd.f32 v51, v30;
	v23 =	vmov v43;
	v43 =	vmax.f32 v13, v25;
	v25 =	vld.idx.msk [tilespmem:v29+s2+$0x0], $0xffff  }
0x1be: {  	v31 =	vor.u32 v5, v53;
	v29 =	vld.idx.msk [tilespmem:v33+s2+$0x0], $0xffff  }
0x1bf: {  	v36 =	vmul.f32 v39, v51;
	v33 =	vld.idx.msk [tilespmem:v61+s2+$0x0], $0xffff  }
0x1c0: {  	v14 =	vor.u32 v7, v49;
	v49 =	vmov v42;
	v61 =	vor.u32 v5, v42;
	v42 =	vld [tilespmem:$0x1FDF0]  }
0x1c1: {  	v0 =	vmax.f32 v12, v0;
	v12 =	vmax.f32 v43, v36;
	v43 =	vld [tilespmem:$0x1FDD0]  }
0x1c2: {  	v32 =	vld [tilespmem:$0x1FE20]  }
0x1c3: {  	v52 =	vadd.f32 v52, v30;
	v51 =	vadd.f32 v26, v30;
	v26 =	vld.idx.msk [tilespmem:v31+s2+$0x0], $0xffff  }
0x1c4: {  	v40 =	vmovc v21;
	v21 =	vmov v50;
	v48 =	vadd.f32 v48, v30;
	v36 =	vor.u32 v5, v50;
	v50 =	vld [tilespmem:$0x1FE50]  }
0x1c5: {  	v54 =	vmov v28;
	v28 =	vmov v10;
	v10 =	vmul.f32 v42, v52;
	v52 =	vld [tilespmem:$0x1FE00]  }
0x1c6: {  	v61 =	vld.idx.msk [tilespmem:v61+s2+$0x0], $0xffff;
	v13 =	vmul.f32 v43, v48  }
0x1c7: {  	[tilespmem:s16+$0xFFFFFFE0] =	vst v0;
	v31 =	vor.u32 v5, v63;
	v35 =	vadd.f32 v25, v30;
	v48 =	vld [tilespmem:$0x1FE30]  }
0x1c8: {  	v24 =	vmul.f32 v9, v51;
	v12 =	vmax.f32 v12, v13;
	v13 =	vld.idx.msk [tilespmem:v14+s2+$0x0], $0xffff  }
0x1c9: {  	v51 =	vmov v47;
	v14 =	vmul.f32 v47, v35;
	v47 =	vadd.f32 v33, v30;
	v33 =	vld [tilespmem:$0x1FE40]  }
0x1ca: {  	v27 =	vadd.f32 v27, v30;
	v0 =	vmax.f32 v12, v24;
	v24 =	vld.idx.msk [tilespmem:v36+s2+$0x0], $0xffff  }
0x1cb: {  	v32 =	vor.u32 v7, v32;
	v36 =	vld [tilespmem:$0x1FE10]  }
0x1cc: {  	v26 =	vadd.f32 v26, v30;
	v31 =	vld.idx.msk [tilespmem:v31+s2+$0x0], $0xffff;
	v12 =	vadd.f32 v29, v30;
	v27 =	vmul.f32 v52, v27  }
0x1cd: {  	v35 =	vld [tilespmem:$0x1FE70];
	v0 =	vmax.f32 v0, v10  }
0x1ce: {  	v26 =	vmul.f32 v59, v26;
	v12 =	vmul.f32 v48, v12;
	v0 =	vmax.f32 v0, v27  }
0x1cf: {  	v27 =	vmul.f32 v50, v47;
	v47 =	vmovc v59;
	v59 =	vld [tilespmem:$0x1FE60];
	v0 =	vmax.f32 v0, v14;
	v34 =	vor.u32 v7, v33  }
0x1d0: {  	v61 =	vadd.f32 v61, v30;
	v25 =	vor.u32 v7, v36;
	v36 =	vld [tilespmem:s17+$0xFFFFFFF0];
	v0 =	vmax.f32 v0, v12  }
0x1d1: {  	v12 =	vor.u32 v7, v19;
	v24 =	vadd.f32 v24, v30;
	v19 =	vadd.f32 v31, v30;
	v30 =	vld.idx.msk [tilespmem:v32+s2+$0x0], $0xffff  }
0x1d2: {  	v31 =	vor.u32 v7, v35;
	v35 =	vld [tilespmem:$0x1FE90];
	v0 =	vmax.f32 v0, v27  }
0x1d3: {  	v0 =	vmax.f32 v0, v26;
	v26 =	vmul.f32 v41, v61;
	v61 =	vld [tilespmem:$0x1FE80]  }
0x1d4: {  	v24 =	vmul.f32 v62, v24;
	v27 =	vor.u32 v7, v59;
	v14 =	vld.idx.msk [tilespmem:v34+s2+$0x0], $0xffff  }
0x1d5: {  	v32 =	vor.u32 v6, v16;
	v59 =	vmov v41;
	v25 =	vld.idx.msk [tilespmem:v25+s2+$0x0], $0xffff  }
0x1d6: {  	v41 =	vmul.f32 v60, v19;
	v0 =	vmax.f32 v0, v24;
	v13 =	vadd.f32 v13, v36;
	v12 =	vld.idx.msk [tilespmem:v12+s2+$0x0], $0xffff  }
0x1d7: {  	v0 =	vmax.f32 v0, v26;
	v29 =	vld.idx.msk [tilespmem:v31+s2+$0x0], $0xffff  }
0x1d8: {  	v0 =	vmax.f32 v0, v41;
	v13 =	vmul.f32 v61, v13;
	v61 =	vld [tilespmem:$0x1FEA0]  }
0x1d9: {  	[tilespmem:s16+$0x50] =	vst v0;
	v19 =	vld.idx.msk [tilespmem:v27+s2+$0x0], $0xffff;
	v27 =	vor.u32 v6, v55  }
0x1da: {  	v0 =	vadd.f32 v30, v36;
	v30 =	vor.u32 v6, v46;
	v31 =	vld.idx.msk [tilespmem:v32+s2+$0x0], $0xffff  }
0x1db: {  	v33 =	vld [tilespmem:s17+$0x60];
	v34 =	vadd.f32 v25, v36;
	v25 =	vor.u32 v6, v38  }
0x1dc: {  	v41 =	vmov v38;
	v38 =	vor.u32 v6, v44  }
0x1dd: {  	v24 =	vmul.f32 v35, v34  }
0x1de: {  	v14 =	vadd.f32 v14, v36;
	v12 =	vadd.f32 v12, v36;
	v0 =	vmul.f32 v61, v0;
	v34 =	vld.idx.msk [tilespmem:v27+s2+$0x0], $0xffff  }
0x1df: {  	v61 =	vor.u32 v6, v54;
	v19 =	vadd.f32 v19, v36;
	v13 =	vmax.f32 v13, v24;
	v24 =	vld.idx.msk [tilespmem:v30+s2+$0x0], $0xffff  }
0x1e0: {  	v27 =	vor.u32 v6, v22;
	v31 =	vadd.f32 v31, v33;
	v0 =	vmax.f32 v13, v0;
	v13 =	vld.idx.msk [tilespmem:v25+s2+$0x0], $0xffff  }
0x1e1: {  	v14 =	vmul.f32 v57, v14;
	v12 =	vmul.f32 v15, v12;
	v25 =	vor.u32 v6, v37;
	v38 =	vld.idx.msk [tilespmem:v38+s2+$0x0], $0xffff  }
0x1e2: {  	v57 =	vmovc v22;
	v22 =	vmov v8;
	v35 =	vmul.f32 v20, v19;
	v31 =	vmul.f32 v8, v31;
	v8 =	vld [tilespmem:$0x1FEC0]  }
0x1e3: {  	v15 =	vmovc v37;
	v37 =	vadd.f32 v29, v36;
	v20 =	vor.u32 v6, v58;
	v0 =	vmax.f32 v0, v14;
	v14 =	vld [tilespmem:$0x1FEB0]  }
0x1e4: {  	v32 =	vor.u32 v6, v21;
	v19 =	vor.u32 v6, v3;
	v0 =	vmax.f32 v0, v12;
	v30 =	vld.idx.msk [tilespmem:v61+s2+$0x0], $0xffff  }
0x1e5: {  	v12 =	vmul.f32 v11, v37;
	v0 =	vmax.f32 v0, v35;
	v27 =	vld.idx.msk [tilespmem:v27+s2+$0x0], $0xffff;
	v35 =	vor.u32 v6, v45  }
0x1e6: {  	v56 =	vmovc v45;
	v11 =	vmov v40;
	v26 =	vadd.f32 v34, v33;
	v24 =	vadd.f32 v24, v33;
	v25 =	vld.idx.msk [tilespmem:v25+s2+$0x0], $0xffff  }
0x1e7: {  	v37 =	vor.u32 v6, v28;
	v45 =	vmovc v18;
	v34 =	vld [tilespmem:$0x1FF00];
	v13 =	vadd.f32 v13, v33;
	v29 =	vadd.f32 v38, v33  }
0x1e8: {  	v0 =	vmax.f32 v0, v12;
	v26 =	vmul.f32 v40, v26;
	v38 =	vmovc v23;
	v40 =	vmov v39;
	v20 =	vld.idx.msk [tilespmem:v20+s2+$0x0], $0xffff  }
0x1e9: {  	v14 =	vor.u32 v7, v14;
	v13 =	vmul.f32 v18, v13;
	v18 =	vmul.f32 v39, v29;
	v29 =	vld.idx.msk [tilespmem:v19+s2+$0x0], $0xffff  }
0x1ea: {  	v24 =	vmul.f32 v23, v24;
	v23 =	vor.u32 v6, v53;
	v39 =	vadd.f32 v27, v33;
	v27 =	vld.idx.msk [tilespmem:v35+s2+$0x0], $0xffff  }
0x1eb: {  	v61 =	vmax.f32 v31, v26;
	v30 =	vadd.f32 v30, v33;
	v31 =	vld [tilespmem:$0x1FF20];
	v19 =	vadd.f32 v25, v33  }
0x1ec: {  	v35 =	vor.u32 v6, v49;
	v12 =	vmax.f32 v61, v13;
	v61 =	vld.idx.msk [tilespmem:v37+s2+$0x0], $0xffff;
	v37 =	vor.u32 v6, v63  }
0x1ed: {  	v12 =	vmax.f32 v12, v24;
	v13 =	vmul.f32 v9, v39;
	v39 =	vld [tilespmem:$0x1FEE0];
	v24 =	vmul.f32 v43, v19  }
0x1ee: {  	v20 =	vadd.f32 v20, v33;
	v14 =	vld.idx.msk [tilespmem:v14+s2+$0x0], $0xffff;
	v12 =	vmax.f32 v12, v18;
	v29 =	vadd.f32 v29, v33  }
0x1ef: {  	v18 =	vmul.f32 v42, v30;
	v25 =	vld.idx.msk [tilespmem:v23+s2+$0x0], $0xffff;
	v27 =	vadd.f32 v27, v33;
	v12 =	vmax.f32 v12, v24  }
0x1f0: {  	v23 =	vmul.f32 v52, v29;
	v12 =	vmax.f32 v12, v13;
	v13 =	vmul.f32 v51, v20;
	v20 =	vld [tilespmem:$0x1FEF0]  }
0x1f1: {  	v26 =	vor.u32 v7, v8;
	v29 =	vld.idx.msk [tilespmem:v32+s2+$0x0], $0xffff;
	v61 =	vadd.f32 v61, v33;
	v12 =	vmax.f32 v12, v18  }
0x1f2: {  	v32 =	vld.idx.msk [tilespmem:v35+s2+$0x0], $0xffff;
	v12 =	vmax.f32 v12, v23;
	v23 =	vmul.f32 v48, v27  }
0x1f3: {  	v35 =	vmul.f32 v50, v61;
	v27 =	vld.idx.msk [tilespmem:v37+s2+$0x0], $0xffff;
	v12 =	vmax.f32 v12, v13  }
0x1f4: {  	v37 =	vld [tilespmem:$0x1FF10];
	v12 =	vmax.f32 v12, v23  }
0x1f5: {  	v18 =	vor.u32 v7, v20;
	v12 =	vmax.f32 v12, v35;
	v35 =	vld [tilespmem:$0x1FF30]  }
0x1f6: {  	v24 =	vld.idx.msk [tilespmem:v26+s2+$0x0], $0xffff;
	v30 =	vor.u32 v7, v39  }
0x1f7: {  	v19 =	vld [tilespmem:$0x1FED0];
	v13 =	vor.u32 v7, v34  }
0x1f8: {  	v10 =	vor.u32 v7, v55;
	v55 =	vld [tilespmem:$0x1FF70];
	v61 =	vadd.f32 v29, v33;
	v29 =	vor.u32 v7, v31  }
0x1f9: {  	v25 =	vadd.f32 v25, v33;
	v31 =	vld [tilespmem:$0x1FF60]  }
0x1fa: {  	v14 =	vadd.f32 v14, v36;
	v20 =	vor.u32 v7, v37;
	v18 =	vld.idx.msk [tilespmem:v18+s2+$0x0], $0xffff;
	v37 =	vor.u32 v7, v35  }
0x1fb: {  	v25 =	vmul.f32 v47, v25;
	v39 =	vadd.f32 v24, v36;
	v34 =	vadd.f32 v32, v33;
	v26 =	vld.idx.msk [tilespmem:v30+s2+$0x0], $0xffff  }
0x1fc: {  	v14 =	vmul.f32 v19, v14;
	v24 =	vmul.f32 v62, v61;
	v27 =	vadd.f32 v27, v33;
	v13 =	vld.idx.msk [tilespmem:v13+s2+$0x0], $0xffff  }
0x1fd: {  	v19 =	vmul.f32 v17, v39;
	v12 =	vmax.f32 v12, v25;
	v39 =	vmul.f32 v59, v34;
	v34 =	vld.idx.msk [tilespmem:v29+s2+$0x0], $0xffff  }
0x1fe: {  	v8 =	vmovc v9;
	v9 =	vor.u32 v7, v16;
	v12 =	vmax.f32 v12, v24;
	v61 =	vmul.f32 v60, v27;
	v29 =	vld [tilespmem:$0x1FF50]  }
0x1ff: {  	v12 =	vmax.f32 v12, v39;
	v35 =	vadd.f32 v18, v36;
	v18 =	vld.idx.msk [tilespmem:v37+s2+$0x0], $0xffff  }
0x200: {  	v12 =	vmax.f32 v12, v61;
	v37 =	vld [tilespmem:$0x1FF40]  }
0x201: {  	v46 =	vor.u32 v7, v46;
	v20 =	vld.idx.msk [tilespmem:v20+s2+$0x0], $0xffff;
	[tilespmem:s16+$0x60] =	vst v12  }
0x202: {  	v23 =	vld [tilespmem:s17+$0x70]  }
0x203: {  	v61 =	vor.u32 v7, v44;
	v32 =	vld.idx.msk [tilespmem:v9+s2+$0x0], $0xffff  }
0x204: {  	v0 =	vmax.f32 v0, v14;
	v30 =	vor.u32 v7, v41;
	v33 =	vadd.f32 v26, v36;
	v14 =	vld.idx.msk [tilespmem:v10+s2+$0x0], $0xffff  }
0x205: {  	v9 =	vld [tilespmem:$0x1FF80];
	v39 =	vor.u32 v7, v37  }
0x206: {  	v41 =	vor.u32 v7, v3;
	v0 =	vmax.f32 v0, v19;
	v27 =	vld.idx.msk [tilespmem:v46+s2+$0x0], $0xffff;
	v19 =	vmul.f32 v29, v33  }
0x207: {  	v13 =	vadd.f32 v13, v36;
	v46 =	vld [tilespmem:$0x1FFA0];
	v33 =	vadd.f32 v34, v36;
	v34 =	vor.u32 v7, v57  }
0x208: {  	v44 =	vor.u32 v7, v58;
	v10 =	vor.u32 v7, v15;
	v0 =	vmax.f32 v0, v19;
	v19 =	vld.idx.msk [tilespmem:v61+s2+$0x0], $0xffff  }
0x209: {  	v57 =	vor.u32 v7, v53;
	v13 =	vmul.f32 v55, v13;
	v12 =	vmul.f32 v31, v35;
	v35 =	vld.idx.msk [tilespmem:v30+s2+$0x0], $0xffff  }
0x20a: {  	v55 =	vor.u32 v7, v56;
	v20 =	vadd.f32 v20, v36;
	v37 =	vor.u32 v7, v54;
	v17 =	vld.idx.msk [tilespmem:v39+s2+$0x0], $0xffff  }
0x20b: {  	v56 =	vor.u32 v7, v28;
	v26 =	vadd.f32 v32, v23;
	v14 =	vadd.f32 v14, v23;
	v39 =	vld [tilespmem:$0x1FF90]  }
0x20c: {  	v58 =	vadd.f32 v27, v23;
	v32 =	vor.u32 v7, v21;
	v0 =	vmax.f32 v0, v12;
	v24 =	vld.idx.msk [tilespmem:v34+s2+$0x0], $0xffff  }
0x20d: {  	v12 =	vmul.f32 v9, v20;
	v34 =	vor.u32 v7, v49;
	v0 =	vmax.f32 v0, v13;
	v54 =	vld.idx.msk [tilespmem:v10+s2+$0x0], $0xffff  }
0x20e: {  	v18 =	vadd.f32 v18, v36;
	v26 =	vmul.f32 v22, v26;
	v14 =	vmul.f32 v11, v14  }
0x20f: {  	v0 =	vmax.f32 v0, v12;
	v19 =	vadd.f32 v19, v23;
	v12 =	vadd.f32 v35, v23;
	v25 =	vld.idx.msk [tilespmem:v37+s2+$0x0], $0xffff  }
0x210: {  	v61 =	vld.idx.msk [tilespmem:v41+s2+$0x0], $0xffff;
	v14 =	vmax.f32 v26, v14;
	v26 =	vmul.f32 v38, v58;
	v13 =	vmul.f32 v39, v33  }
0x211: {  	v35 =	vor.u32 v7, v63;
	v12 =	vmul.f32 v45, v12;
	v37 =	vadd.f32 v24, v23;
	v33 =	vld.idx.msk [tilespmem:v44+s2+$0x0], $0xffff  }
0x212: {  	v20 =	vld.idx.msk [tilespmem:v55+s2+$0x0], $0xffff;
	v0 =	vmax.f32 v0, v13;
	v13 =	vmul.f32 v46, v18;
	v18 =	vadd.f32 v54, v23  }
0x213: {  	v15 =	vld.idx.msk [tilespmem:v56+s2+$0x0], $0xffff;
	v12 =	vmax.f32 v14, v12;
	v17 =	vadd.f32 v17, v36;
	v36 =	vmul.f32 v40, v19  }
0x214: {  	v22 =	vld.idx.msk [tilespmem:v57+s2+$0x0], $0xffff;
	v12 =	vmax.f32 v12, v26;
	v38 =	vadd.f32 v25, v23;
	v18 =	vmul.f32 v43, v18  }
0x215: {  	v41 =	vadd.f32 v61, v23;
	v11 =	vld.idx.msk [tilespmem:v32+s2+$0x0], $0xffff;
	v40 =	vmul.f32 v8, v37;
	v12 =	vmax.f32 v12, v36  }
0x216: {  	v21 =	vld.idx.msk [tilespmem:v34+s2+$0x0], $0xffff;
	v43 =	vmul.f32 v42, v38;
	v44 =	vadd.f32 v33, v23;
	v12 =	vmax.f32 v12, v18  }
0x217: {  	v45 =	vmul.f32 v52, v41;
	v49 =	vld.idx.msk [tilespmem:v35+s2+$0x0], $0xffff;
	v46 =	vadd.f32 v20, v23;
	v12 =	vmax.f32 v12, v40  }
0x218: {  	v58 =	vld [tilespmem:$0x1FFB0];
	v15 =	vadd.f32 v15, v23;
	v52 =	vmul.f32 v51, v44;
	v12 =	vmax.f32 v12, v43  }
0x219: {  	v54 =	vadd.f32 v22, v23;
	v53 =	vmul.f32 v48, v46;
	v12 =	vmax.f32 v12, v45  }
0x21a: {  	v15 =	vmul.f32 v50, v15;
	v11 =	vadd.f32 v11, v23;
	v12 =	vmax.f32 v12, v52  }
0x21b: {  	s14 =	sadd.s32 $0x2, s14;
	v56 =	vadd.f32 v21, v23;
	v55 =	vmul.f32 v47, v54;
	v12 =	vmax.f32 v12, v53  }
0x21c: {  	p0 =	slt.u32 s14, $0x3E;
	v8 =	vmul.f32 v62, v11;
	v57 =	vadd.f32 v49, v23;
	v12 =	vmax.f32 v12, v15  }
.Ltmp0:
0x21d: {  	v62 =	vmul.f32 v59, v56;
	v61 =	vmul.f32 v58, v17;
	v12 =	vmax.f32 v12, v55;
	(pc) =	sbr.rel @p0 .LBB2_2-.Ltmp0, $4  }
0x21e: {  	v0 =	vmax.f32 v0, v13;
	v63 =	vmul.f32 v60, v57;
	v8 =	vmax.f32 v12, v8  }
0x21f: {  	v2 =	vld [tilespmem:$0x1FFD0];
	v0 =	vmax.f32 v0, v61;
	v8 =	vmax.f32 v8, v62  }
0x220: {  	s15 =	sadd.s32 $0x100, s15;
	v1 =	vld [tilespmem:$0x1FFC0];
	[tilespmem:s16+$0xFFFFFFF0] =	vst v0;
	v0 =	vmax.f32 v8, v63  }
0x221: {  	s18 =	sadd.s32 $0x200, s18;
	v3 =	vld [tilespmem:$0x1FFE0];
	s17 =	sadd.s32 $0x100, s17;
	v39 =	vlaneseq.u32;
	[tilespmem:s16+$0x70] =	vst v0;
	s16 =	sadd.s32 $0x100, s16  }
0x222: {  	s13 =	sadd.s32 $0x1, s13  }
0x223: {  	p0 =	sne.s32 s13, s7  }
.Ltmp1:
0x224: {  	_ = 	snop;
	(pc) =	sbr.rel @p0 .LBB2_1-.Ltmp1, $4  }
0x225: {  	[hbm4b:s6+s2] =	stream.linear.scatter [tilespmem:s12], [sflag:$0x2], $0x2000, $0x38;
	[tilespmem:$0x18000] =	vst v63  }
0x226: {  	_ =	swait.ge [sflag:s9], $0x2000  }
0x227: {  	[sflag:s9] =	ssyncset.done $0x0  }
0x228: {  	[sflag:s9] =	ssyncadd.s32 $0xFFFFE000  }
0x229: {  	_ =	sfence.sel $0x180000  }
0x22a: {  	[bflag:$0x0] =	sbarrier.arrive $0xFFFF  }
0x22b: {  	p0 =	sne.s32 s0, $0x0;
	_ =	strace $0x90000047  }
0x22c: {  	s0 =	sadd.s32 @!p0 $0x100000, s1;
	[bflag:$0x2] =	sbarrier.arrive $0xFFFF  }
0x22d: {  	[sflag:s0] =	ssyncadd.tile.s32 @!p0 $0x1;
	_ =	shalt  }
.Lfunc_end2:
_tile_overlayer_lowered:
.L_overlay_start_2:
0x22e: {  	(tag) =	ssettag $0x2  }
0x22f: {  	s0 =	rddreg [dreg:$0x0];
	s2 =	stileid.u32  }
0x230: {  	s1 =	rddreg [dreg:$0x1];
	p0 =	sne.s32 s2, $0x0  }
0x231: {  	s3 =	rddreg [dreg:$0x2];
	[bflag:$0x3] =	sbarrier.arrive $0xFFFF;
	s2 =	simm.s32 @!p0 $0x1C02  }
0x232: {  	[timem:s3], [sflag:s2] =	dma.local @!p0 [hbm:s0], s1  }
0x233: {  	s0 =	simm.s32 @!p0 $0x2  }
0x234: {  	_ =	swait.ge @!p0 [sflag:s0], s1  }
0x235: {  	s1 =	ssub.s32 @!p0 $0x0, s1;
	[sflag:s0] =	ssyncset.done @!p0 $0x0  }
0x236: {  	[sflag:s0] =	ssyncadd.s32 @!p0 s1  }
0x237: {  	[bflag:$0x3] =	sbarrier.arrive $0xFFFF  }
0x238: {  	_ =	shalt  }

</sc_bundles>
